<compile_context>
chip_gen: v7x
topology: tpu7x:2x2x1
jax: 0.10.2.dev20260603
libtpu: 0.0.44.dev20260713+nightly
codegen_flags: <defaults>
</compile_context>

<pallas_src>
import functools
import jax
import jax.numpy as jnp
from jax import lax
from jax.experimental import pallas as pl
from jax.experimental.pallas import tpu as pltpu
from jax.experimental.pallas import tpu_sc as plsc

S = 32
L = 1024
K = 1000
D = 64
TOPK = 64
NEG_INF = float("-inf")

_HI = jax.lax.Precision.HIGHEST


def _first_argmax(v, iota):
    m = jnp.max(v, axis=-1, keepdims=True)
    return jnp.min(jnp.where(v == m, iota, v.shape[-1]), axis=-1)


def _first_argmin(v, iota):
    m = jnp.min(v, axis=-1, keepdims=True)
    return jnp.min(jnp.where(v == m, iota, v.shape[-1]), axis=-1)


def _kth_largest(x, k):
    lo = jnp.min(x, axis=-1, keepdims=True) - 1.0
    hi = jnp.max(x, axis=-1, keepdims=True) + 1.0

    def body(_, carry):
        lo, hi = carry
        mid = 0.5 * (lo + hi)
        cnt = jnp.sum((x >= mid).astype(jnp.int32), axis=-1, keepdims=True)
        pred = cnt >= k
        return (jnp.where(pred, mid, lo), jnp.where(pred, hi, mid))

    lo, hi = lax.fori_loop(0, 36, body, (lo, hi))
    return lo


def _k1_body(frames_ref, cb_ref, p0_ref, p1_ref, filt0_ref, filt1_ref):
    f = frames_ref[...]
    cb = cb_ref[...]
    fn = jnp.sum(f * f, axis=-1, keepdims=True)
    cn = jnp.sum(cb * cb, axis=-1)[None, :]
    fc = lax.dot_general(f, cb, (((1,), (1,)), ((), ())),
                         preferred_element_type=jnp.float32)
    d2 = fn - 2.0 * fc + cn
    iota_k = lax.broadcasted_iota(jnp.int32, (L, K), 1)
    codes = _first_argmin(d2, iota_k)
    onehot = (codes[:, None] == iota_k).astype(jnp.float32)

    for p_ref, filt_ref in ((p0_ref, filt0_ref), (p1_ref, filt1_ref)):
        logits = jnp.dot(onehot, p_ref[...], precision=_HI,
                         preferred_element_type=jnp.float32)
        kth = _kth_largest(logits, TOPK)
        filt_ref[...] = jnp.where(logits >= kth, logits, NEG_INF)


def _k2_body(u0_ref, u1_ref, filt0_ref, filt1_ref, x0_ref, x1_ref):
    iota_k = lax.broadcasted_iota(jnp.int32, (u0_ref.shape[1], K), 1)
    for u_ref, filt_ref, x_ref in ((u0_ref, filt0_ref, x0_ref),
                                   (u1_ref, filt1_ref, x1_ref)):
        u = u_ref[0]
        g = -jnp.log(-jnp.log(u + 1e-9) + 1e-9)
        v = filt_ref[...] + g
        x_ref[0, 0, :] = _first_argmax(v, iota_k)


def _sc_err_body(x0_hbm, x1_hbm, cb_hbm, frames_hbm, err_hbm,
                 x0_v, x1_v, a_v, b_v, m_v, out_v, sem):
    s = lax.axis_index("c") * 16 + lax.axis_index("s")
    pltpu.sync_copy(x0_hbm.at[s], x0_v)
    pltpu.sync_copy(x1_hbm.at[s], x1_v)
    acc = jnp.zeros((16,), jnp.float32)
    for j in range(8):
        ca = pltpu.async_copy(cb_hbm.at[x0_v.at[j]], a_v, sem)
        cb_ = pltpu.async_copy(cb_hbm.at[x1_v.at[j]], b_v, sem)
        cm = pltpu.async_copy(frames_hbm.at[pl.ds(j * 128, 128)], m_v, sem)
        ca.wait()
        cb_.wait()
        cm.wait()

        def chunk(r, acc):
            out = acc
            for c in range(4):
                csl = pl.ds(c * 16, 16)
                a = a_v[r, csl]
                b = b_v[r, csl]
                m = m_v[r, csl]
                q = 0.5 * a + 0.5 * b
                out = out + (q * q - 2.0 * q * m)
            return out

        acc = lax.fori_loop(0, 128, chunk, acc)
    out_v[...] = acc
    pltpu.sync_copy(out_v, err_hbm.at[s])


_sc_mesh = plsc.VectorSubcoreMesh(core_axis_name="c", subcore_axis_name="s")

_sc_err = functools.partial(
    pl.kernel,
    mesh=_sc_mesh,
    out_type=jax.ShapeDtypeStruct((S, 16), jnp.float32),
    scratch_types=[
        pltpu.VMEM((8, 128), jnp.int32),
        pltpu.VMEM((8, 128), jnp.int32),
        pltpu.VMEM((128, 128), jnp.float32),
        pltpu.VMEM((128, 128), jnp.float32),
        pltpu.VMEM((128, D), jnp.float32),
        pltpu.VMEM((16,), jnp.float32),
        pltpu.SemaphoreType.DMA,
    ],
)(_sc_err_body)


def _k4_body(err_ref, x0_ref, x1_ref, cb_ref, out_ref):
    err = jnp.sum(err_ref[...], axis=-1)
    iota_s = lax.broadcasted_iota(jnp.int32, (1, S), 1)
    best = _first_argmin(err[None, :], iota_s)[0]
    sel = (iota_s == best).astype(jnp.int32)[0][:, None]
    cb = cb_ref[...]
    iota_k = lax.broadcasted_iota(jnp.int32, (L, K), 1)
    for i, x_ref in enumerate((x0_ref, x1_ref)):
        x = jnp.sum(x_ref[:, 0, :] * sel, axis=0)
        oh = (x[:, None] == iota_k).astype(jnp.float32)
        out_ref[i] = jnp.dot(oh, cb, precision=_HI,
                             preferred_element_type=jnp.float32)


@jax.jit
def kernel(mixture, u0, u1, codebook, prior0, prior1):
    frames = mixture.reshape(L, D)

    filt0, filt1 = pl.pallas_call(
        _k1_body,
        out_shape=[jax.ShapeDtypeStruct((L, K), jnp.float32)] * 2,
    )(frames, codebook, prior0, prior1)


    TL = 1024
    T = L // TL
    x0, x1 = pl.pallas_call(
        _k2_body,
        grid=(T, S),
        in_specs=[
            pl.BlockSpec((1, TL, K), lambda t, s: (s, t, 0)),
            pl.BlockSpec((1, TL, K), lambda t, s: (s, t, 0)),
            pl.BlockSpec((TL, K), lambda t, s: (t, 0)),
            pl.BlockSpec((TL, K), lambda t, s: (t, 0)),
        ],
        out_specs=[
            pl.BlockSpec((1, 1, TL), lambda t, s: (s, 0, t)),
            pl.BlockSpec((1, 1, TL), lambda t, s: (s, 0, t)),
        ],
        out_shape=[jax.ShapeDtypeStruct((S, 1, L), jnp.int32)] * 2,
    )(u0, u1, filt0, filt1)

    cb_pad = jnp.pad(codebook, ((0, 0), (0, 128 - D)))
    err = _sc_err(x0.reshape(S, 8, 128), x1.reshape(S, 8, 128),
                  cb_pad, frames)

    out = pl.pallas_call(
        _k4_body,
        out_shape=jax.ShapeDtypeStruct((2, L, D), jnp.float32),
    )(err, x0, x1, codebook)

    return out.reshape(2, L * D)

# --- scband reference (transcript-rebuilt; emitter-appended) ---
"""Pipeline reference for scband-topk-separator-1065151889563 (READ-ONLY COPY).

The authoritative reference and input builder live on the scoring server;
editing this copy changes nothing except your own understanding.
"""

import jax, jax.numpy as jnp
import numpy as np

NUM_SAMPLES = 32
TEMPERATURE = 1.0
TOP_K = 64
K_CODES = 1000
CODE_DIM = 64
L_FRAMES = 1024


def setup_inputs(seed: int = 0) -> dict:
    key = jax.random.key(seed)
    k1, k2, k3, k4, k5, k6 = jax.random.split(key, 6)
    mixture = jax.random.normal(k1, (L_FRAMES * CODE_DIM,), dtype=jnp.float32)
    u0 = jax.random.uniform(k2, (NUM_SAMPLES, L_FRAMES, K_CODES), dtype=jnp.float32)
    u1 = jax.random.uniform(k3, (NUM_SAMPLES, L_FRAMES, K_CODES), dtype=jnp.float32)
    codebook = jax.random.normal(k4, (K_CODES, CODE_DIM), dtype=jnp.float32)
    prior0 = jax.random.normal(k5, (K_CODES, K_CODES), dtype=jnp.float32)
    prior1 = jax.random.normal(k6, (K_CODES, K_CODES), dtype=jnp.float32)
    return {"mixture": mixture, "u0": u0, "u1": u1, "codebook": codebook,
            "prior0": prior0, "prior1": prior1}


def reference(mixture, u0, u1, codebook, prior0, prior1):
    # encode_fn: vector-quantize mixture frames against codebook (nearest neighbor)
    frames = mixture.reshape(L_FRAMES, CODE_DIM)
    d2 = ((frames * frames).sum(-1, keepdims=True)
          - 2.0 * frames @ codebook.T
          + (codebook * codebook).sum(-1)[None, :])
    codes = jnp.argmin(d2, axis=-1)  # [L] int mixture codes

    def sample_source(prior, u):
        # prior logits conditioned on mixture codes, temperature + top-k filtering
        logits = jnp.take(prior, codes, axis=0) / TEMPERATURE  # [L, K]
        kth = jax.lax.top_k(logits, TOP_K)[0][:, -1:]          # k-th largest per position
        filt = jnp.where(logits >= kth, logits, -jnp.inf)
        # Gumbel-max sampling of NUM_SAMPLES candidates per position
        g = -jnp.log(-jnp.log(u + 1e-9) + 1e-9)                # [S, L, K]
        return jnp.argmax(filt[None, :, :] + g, axis=-1)       # [S, L]

    x_0 = sample_source(prior0, u0)
    x_1 = sample_source(prior1, u1)

    # decode_fn: codebook lookup, flatten to waveform domain
    res_0 = jnp.take(codebook, x_0, axis=0).reshape(NUM_SAMPLES, -1)
    res_1 = jnp.take(codebook, x_1, axis=0).reshape(NUM_SAMPLES, -1)

    # pick candidate whose mixture reconstruction best matches the input
    err = jnp.linalg.norm(0.5 * res_0 + 0.5 * res_1 - mixture[None, :], ord=2, axis=-1)
    best_idx = jnp.argmin(err)

    s0 = jnp.take(codebook, x_0[best_idx], axis=0).reshape(-1)
    s1 = jnp.take(codebook, x_1[best_idx], axis=0).reshape(-1)
    return jnp.stack([s0, s1], axis=0)  # [2, L*D] separated sources

if __name__ == "__main__":
    import jax
    _d = setup_inputs()
    print(jax.jit(kernel)(*tuple(_d.values())))

</pallas_src>

<mosaic_0001>
#map = affine_map<(d0, d1) -> (0, 0, 0)>
#map1 = affine_map<(d0, d1) -> (0, 0)>
module attributes {stable_mosaic.version = 14 : i64} {
  func.func @_sc_err_body(%arg0: i32, %arg1: i32, %arg2: memref<32x8x128xi32, #tpu.memory_space<hbm>>, %arg3: memref<32x8x128xi32, #tpu.memory_space<hbm>>, %arg4: memref<1000x128xf32, #tpu.memory_space<hbm>>, %arg5: memref<1024x64xf32, #tpu.memory_space<hbm>>, %arg6: memref<32x16xf32, #tpu.memory_space<hbm>>, %arg7: memref<8x128xi32, #tpu.memory_space<vmem>>, %arg8: memref<8x128xi32, #tpu.memory_space<vmem>>, %arg9: memref<128x128xf32, #tpu.memory_space<vmem>>, %arg10: memref<128x128xf32, #tpu.memory_space<vmem>>, %arg11: memref<128x64xf32, #tpu.memory_space<vmem>>, %arg12: memref<16xf32, #tpu.memory_space<vmem>>, %arg13: memref<!tpu.dma_semaphore, #tpu.memory_space<semaphore_mem>>) attributes {dimension_semantics = [#tpu.dimension_semantics<core_parallel>, #tpu.dimension_semantics<subcore_parallel>], iteration_bounds = array<i64: 2, 16>, scalar_prefetch = 0 : i64, scratch_operands = 7 : i64, tpu.core_type = #tpu.core_type<sc_vector_subcore>, window_params = [{transform_indices = #map}, {transform_indices = #map}, {transform_indices = #map1}, {transform_indices = #map1}, {transform_indices = #map1}]} {
    %mul3A = arith.constant 16 : i32
    %mul3A_0 = arith.muli %arg0, %mul3A : i32
    %add3A = arith.addi %mul3A_0, %arg1 : i32
    "tpu.region"() ({
      %run_scoped3A = tpu.sem_alloc : memref<!tpu.dma_semaphore, #tpu.memory_space<semaphore_mem>>
      %dma_start3A_370 = arith.constant 0 : i32
      %dma_start3A_371 = arith.constant 0 : i32
      %dma_start3A_372 = tpu.memref_slice %arg2[%add3A, %dma_start3A_370, %dma_start3A_371] : memref<32x8x128xi32, #tpu.memory_space<hbm>> -> memref<1x8x128xi32, #tpu.memory_space<hbm>>
      %dma_start3A_373 = tpu.memref_squeeze %dma_start3A_372 : memref<1x8x128xi32, #tpu.memory_space<hbm>> -> memref<8x128xi32, #tpu.memory_space<hbm>>
      %dma_start3A_374 = arith.constant 0 : i32
      %dma_start3A_375 = arith.constant 0 : i32
      %dma_start3A_376 = tpu.memref_slice %arg2[%add3A, %dma_start3A_374, %dma_start3A_375] : memref<32x8x128xi32, #tpu.memory_space<hbm>> -> memref<1x8x128xi32, #tpu.memory_space<hbm>>
      %dma_start3A_377 = tpu.memref_squeeze %dma_start3A_376 : memref<1x8x128xi32, #tpu.memory_space<hbm>> -> memref<8x128xi32, #tpu.memory_space<hbm>>
      tpu.enqueue_dma source(%dma_start3A_377 : memref<8x128xi32, #tpu.memory_space<hbm>>) target(%arg7 : memref<8x128xi32, #tpu.memory_space<vmem>>) target_semaphore(%run_scoped3A : memref<!tpu.dma_semaphore, #tpu.memory_space<semaphore_mem>>)
      %dma_wait3A_378 = arith.constant 0 : i32
      %dma_wait3A_379 = arith.constant 0 : i32
      %dma_wait3A_380 = tpu.memref_slice %arg2[%add3A, %dma_wait3A_378, %dma_wait3A_379] : memref<32x8x128xi32, #tpu.memory_space<hbm>> -> memref<1x8x128xi32, #tpu.memory_space<hbm>>
      %dma_wait3A_381 = tpu.memref_squeeze %dma_wait3A_380 : memref<1x8x128xi32, #tpu.memory_space<hbm>> -> memref<8x128xi32, #tpu.memory_space<hbm>>
      %dma_wait3A_382 = arith.constant 0 : i32
      %dma_wait3A_383 = arith.constant 0 : i32
      %dma_wait3A_384 = tpu.memref_slice %arg2[%add3A, %dma_wait3A_382, %dma_wait3A_383] : memref<32x8x128xi32, #tpu.memory_space<hbm>> -> memref<1x8x128xi32, #tpu.memory_space<hbm>>
      %dma_wait3A_385 = tpu.memref_squeeze %dma_wait3A_384 : memref<1x8x128xi32, #tpu.memory_space<hbm>> -> memref<8x128xi32, #tpu.memory_space<hbm>>
      tpu.wait_dma2 semaphore(%run_scoped3A : memref<!tpu.dma_semaphore, #tpu.memory_space<semaphore_mem>>) src(%dma_wait3A_385 : memref<8x128xi32, #tpu.memory_space<hbm>>) dst(%arg7 : memref<8x128xi32, #tpu.memory_space<vmem>>)
      tpu.yield
    }) : () -> ()
    "tpu.region"() ({
      %run_scoped3A = tpu.sem_alloc : memref<!tpu.dma_semaphore, #tpu.memory_space<semaphore_mem>>
      %dma_start3A_370 = arith.constant 0 : i32
      %dma_start3A_371 = arith.constant 0 : i32
      %dma_start3A_372 = tpu.memref_slice %arg3[%add3A, %dma_start3A_370, %dma_start3A_371] : memref<32x8x128xi32, #tpu.memory_space<hbm>> -> memref<1x8x128xi32, #tpu.memory_space<hbm>>
      %dma_start3A_373 = tpu.memref_squeeze %dma_start3A_372 : memref<1x8x128xi32, #tpu.memory_space<hbm>> -> memref<8x128xi32, #tpu.memory_space<hbm>>
      %dma_start3A_374 = arith.constant 0 : i32
      %dma_start3A_375 = arith.constant 0 : i32
      %dma_start3A_376 = tpu.memref_slice %arg3[%add3A, %dma_start3A_374, %dma_start3A_375] : memref<32x8x128xi32, #tpu.memory_space<hbm>> -> memref<1x8x128xi32, #tpu.memory_space<hbm>>
      %dma_start3A_377 = tpu.memref_squeeze %dma_start3A_376 : memref<1x8x128xi32, #tpu.memory_space<hbm>> -> memref<8x128xi32, #tpu.memory_space<hbm>>
      tpu.enqueue_dma source(%dma_start3A_377 : memref<8x128xi32, #tpu.memory_space<hbm>>) target(%arg8 : memref<8x128xi32, #tpu.memory_space<vmem>>) target_semaphore(%run_scoped3A : memref<!tpu.dma_semaphore, #tpu.memory_space<semaphore_mem>>)
      %dma_wait3A_378 = arith.constant 0 : i32
      %dma_wait3A_379 = arith.constant 0 : i32
      %dma_wait3A_380 = tpu.memref_slice %arg3[%add3A, %dma_wait3A_378, %dma_wait3A_379] : memref<32x8x128xi32, #tpu.memory_space<hbm>> -> memref<1x8x128xi32, #tpu.memory_space<hbm>>
      %dma_wait3A_381 = tpu.memref_squeeze %dma_wait3A_380 : memref<1x8x128xi32, #tpu.memory_space<hbm>> -> memref<8x128xi32, #tpu.memory_space<hbm>>
      %dma_wait3A_382 = arith.constant 0 : i32
      %dma_wait3A_383 = arith.constant 0 : i32
      %dma_wait3A_384 = tpu.memref_slice %arg3[%add3A, %dma_wait3A_382, %dma_wait3A_383] : memref<32x8x128xi32, #tpu.memory_space<hbm>> -> memref<1x8x128xi32, #tpu.memory_space<hbm>>
      %dma_wait3A_385 = tpu.memref_squeeze %dma_wait3A_384 : memref<1x8x128xi32, #tpu.memory_space<hbm>> -> memref<8x128xi32, #tpu.memory_space<hbm>>
      tpu.wait_dma2 semaphore(%run_scoped3A : memref<!tpu.dma_semaphore, #tpu.memory_space<semaphore_mem>>) src(%dma_wait3A_385 : memref<8x128xi32, #tpu.memory_space<hbm>>) dst(%arg8 : memref<8x128xi32, #tpu.memory_space<vmem>>)
      tpu.yield
    }) : () -> ()
    %broadcast_in_dim3A = arith.constant 0.000000e+00 : f32
    %broadcast_in_dim3A_1 = vector.broadcast %broadcast_in_dim3A : f32 to vector<16xf32>
    %dma_start3A = arith.constant 0 : i32
    %dma_start3A_2 = arith.constant 0 : i32
    %dma_start3A_3 = tpu.memref_slice %arg7[%dma_start3A, %dma_start3A_2] : memref<8x128xi32, #tpu.memory_space<vmem>> -> memref<1x128xi32, #tpu.memory_space<vmem>>
    %dma_start3A_4 = tpu.memref_squeeze %dma_start3A_3 : memref<1x128xi32, #tpu.memory_space<vmem>> -> memref<128xi32, #tpu.memory_space<vmem>>
    %dma_start3A_5 = arith.constant 0 : i32
    %dma_start3A_6 = arith.constant 0 : i32
    %dma_start3A_7 = tpu.memref_slice %arg4[%dma_start3A_5, %dma_start3A_6] : memref<1000x128xf32, #tpu.memory_space<hbm>> -> memref<1000x128xf32, #tpu.memory_space<hbm>>
    tpu.enqueue_indirect_dma source(%dma_start3A_7 : memref<1000x128xf32, #tpu.memory_space<hbm>>) target(%arg9 : memref<128x128xf32, #tpu.memory_space<vmem>>) offsets(%dma_start3A_4 : memref<128xi32, #tpu.memory_space<vmem>>) semaphore(%arg13 : memref<!tpu.dma_semaphore, #tpu.memory_space<semaphore_mem>>)
    %dma_start3A_8 = arith.constant 0 : i32
    %dma_start3A_9 = arith.constant 0 : i32
    %dma_start3A_10 = tpu.memref_slice %arg8[%dma_start3A_8, %dma_start3A_9] : memref<8x128xi32, #tpu.memory_space<vmem>> -> memref<1x128xi32, #tpu.memory_space<vmem>>
    %dma_start3A_11 = tpu.memref_squeeze %dma_start3A_10 : memref<1x128xi32, #tpu.memory_space<vmem>> -> memref<128xi32, #tpu.memory_space<vmem>>
    %dma_start3A_12 = arith.constant 0 : i32
    %dma_start3A_13 = arith.constant 0 : i32
    %dma_start3A_14 = tpu.memref_slice %arg4[%dma_start3A_12, %dma_start3A_13] : memref<1000x128xf32, #tpu.memory_space<hbm>> -> memref<1000x128xf32, #tpu.memory_space<hbm>>
    tpu.enqueue_indirect_dma source(%dma_start3A_14 : memref<1000x128xf32, #tpu.memory_space<hbm>>) target(%arg10 : memref<128x128xf32, #tpu.memory_space<vmem>>) offsets(%dma_start3A_11 : memref<128xi32, #tpu.memory_space<vmem>>) semaphore(%arg13 : memref<!tpu.dma_semaphore, #tpu.memory_space<semaphore_mem>>)
    %dma_start3A_15 = arith.constant 0 : i32
    %dma_start3A_16 = arith.constant 0 : i32
    %dma_start3A_17 = tpu.memref_slice %arg5[%dma_start3A_15, %dma_start3A_16] : memref<1024x64xf32, #tpu.memory_space<hbm>> -> memref<128x64xf32, #tpu.memory_space<hbm>>
    %dma_start3A_18 = arith.constant 0 : i32
    %dma_start3A_19 = arith.constant 0 : i32
    %dma_start3A_20 = tpu.memref_slice %arg5[%dma_start3A_18, %dma_start3A_19] : memref<1024x64xf32, #tpu.memory_space<hbm>> -> memref<128x64xf32, #tpu.memory_space<hbm>>
    tpu.enqueue_dma source(%dma_start3A_20 : memref<128x64xf32, #tpu.memory_space<hbm>>) target(%arg11 : memref<128x64xf32, #tpu.memory_space<vmem>>) target_semaphore(%arg13 : memref<!tpu.dma_semaphore, #tpu.memory_space<semaphore_mem>>)
    %dma_wait3A = arith.constant 0 : i32
    %dma_wait3A_21 = arith.constant 0 : i32
    %dma_wait3A_22 = tpu.memref_slice %arg7[%dma_wait3A, %dma_wait3A_21] : memref<8x128xi32, #tpu.memory_space<vmem>> -> memref<1x128xi32, #tpu.memory_space<vmem>>
    %dma_wait3A_23 = tpu.memref_squeeze %dma_wait3A_22 : memref<1x128xi32, #tpu.memory_space<vmem>> -> memref<128xi32, #tpu.memory_space<vmem>>
    %dma_wait3A_24 = arith.constant 0 : i32
    %dma_wait3A_25 = arith.constant 0 : i32
    %dma_wait3A_26 = tpu.memref_slice %arg4[%dma_wait3A_24, %dma_wait3A_25] : memref<1000x128xf32, #tpu.memory_space<hbm>> -> memref<1000x128xf32, #tpu.memory_space<hbm>>
    tpu.wait_indirect_dma semaphore(%arg13 : memref<!tpu.dma_semaphore, #tpu.memory_space<semaphore_mem>>) src(%dma_wait3A_26 : memref<1000x128xf32, #tpu.memory_space<hbm>>) dst(%arg9 : memref<128x128xf32, #tpu.memory_space<vmem>>)
    %dma_wait3A_27 = arith.constant 0 : i32
    %dma_wait3A_28 = arith.constant 0 : i32
    %dma_wait3A_29 = tpu.memref_slice %arg8[%dma_wait3A_27, %dma_wait3A_28] : memref<8x128xi32, #tpu.memory_space<vmem>> -> memref<1x128xi32, #tpu.memory_space<vmem>>
    %dma_wait3A_30 = tpu.memref_squeeze %dma_wait3A_29 : memref<1x128xi32, #tpu.memory_space<vmem>> -> memref<128xi32, #tpu.memory_space<vmem>>
    %dma_wait3A_31 = arith.constant 0 : i32
    %dma_wait3A_32 = arith.constant 0 : i32
    %dma_wait3A_33 = tpu.memref_slice %arg4[%dma_wait3A_31, %dma_wait3A_32] : memref<1000x128xf32, #tpu.memory_space<hbm>> -> memref<1000x128xf32, #tpu.memory_space<hbm>>
    tpu.wait_indirect_dma semaphore(%arg13 : memref<!tpu.dma_semaphore, #tpu.memory_space<semaphore_mem>>) src(%dma_wait3A_33 : memref<1000x128xf32, #tpu.memory_space<hbm>>) dst(%arg10 : memref<128x128xf32, #tpu.memory_space<vmem>>)
    %dma_wait3A_34 = arith.constant 0 : i32
    %dma_wait3A_35 = arith.constant 0 : i32
    %dma_wait3A_36 = tpu.memref_slice %arg5[%dma_wait3A_34, %dma_wait3A_35] : memref<1024x64xf32, #tpu.memory_space<hbm>> -> memref<128x64xf32, #tpu.memory_space<hbm>>
    %dma_wait3A_37 = arith.constant 0 : i32
    %dma_wait3A_38 = arith.constant 0 : i32
    %dma_wait3A_39 = tpu.memref_slice %arg5[%dma_wait3A_37, %dma_wait3A_38] : memref<1024x64xf32, #tpu.memory_space<hbm>> -> memref<128x64xf32, #tpu.memory_space<hbm>>
    tpu.wait_dma2 semaphore(%arg13 : memref<!tpu.dma_semaphore, #tpu.memory_space<semaphore_mem>>) src(%dma_wait3A_39 : memref<128x64xf32, #tpu.memory_space<hbm>>) dst(%arg11 : memref<128x64xf32, #tpu.memory_space<vmem>>)
    %scan3A = arith.constant 0 : i32
    %scan3A_40 = arith.constant 128 : i32
    %scan3A_41 = arith.addi %scan3A, %scan3A_40 : i32
    %scan3A_42 = arith.constant 1 : i32
    %scan3A_43 = scf.for %scan3A_370 = %scan3A to %scan3A_41 step %scan3A_42 iter_args(%scan3A_371 = %broadcast_in_dim3A_1) -> (vector<16xf32>)  : i32 {
      %get3A = arith.index_cast %scan3A_370 : i32 to index
      %get3A_372 = arith.constant 0 : index
      %get3A_373 = tpu.vector_load %arg9[%get3A, %get3A_372] {strides = array<i32>} : memref<128x128xf32, #tpu.memory_space<vmem>>, vector<1x16xf32>,
      %get3A_374 = vector.shape_cast %get3A_373 : vector<1x16xf32> to vector<16xf32>
      %get3A_375 = arith.index_cast %scan3A_370 : i32 to index
      %get3A_376 = arith.constant 0 : index
      %get3A_377 = tpu.vector_load %arg10[%get3A_375, %get3A_376] {strides = array<i32>} : memref<128x128xf32, #tpu.memory_space<vmem>>, vector<1x16xf32>,
      %get3A_378 = vector.shape_cast %get3A_377 : vector<1x16xf32> to vector<16xf32>
      %get3A_379 = arith.index_cast %scan3A_370 : i32 to index
      %get3A_380 = arith.constant 0 : index
      %get3A_381 = tpu.vector_load %arg11[%get3A_379, %get3A_380] {strides = array<i32>} : memref<128x64xf32, #tpu.memory_space<vmem>>, vector<1x16xf32>,
      %get3A_382 = vector.shape_cast %get3A_381 : vector<1x16xf32> to vector<16xf32>
      %mul3A_383 = arith.constant 5.000000e-01 : f32
      %mul3A_384 = vector.broadcast %mul3A_383 : f32 to vector<16xf32>
      %mul3A_385 = arith.mulf %mul3A_384, %get3A_374 : vector<16xf32>
      %mul3A_386 = arith.constant 5.000000e-01 : f32
      %mul3A_387 = vector.broadcast %mul3A_386 : f32 to vector<16xf32>
      %mul3A_388 = arith.mulf %mul3A_387, %get3A_378 : vector<16xf32>
      %add3A_389 = arith.addf %mul3A_385, %mul3A_388 : vector<16xf32>
      %mul3A_390 = arith.mulf %add3A_389, %add3A_389 : vector<16xf32>
      %mul3A_391 = arith.constant 2.000000e+00 : f32
      %mul3A_392 = vector.broadcast %mul3A_391 : f32 to vector<16xf32>
      %mul3A_393 = arith.mulf %mul3A_392, %add3A_389 : vector<16xf32>
      %mul3A_394 = arith.mulf %mul3A_393, %get3A_382 : vector<16xf32>
      %sub3A = arith.subf %mul3A_390, %mul3A_394 : vector<16xf32>
      %add3A_395 = arith.addf %scan3A_371, %sub3A : vector<16xf32>
      %get3A_396 = arith.index_cast %scan3A_370 : i32 to index
      %get3A_397 = arith.constant 16 : index
      %get3A_398 = tpu.vector_load %arg9[%get3A_396, %get3A_397] {strides = array<i32>} : memref<128x128xf32, #tpu.memory_space<vmem>>, vector<1x16xf32>,
      %get3A_399 = vector.shape_cast %get3A_398 : vector<1x16xf32> to vector<16xf32>
      %get3A_400 = arith.index_cast %scan3A_370 : i32 to index
      %get3A_401 = arith.constant 16 : index
      %get3A_402 = tpu.vector_load %arg10[%get3A_400, %get3A_401] {strides = array<i32>} : memref<128x128xf32, #tpu.memory_space<vmem>>, vector<1x16xf32>,
      %get3A_403 = vector.shape_cast %get3A_402 : vector<1x16xf32> to vector<16xf32>
      %get3A_404 = arith.index_cast %scan3A_370 : i32 to index
      %get3A_405 = arith.constant 16 : index
      %get3A_406 = tpu.vector_load %arg11[%get3A_404, %get3A_405] {strides = array<i32>} : memref<128x64xf32, #tpu.memory_space<vmem>>, vector<1x16xf32>,
      %get3A_407 = vector.shape_cast %get3A_406 : vector<1x16xf32> to vector<16xf32>
      %mul3A_408 = arith.constant 5.000000e-01 : f32
      %mul3A_409 = vector.broadcast %mul3A_408 : f32 to vector<16xf32>
      %mul3A_410 = arith.mulf %mul3A_409, %get3A_399 : vector<16xf32>
      %mul3A_411 = arith.constant 5.000000e-01 : f32
      %mul3A_412 = vector.broadcast %mul3A_411 : f32 to vector<16xf32>
      %mul3A_413 = arith.mulf %mul3A_412, %get3A_403 : vector<16xf32>
      %add3A_414 = arith.addf %mul3A_410, %mul3A_413 : vector<16xf32>
      %mul3A_415 = arith.mulf %add3A_414, %add3A_414 : vector<16xf32>
      %mul3A_416 = arith.constant 2.000000e+00 : f32
      %mul3A_417 = vector.broadcast %mul3A_416 : f32 to vector<16xf32>
      %mul3A_418 = arith.mulf %mul3A_417, %add3A_414 : vector<16xf32>
      %mul3A_419 = arith.mulf %mul3A_418, %get3A_407 : vector<16xf32>
      %sub3A_420 = arith.subf %mul3A_415, %mul3A_419 : vector<16xf32>
      %add3A_421 = arith.addf %add3A_395, %sub3A_420 : vector<16xf32>
      %get3A_422 = arith.index_cast %scan3A_370 : i32 to index
      %get3A_423 = arith.constant 32 : index
      %get3A_424 = tpu.vector_load %arg9[%get3A_422, %get3A_423] {strides = array<i32>} : memref<128x128xf32, #tpu.memory_space<vmem>>, vector<1x16xf32>,
      %get3A_425 = vector.shape_cast %get3A_424 : vector<1x16xf32> to vector<16xf32>
      %get3A_426 = arith.index_cast %scan3A_370 : i32 to index
      %get3A_427 = arith.constant 32 : index
      %get3A_428 = tpu.vector_load %arg10[%get3A_426, %get3A_427] {strides = array<i32>} : memref<128x128xf32, #tpu.memory_space<vmem>>, vector<1x16xf32>,
      %get3A_429 = vector.shape_cast %get3A_428 : vector<1x16xf32> to vector<16xf32>
      %get3A_430 = arith.index_cast %scan3A_370 : i32 to index
      %get3A_431 = arith.constant 32 : index
      %get3A_432 = tpu.vector_load %arg11[%get3A_430, %get3A_431] {strides = array<i32>} : memref<128x64xf32, #tpu.memory_space<vmem>>, vector<1x16xf32>,
      %get3A_433 = vector.shape_cast %get3A_432 : vector<1x16xf32> to vector<16xf32>
      %mul3A_434 = arith.constant 5.000000e-01 : f32
      %mul3A_435 = vector.broadcast %mul3A_434 : f32 to vector<16xf32>
      %mul3A_436 = arith.mulf %mul3A_435, %get3A_425 : vector<16xf32>
      %mul3A_437 = arith.constant 5.000000e-01 : f32
      %mul3A_438 = vector.broadcast %mul3A_437 : f32 to vector<16xf32>
      %mul3A_439 = arith.mulf %mul3A_438, %get3A_429 : vector<16xf32>
      %add3A_440 = arith.addf %mul3A_436, %mul3A_439 : vector<16xf32>
      %mul3A_441 = arith.mulf %add3A_440, %add3A_440 : vector<16xf32>
      %mul3A_442 = arith.constant 2.000000e+00 : f32
      %mul3A_443 = vector.broadcast %mul3A_442 : f32 to vector<16xf32>
      %mul3A_444 = arith.mulf %mul3A_443, %add3A_440 : vector<16xf32>
      %mul3A_445 = arith.mulf %mul3A_444, %get3A_433 : vector<16xf32>
      %sub3A_446 = arith.subf %mul3A_441, %mul3A_445 : vector<16xf32>
      %add3A_447 = arith.addf %add3A_421, %sub3A_446 : vector<16xf32>
      %get3A_448 = arith.index_cast %scan3A_370 : i32 to index
      %get3A_449 = arith.constant 48 : index
      %get3A_450 = tpu.vector_load %arg9[%get3A_448, %get3A_449] {strides = array<i32>} : memref<128x128xf32, #tpu.memory_space<vmem>>, vector<1x16xf32>,
      %get3A_451 = vector.shape_cast %get3A_450 : vector<1x16xf32> to vector<16xf32>
      %get3A_452 = arith.index_cast %scan3A_370 : i32 to index
      %get3A_453 = arith.constant 48 : index
      %get3A_454 = tpu.vector_load %arg10[%get3A_452, %get3A_453] {strides = array<i32>} : memref<128x128xf32, #tpu.memory_space<vmem>>, vector<1x16xf32>,
      %get3A_455 = vector.shape_cast %get3A_454 : vector<1x16xf32> to vector<16xf32>
      %get3A_456 = arith.index_cast %scan3A_370 : i32 to index
      %get3A_457 = arith.constant 48 : index
      %get3A_458 = tpu.vector_load %arg11[%get3A_456, %get3A_457] {strides = array<i32>} : memref<128x64xf32, #tpu.memory_space<vmem>>, vector<1x16xf32>,
      %get3A_459 = vector.shape_cast %get3A_458 : vector<1x16xf32> to vector<16xf32>
      %mul3A_460 = arith.constant 5.000000e-01 : f32
      %mul3A_461 = vector.broadcast %mul3A_460 : f32 to vector<16xf32>
      %mul3A_462 = arith.mulf %mul3A_461, %get3A_451 : vector<16xf32>
      %mul3A_463 = arith.constant 5.000000e-01 : f32
      %mul3A_464 = vector.broadcast %mul3A_463 : f32 to vector<16xf32>
      %mul3A_465 = arith.mulf %mul3A_464, %get3A_455 : vector<16xf32>
      %add3A_466 = arith.addf %mul3A_462, %mul3A_465 : vector<16xf32>
      %mul3A_467 = arith.mulf %add3A_466, %add3A_466 : vector<16xf32>
      %mul3A_468 = arith.constant 2.000000e+00 : f32
      %mul3A_469 = vector.broadcast %mul3A_468 : f32 to vector<16xf32>
      %mul3A_470 = arith.mulf %mul3A_469, %add3A_466 : vector<16xf32>
      %mul3A_471 = arith.mulf %mul3A_470, %get3A_459 : vector<16xf32>
      %sub3A_472 = arith.subf %mul3A_467, %mul3A_471 : vector<16xf32>
      %add3A_473 = arith.addf %add3A_447, %sub3A_472 : vector<16xf32>
      scf.yield %add3A_473 : vector<16xf32>
    }
    %scan3A_44 = arith.constant 128 : i32
    %dma_start3A_45 = arith.constant 1 : i32
    %dma_start3A_46 = arith.constant 0 : i32
    %dma_start3A_47 = tpu.memref_slice %arg7[%dma_start3A_45, %dma_start3A_46] : memref<8x128xi32, #tpu.memory_space<vmem>> -> memref<1x128xi32, #tpu.memory_space<vmem>>
    %dma_start3A_48 = tpu.memref_squeeze %dma_start3A_47 : memref<1x128xi32, #tpu.memory_space<vmem>> -> memref<128xi32, #tpu.memory_space<vmem>>
    %dma_start3A_49 = arith.constant 0 : i32
    %dma_start3A_50 = arith.constant 0 : i32
    %dma_start3A_51 = tpu.memref_slice %arg4[%dma_start3A_49, %dma_start3A_50] : memref<1000x128xf32, #tpu.memory_space<hbm>> -> memref<1000x128xf32, #tpu.memory_space<hbm>>
    tpu.enqueue_indirect_dma source(%dma_start3A_51 : memref<1000x128xf32, #tpu.memory_space<hbm>>) target(%arg9 : memref<128x128xf32, #tpu.memory_space<vmem>>) offsets(%dma_start3A_48 : memref<128xi32, #tpu.memory_space<vmem>>) semaphore(%arg13 : memref<!tpu.dma_semaphore, #tpu.memory_space<semaphore_mem>>)
    %dma_start3A_52 = arith.constant 1 : i32
    %dma_start3A_53 = arith.constant 0 : i32
    %dma_start3A_54 = tpu.memref_slice %arg8[%dma_start3A_52, %dma_start3A_53] : memref<8x128xi32, #tpu.memory_space<vmem>> -> memref<1x128xi32, #tpu.memory_space<vmem>>
    %dma_start3A_55 = tpu.memref_squeeze %dma_start3A_54 : memref<1x128xi32, #tpu.memory_space<vmem>> -> memref<128xi32, #tpu.memory_space<vmem>>
    %dma_start3A_56 = arith.constant 0 : i32
    %dma_start3A_57 = arith.constant 0 : i32
    %dma_start3A_58 = tpu.memref_slice %arg4[%dma_start3A_56, %dma_start3A_57] : memref<1000x128xf32, #tpu.memory_space<hbm>> -> memref<1000x128xf32, #tpu.memory_space<hbm>>
    tpu.enqueue_indirect_dma source(%dma_start3A_58 : memref<1000x128xf32, #tpu.memory_space<hbm>>) target(%arg10 : memref<128x128xf32, #tpu.memory_space<vmem>>) offsets(%dma_start3A_55 : memref<128xi32, #tpu.memory_space<vmem>>) semaphore(%arg13 : memref<!tpu.dma_semaphore, #tpu.memory_space<semaphore_mem>>)
    %dma_start3A_59 = arith.constant 128 : i32
    %dma_start3A_60 = arith.constant 0 : i32
    %dma_start3A_61 = tpu.memref_slice %arg5[%dma_start3A_59, %dma_start3A_60] : memref<1024x64xf32, #tpu.memory_space<hbm>> -> memref<128x64xf32, #tpu.memory_space<hbm>>
    %dma_start3A_62 = arith.constant 128 : i32
    %dma_start3A_63 = arith.constant 0 : i32
    %dma_start3A_64 = tpu.memref_slice %arg5[%dma_start3A_62, %dma_start3A_63] : memref<1024x64xf32, #tpu.memory_space<hbm>> -> memref<128x64xf32, #tpu.memory_space<hbm>>
    tpu.enqueue_dma source(%dma_start3A_64 : memref<128x64xf32, #tpu.memory_space<hbm>>) target(%arg11 : memref<128x64xf32, #tpu.memory_space<vmem>>) target_semaphore(%arg13 : memref<!tpu.dma_semaphore, #tpu.memory_space<semaphore_mem>>)
    %dma_wait3A_65 = arith.constant 1 : i32
    %dma_wait3A_66 = arith.constant 0 : i32
    %dma_wait3A_67 = tpu.memref_slice %arg7[%dma_wait3A_65, %dma_wait3A_66] : memref<8x128xi32, #tpu.memory_space<vmem>> -> memref<1x128xi32, #tpu.memory_space<vmem>>
    %dma_wait3A_68 = tpu.memref_squeeze %dma_wait3A_67 : memref<1x128xi32, #tpu.memory_space<vmem>> -> memref<128xi32, #tpu.memory_space<vmem>>
    %dma_wait3A_69 = arith.constant 0 : i32
    %dma_wait3A_70 = arith.constant 0 : i32
    %dma_wait3A_71 = tpu.memref_slice %arg4[%dma_wait3A_69, %dma_wait3A_70] : memref<1000x128xf32, #tpu.memory_space<hbm>> -> memref<1000x128xf32, #tpu.memory_space<hbm>>
    tpu.wait_indirect_dma semaphore(%arg13 : memref<!tpu.dma_semaphore, #tpu.memory_space<semaphore_mem>>) src(%dma_wait3A_71 : memref<1000x128xf32, #tpu.memory_space<hbm>>) dst(%arg9 : memref<128x128xf32, #tpu.memory_space<vmem>>)
    %dma_wait3A_72 = arith.constant 1 : i32
    %dma_wait3A_73 = arith.constant 0 : i32
    %dma_wait3A_74 = tpu.memref_slice %arg8[%dma_wait3A_72, %dma_wait3A_73] : memref<8x128xi32, #tpu.memory_space<vmem>> -> memref<1x128xi32, #tpu.memory_space<vmem>>
    %dma_wait3A_75 = tpu.memref_squeeze %dma_wait3A_74 : memref<1x128xi32, #tpu.memory_space<vmem>> -> memref<128xi32, #tpu.memory_space<vmem>>
    %dma_wait3A_76 = arith.constant 0 : i32
    %dma_wait3A_77 = arith.constant 0 : i32
    %dma_wait3A_78 = tpu.memref_slice %arg4[%dma_wait3A_76, %dma_wait3A_77] : memref<1000x128xf32, #tpu.memory_space<hbm>> -> memref<1000x128xf32, #tpu.memory_space<hbm>>
    tpu.wait_indirect_dma semaphore(%arg13 : memref<!tpu.dma_semaphore, #tpu.memory_space<semaphore_mem>>) src(%dma_wait3A_78 : memref<1000x128xf32, #tpu.memory_space<hbm>>) dst(%arg10 : memref<128x128xf32, #tpu.memory_space<vmem>>)
    %dma_wait3A_79 = arith.constant 128 : i32
    %dma_wait3A_80 = arith.constant 0 : i32
    %dma_wait3A_81 = tpu.memref_slice %arg5[%dma_wait3A_79, %dma_wait3A_80] : memref<1024x64xf32, #tpu.memory_space<hbm>> -> memref<128x64xf32, #tpu.memory_space<hbm>>
    %dma_wait3A_82 = arith.constant 128 : i32
    %dma_wait3A_83 = arith.constant 0 : i32
    %dma_wait3A_84 = tpu.memref_slice %arg5[%dma_wait3A_82, %dma_wait3A_83] : memref<1024x64xf32, #tpu.memory_space<hbm>> -> memref<128x64xf32, #tpu.memory_space<hbm>>
    tpu.wait_dma2 semaphore(%arg13 : memref<!tpu.dma_semaphore, #tpu.memory_space<semaphore_mem>>) src(%dma_wait3A_84 : memref<128x64xf32, #tpu.memory_space<hbm>>) dst(%arg11 : memref<128x64xf32, #tpu.memory_space<vmem>>)
    %scan3A_85 = arith.constant 0 : i32
    %scan3A_86 = arith.constant 128 : i32
    %scan3A_87 = arith.addi %scan3A_85, %scan3A_86 : i32
    %scan3A_88 = arith.constant 1 : i32
    %scan3A_89 = scf.for %scan3A_370 = %scan3A_85 to %scan3A_87 step %scan3A_88 iter_args(%scan3A_371 = %scan3A_43) -> (vector<16xf32>)  : i32 {
      %get3A = arith.index_cast %scan3A_370 : i32 to index
      %get3A_372 = arith.constant 0 : index
      %get3A_373 = tpu.vector_load %arg9[%get3A, %get3A_372] {strides = array<i32>} : memref<128x128xf32, #tpu.memory_space<vmem>>, vector<1x16xf32>,
      %get3A_374 = vector.shape_cast %get3A_373 : vector<1x16xf32> to vector<16xf32>
      %get3A_375 = arith.index_cast %scan3A_370 : i32 to index
      %get3A_376 = arith.constant 0 : index
      %get3A_377 = tpu.vector_load %arg10[%get3A_375, %get3A_376] {strides = array<i32>} : memref<128x128xf32, #tpu.memory_space<vmem>>, vector<1x16xf32>,
      %get3A_378 = vector.shape_cast %get3A_377 : vector<1x16xf32> to vector<16xf32>
      %get3A_379 = arith.index_cast %scan3A_370 : i32 to index
      %get3A_380 = arith.constant 0 : index
      %get3A_381 = tpu.vector_load %arg11[%get3A_379, %get3A_380] {strides = array<i32>} : memref<128x64xf32, #tpu.memory_space<vmem>>, vector<1x16xf32>,
      %get3A_382 = vector.shape_cast %get3A_381 : vector<1x16xf32> to vector<16xf32>
      %mul3A_383 = arith.constant 5.000000e-01 : f32
      %mul3A_384 = vector.broadcast %mul3A_383 : f32 to vector<16xf32>
      %mul3A_385 = arith.mulf %mul3A_384, %get3A_374 : vector<16xf32>
      %mul3A_386 = arith.constant 5.000000e-01 : f32
      %mul3A_387 = vector.broadcast %mul3A_386 : f32 to vector<16xf32>
      %mul3A_388 = arith.mulf %mul3A_387, %get3A_378 : vector<16xf32>
      %add3A_389 = arith.addf %mul3A_385, %mul3A_388 : vector<16xf32>
      %mul3A_390 = arith.mulf %add3A_389, %add3A_389 : vector<16xf32>
      %mul3A_391 = arith.constant 2.000000e+00 : f32
      %mul3A_392 = vector.broadcast %mul3A_391 : f32 to vector<16xf32>
      %mul3A_393 = arith.mulf %mul3A_392, %add3A_389 : vector<16xf32>
      %mul3A_394 = arith.mulf %mul3A_393, %get3A_382 : vector<16xf32>
      %sub3A = arith.subf %mul3A_390, %mul3A_394 : vector<16xf32>
      %add3A_395 = arith.addf %scan3A_371, %sub3A : vector<16xf32>
      %get3A_396 = arith.index_cast %scan3A_370 : i32 to index
      %get3A_397 = arith.constant 16 : index
      %get3A_398 = tpu.vector_load %arg9[%get3A_396, %get3A_397] {strides = array<i32>} : memref<128x128xf32, #tpu.memory_space<vmem>>, vector<1x16xf32>,
      %get3A_399 = vector.shape_cast %get3A_398 : vector<1x16xf32> to vector<16xf32>
      %get3A_400 = arith.index_cast %scan3A_370 : i32 to index
      %get3A_401 = arith.constant 16 : index
      %get3A_402 = tpu.vector_load %arg10[%get3A_400, %get3A_401] {strides = array<i32>} : memref<128x128xf32, #tpu.memory_space<vmem>>, vector<1x16xf32>,
      %get3A_403 = vector.shape_cast %get3A_402 : vector<1x16xf32> to vector<16xf32>
      %get3A_404 = arith.index_cast %scan3A_370 : i32 to index
      %get3A_405 = arith.constant 16 : index
      %get3A_406 = tpu.vector_load %arg11[%get3A_404, %get3A_405] {strides = array<i32>} : memref<128x64xf32, #tpu.memory_space<vmem>>, vector<1x16xf32>,
      %get3A_407 = vector.shape_cast %get3A_406 : vector<1x16xf32> to vector<16xf32>
      %mul3A_408 = arith.constant 5.000000e-01 : f32
      %mul3A_409 = vector.broadcast %mul3A_408 : f32 to vector<16xf32>
      %mul3A_410 = arith.mulf %mul3A_409, %get3A_399 : vector<16xf32>
      %mul3A_411 = arith.constant 5.000000e-01 : f32
      %mul3A_412 = vector.broadcast %mul3A_411 : f32 to vector<16xf32>
      %mul3A_413 = arith.mulf %mul3A_412, %get3A_403 : vector<16xf32>
      %add3A_414 = arith.addf %mul3A_410, %mul3A_413 : vector<16xf32>
      %mul3A_415 = arith.mulf %add3A_414, %add3A_414 : vector<16xf32>
      %mul3A_416 = arith.constant 2.000000e+00 : f32
      %mul3A_417 = vector.broadcast %mul3A_416 : f32 to vector<16xf32>
      %mul3A_418 = arith.mulf %mul3A_417, %add3A_414 : vector<16xf32>
      %mul3A_419 = arith.mulf %mul3A_418, %get3A_407 : vector<16xf32>
      %sub3A_420 = arith.subf %mul3A_415, %mul3A_419 : vector<16xf32>
      %add3A_421 = arith.addf %add3A_395, %sub3A_420 : vector<16xf32>
      %get3A_422 = arith.index_cast %scan3A_370 : i32 to index
      %get3A_423 = arith.constant 32 : index
      %get3A_424 = tpu.vector_load %arg9[%get3A_422, %get3A_423] {strides = array<i32>} : memref<128x128xf32, #tpu.memory_space<vmem>>, vector<1x16xf32>,
      %get3A_425 = vector.shape_cast %get3A_424 : vector<1x16xf32> to vector<16xf32>
      %get3A_426 = arith.index_cast %scan3A_370 : i32 to index
      %get3A_427 = arith.constant 32 : index
      %get3A_428 = tpu.vector_load %arg10[%get3A_426, %get3A_427] {strides = array<i32>} : memref<128x128xf32, #tpu.memory_space<vmem>>, vector<1x16xf32>,
      %get3A_429 = vector.shape_cast %get3A_428 : vector<1x16xf32> to vector<16xf32>
      %get3A_430 = arith.index_cast %scan3A_370 : i32 to index
      %get3A_431 = arith.constant 32 : index
      %get3A_432 = tpu.vector_load %arg11[%get3A_430, %get3A_431] {strides = array<i32>} : memref<128x64xf32, #tpu.memory_space<vmem>>, vector<1x16xf32>,
      %get3A_433 = vector.shape_cast %get3A_432 : vector<1x16xf32> to vector<16xf32>
      %mul3A_434 = arith.constant 5.000000e-01 : f32
      %mul3A_435 = vector.broadcast %mul3A_434 : f32 to vector<16xf32>
      %mul3A_436 = arith.mulf %mul3A_435, %get3A_425 : vector<16xf32>
      %mul3A_437 = arith.constant 5.000000e-01 : f32
      %mul3A_438 = vector.broadcast %mul3A_437 : f32 to vector<16xf32>
      %mul3A_439 = arith.mulf %mul3A_438, %get3A_429 : vector<16xf32>
      %add3A_440 = arith.addf %mul3A_436, %mul3A_439 : vector<16xf32>
      %mul3A_441 = arith.mulf %add3A_440, %add3A_440 : vector<16xf32>
      %mul3A_442 = arith.constant 2.000000e+00 : f32
      %mul3A_443 = vector.broadcast %mul3A_442 : f32 to vector<16xf32>
      %mul3A_444 = arith.mulf %mul3A_443, %add3A_440 : vector<16xf32>
      %mul3A_445 = arith.mulf %mul3A_444, %get3A_433 : vector<16xf32>
      %sub3A_446 = arith.subf %mul3A_441, %mul3A_445 : vector<16xf32>
      %add3A_447 = arith.addf %add3A_421, %sub3A_446 : vector<16xf32>
      %get3A_448 = arith.index_cast %scan3A_370 : i32 to index
      %get3A_449 = arith.constant 48 : index
      %get3A_450 = tpu.vector_load %arg9[%get3A_448, %get3A_449] {strides = array<i32>} : memref<128x128xf32, #tpu.memory_space<vmem>>, vector<1x16xf32>,
      %get3A_451 = vector.shape_cast %get3A_450 : vector<1x16xf32> to vector<16xf32>
      %get3A_452 = arith.index_cast %scan3A_370 : i32 to index
      %get3A_453 = arith.constant 48 : index
      %get3A_454 = tpu.vector_load %arg10[%get3A_452, %get3A_453] {strides = array<i32>} : memref<128x128xf32, #tpu.memory_space<vmem>>, vector<1x16xf32>,
      %get3A_455 = vector.shape_cast %get3A_454 : vector<1x16xf32> to vector<16xf32>
      %get3A_456 = arith.index_cast %scan3A_370 : i32 to index
      %get3A_457 = arith.constant 48 : index
      %get3A_458 = tpu.vector_load %arg11[%get3A_456, %get3A_457] {strides = array<i32>} : memref<128x64xf32, #tpu.memory_space<vmem>>, vector<1x16xf32>,
      %get3A_459 = vector.shape_cast %get3A_458 : vector<1x16xf32> to vector<16xf32>
      %mul3A_460 = arith.constant 5.000000e-01 : f32
      %mul3A_461 = vector.broadcast %mul3A_460 : f32 to vector<16xf32>
      %mul3A_462 = arith.mulf %mul3A_461, %get3A_451 : vector<16xf32>
      %mul3A_463 = arith.constant 5.000000e-01 : f32
      %mul3A_464 = vector.broadcast %mul3A_463 : f32 to vector<16xf32>
      %mul3A_465 = arith.mulf %mul3A_464, %get3A_455 : vector<16xf32>
      %add3A_466 = arith.addf %mul3A_462, %mul3A_465 : vector<16xf32>
      %mul3A_467 = arith.mulf %add3A_466, %add3A_466 : vector<16xf32>
      %mul3A_468 = arith.constant 2.000000e+00 : f32
      %mul3A_469 = vector.broadcast %mul3A_468 : f32 to vector<16xf32>
      %mul3A_470 = arith.mulf %mul3A_469, %add3A_466 : vector<16xf32>
      %mul3A_471 = arith.mulf %mul3A_470, %get3A_459 : vector<16xf32>
      %sub3A_472 = arith.subf %mul3A_467, %mul3A_471 : vector<16xf32>
      %add3A_473 = arith.addf %add3A_447, %sub3A_472 : vector<16xf32>
      scf.yield %add3A_473 : vector<16xf32>
    }
    %scan3A_90 = arith.constant 128 : i32
    %dma_start3A_91 = arith.constant 2 : i32
    %dma_start3A_92 = arith.constant 0 : i32
    %dma_start3A_93 = tpu.memref_slice %arg7[%dma_start3A_91, %dma_start3A_92] : memref<8x128xi32, #tpu.memory_space<vmem>> -> memref<1x128xi32, #tpu.memory_space<vmem>>
    %dma_start3A_94 = tpu.memref_squeeze %dma_start3A_93 : memref<1x128xi32, #tpu.memory_space<vmem>> -> memref<128xi32, #tpu.memory_space<vmem>>
    %dma_start3A_95 = arith.constant 0 : i32
    %dma_start3A_96 = arith.constant 0 : i32
    %dma_start3A_97 = tpu.memref_slice %arg4[%dma_start3A_95, %dma_start3A_96] : memref<1000x128xf32, #tpu.memory_space<hbm>> -> memref<1000x128xf32, #tpu.memory_space<hbm>>
    tpu.enqueue_indirect_dma source(%dma_start3A_97 : memref<1000x128xf32, #tpu.memory_space<hbm>>) target(%arg9 : memref<128x128xf32, #tpu.memory_space<vmem>>) offsets(%dma_start3A_94 : memref<128xi32, #tpu.memory_space<vmem>>) semaphore(%arg13 : memref<!tpu.dma_semaphore, #tpu.memory_space<semaphore_mem>>)
    %dma_start3A_98 = arith.constant 2 : i32
    %dma_start3A_99 = arith.constant 0 : i32
    %dma_start3A_100 = tpu.memref_slice %arg8[%dma_start3A_98, %dma_start3A_99] : memref<8x128xi32, #tpu.memory_space<vmem>> -> memref<1x128xi32, #tpu.memory_space<vmem>>
    %dma_start3A_101 = tpu.memref_squeeze %dma_start3A_100 : memref<1x128xi32, #tpu.memory_space<vmem>> -> memref<128xi32, #tpu.memory_space<vmem>>
    %dma_start3A_102 = arith.constant 0 : i32
    %dma_start3A_103 = arith.constant 0 : i32
    %dma_start3A_104 = tpu.memref_slice %arg4[%dma_start3A_102, %dma_start3A_103] : memref<1000x128xf32, #tpu.memory_space<hbm>> -> memref<1000x128xf32, #tpu.memory_space<hbm>>
    tpu.enqueue_indirect_dma source(%dma_start3A_104 : memref<1000x128xf32, #tpu.memory_space<hbm>>) target(%arg10 : memref<128x128xf32, #tpu.memory_space<vmem>>) offsets(%dma_start3A_101 : memref<128xi32, #tpu.memory_space<vmem>>) semaphore(%arg13 : memref<!tpu.dma_semaphore, #tpu.memory_space<semaphore_mem>>)
    %dma_start3A_105 = arith.constant 256 : i32
    %dma_start3A_106 = arith.constant 0 : i32
    %dma_start3A_107 = tpu.memref_slice %arg5[%dma_start3A_105, %dma_start3A_106] : memref<1024x64xf32, #tpu.memory_space<hbm>> -> memref<128x64xf32, #tpu.memory_space<hbm>>
    %dma_start3A_108 = arith.constant 256 : i32
    %dma_start3A_109 = arith.constant 0 : i32
    %dma_start3A_110 = tpu.memref_slice %arg5[%dma_start3A_108, %dma_start3A_109] : memref<1024x64xf32, #tpu.memory_space<hbm>> -> memref<128x64xf32, #tpu.memory_space<hbm>>
    tpu.enqueue_dma source(%dma_start3A_110 : memref<128x64xf32, #tpu.memory_space<hbm>>) target(%arg11 : memref<128x64xf32, #tpu.memory_space<vmem>>) target_semaphore(%arg13 : memref<!tpu.dma_semaphore, #tpu.memory_space<semaphore_mem>>)
    %dma_wait3A_111 = arith.constant 2 : i32
    %dma_wait3A_112 = arith.constant 0 : i32
    %dma_wait3A_113 = tpu.memref_slice %arg7[%dma_wait3A_111, %dma_wait3A_112] : memref<8x128xi32, #tpu.memory_space<vmem>> -> memref<1x128xi32, #tpu.memory_space<vmem>>
    %dma_wait3A_114 = tpu.memref_squeeze %dma_wait3A_113 : memref<1x128xi32, #tpu.memory_space<vmem>> -> memref<128xi32, #tpu.memory_space<vmem>>
    %dma_wait3A_115 = arith.constant 0 : i32
    %dma_wait3A_116 = arith.constant 0 : i32
    %dma_wait3A_117 = tpu.memref_slice %arg4[%dma_wait3A_115, %dma_wait3A_116] : memref<1000x128xf32, #tpu.memory_space<hbm>> -> memref<1000x128xf32, #tpu.memory_space<hbm>>
    tpu.wait_indirect_dma semaphore(%arg13 : memref<!tpu.dma_semaphore, #tpu.memory_space<semaphore_mem>>) src(%dma_wait3A_117 : memref<1000x128xf32, #tpu.memory_space<hbm>>) dst(%arg9 : memref<128x128xf32, #tpu.memory_space<vmem>>)
    %dma_wait3A_118 = arith.constant 2 : i32
    %dma_wait3A_119 = arith.constant 0 : i32
    %dma_wait3A_120 = tpu.memref_slice %arg8[%dma_wait3A_118, %dma_wait3A_119] : memref<8x128xi32, #tpu.memory_space<vmem>> -> memref<1x128xi32, #tpu.memory_space<vmem>>
    %dma_wait3A_121 = tpu.memref_squeeze %dma_wait3A_120 : memref<1x128xi32, #tpu.memory_space<vmem>> -> memref<128xi32, #tpu.memory_space<vmem>>
    %dma_wait3A_122 = arith.constant 0 : i32
    %dma_wait3A_123 = arith.constant 0 : i32
    %dma_wait3A_124 = tpu.memref_slice %arg4[%dma_wait3A_122, %dma_wait3A_123] : memref<1000x128xf32, #tpu.memory_space<hbm>> -> memref<1000x128xf32, #tpu.memory_space<hbm>>
    tpu.wait_indirect_dma semaphore(%arg13 : memref<!tpu.dma_semaphore, #tpu.memory_space<semaphore_mem>>) src(%dma_wait3A_124 : memref<1000x128xf32, #tpu.memory_space<hbm>>) dst(%arg10 : memref<128x128xf32, #tpu.memory_space<vmem>>)
    %dma_wait3A_125 = arith.constant 256 : i32
    %dma_wait3A_126 = arith.constant 0 : i32
    %dma_wait3A_127 = tpu.memref_slice %arg5[%dma_wait3A_125, %dma_wait3A_126] : memref<1024x64xf32, #tpu.memory_space<hbm>> -> memref<128x64xf32, #tpu.memory_space<hbm>>
    %dma_wait3A_128 = arith.constant 256 : i32
    %dma_wait3A_129 = arith.constant 0 : i32
    %dma_wait3A_130 = tpu.memref_slice %arg5[%dma_wait3A_128, %dma_wait3A_129] : memref<1024x64xf32, #tpu.memory_space<hbm>> -> memref<128x64xf32, #tpu.memory_space<hbm>>
    tpu.wait_dma2 semaphore(%arg13 : memref<!tpu.dma_semaphore, #tpu.memory_space<semaphore_mem>>) src(%dma_wait3A_130 : memref<128x64xf32, #tpu.memory_space<hbm>>) dst(%arg11 : memref<128x64xf32, #tpu.memory_space<vmem>>)
    %scan3A_131 = arith.constant 0 : i32
    %scan3A_132 = arith.constant 128 : i32
    %scan3A_133 = arith.addi %scan3A_131, %scan3A_132 : i32
    %scan3A_134 = arith.constant 1 : i32
    %scan3A_135 = scf.for %scan3A_370 = %scan3A_131 to %scan3A_133 step %scan3A_134 iter_args(%scan3A_371 = %scan3A_89) -> (vector<16xf32>)  : i32 {
      %get3A = arith.index_cast %scan3A_370 : i32 to index
      %get3A_372 = arith.constant 0 : index
      %get3A_373 = tpu.vector_load %arg9[%get3A, %get3A_372] {strides = array<i32>} : memref<128x128xf32, #tpu.memory_space<vmem>>, vector<1x16xf32>,
      %get3A_374 = vector.shape_cast %get3A_373 : vector<1x16xf32> to vector<16xf32>
      %get3A_375 = arith.index_cast %scan3A_370 : i32 to index
      %get3A_376 = arith.constant 0 : index
      %get3A_377 = tpu.vector_load %arg10[%get3A_375, %get3A_376] {strides = array<i32>} : memref<128x128xf32, #tpu.memory_space<vmem>>, vector<1x16xf32>,
      %get3A_378 = vector.shape_cast %get3A_377 : vector<1x16xf32> to vector<16xf32>
      %get3A_379 = arith.index_cast %scan3A_370 : i32 to index
      %get3A_380 = arith.constant 0 : index
      %get3A_381 = tpu.vector_load %arg11[%get3A_379, %get3A_380] {strides = array<i32>} : memref<128x64xf32, #tpu.memory_space<vmem>>, vector<1x16xf32>,
      %get3A_382 = vector.shape_cast %get3A_381 : vector<1x16xf32> to vector<16xf32>
      %mul3A_383 = arith.constant 5.000000e-01 : f32
      %mul3A_384 = vector.broadcast %mul3A_383 : f32 to vector<16xf32>
      %mul3A_385 = arith.mulf %mul3A_384, %get3A_374 : vector<16xf32>
      %mul3A_386 = arith.constant 5.000000e-01 : f32
      %mul3A_387 = vector.broadcast %mul3A_386 : f32 to vector<16xf32>
      %mul3A_388 = arith.mulf %mul3A_387, %get3A_378 : vector<16xf32>
      %add3A_389 = arith.addf %mul3A_385, %mul3A_388 : vector<16xf32>
      %mul3A_390 = arith.mulf %add3A_389, %add3A_389 : vector<16xf32>
      %mul3A_391 = arith.constant 2.000000e+00 : f32
      %mul3A_392 = vector.broadcast %mul3A_391 : f32 to vector<16xf32>
      %mul3A_393 = arith.mulf %mul3A_392, %add3A_389 : vector<16xf32>
      %mul3A_394 = arith.mulf %mul3A_393, %get3A_382 : vector<16xf32>
      %sub3A = arith.subf %mul3A_390, %mul3A_394 : vector<16xf32>
      %add3A_395 = arith.addf %scan3A_371, %sub3A : vector<16xf32>
      %get3A_396 = arith.index_cast %scan3A_370 : i32 to index
      %get3A_397 = arith.constant 16 : index
      %get3A_398 = tpu.vector_load %arg9[%get3A_396, %get3A_397] {strides = array<i32>} : memref<128x128xf32, #tpu.memory_space<vmem>>, vector<1x16xf32>,
      %get3A_399 = vector.shape_cast %get3A_398 : vector<1x16xf32> to vector<16xf32>
      %get3A_400 = arith.index_cast %scan3A_370 : i32 to index
      %get3A_401 = arith.constant 16 : index
      %get3A_402 = tpu.vector_load %arg10[%get3A_400, %get3A_401] {strides = array<i32>} : memref<128x128xf32, #tpu.memory_space<vmem>>, vector<1x16xf32>,
      %get3A_403 = vector.shape_cast %get3A_402 : vector<1x16xf32> to vector<16xf32>
      %get3A_404 = arith.index_cast %scan3A_370 : i32 to index
      %get3A_405 = arith.constant 16 : index
      %get3A_406 = tpu.vector_load %arg11[%get3A_404, %get3A_405] {strides = array<i32>} : memref<128x64xf32, #tpu.memory_space<vmem>>, vector<1x16xf32>,
      %get3A_407 = vector.shape_cast %get3A_406 : vector<1x16xf32> to vector<16xf32>
      %mul3A_408 = arith.constant 5.000000e-01 : f32
      %mul3A_409 = vector.broadcast %mul3A_408 : f32 to vector<16xf32>
      %mul3A_410 = arith.mulf %mul3A_409, %get3A_399 : vector<16xf32>
      %mul3A_411 = arith.constant 5.000000e-01 : f32
      %mul3A_412 = vector.broadcast %mul3A_411 : f32 to vector<16xf32>
      %mul3A_413 = arith.mulf %mul3A_412, %get3A_403 : vector<16xf32>
      %add3A_414 = arith.addf %mul3A_410, %mul3A_413 : vector<16xf32>
      %mul3A_415 = arith.mulf %add3A_414, %add3A_414 : vector<16xf32>
      %mul3A_416 = arith.constant 2.000000e+00 : f32
      %mul3A_417 = vector.broadcast %mul3A_416 : f32 to vector<16xf32>
      %mul3A_418 = arith.mulf %mul3A_417, %add3A_414 : vector<16xf32>
      %mul3A_419 = arith.mulf %mul3A_418, %get3A_407 : vector<16xf32>
      %sub3A_420 = arith.subf %mul3A_415, %mul3A_419 : vector<16xf32>
      %add3A_421 = arith.addf %add3A_395, %sub3A_420 : vector<16xf32>
      %get3A_422 = arith.index_cast %scan3A_370 : i32 to index
      %get3A_423 = arith.constant 32 : index
      %get3A_424 = tpu.vector_load %arg9[%get3A_422, %get3A_423] {strides = array<i32>} : memref<128x128xf32, #tpu.memory_space<vmem>>, vector<1x16xf32>,
      %get3A_425 = vector.shape_cast %get3A_424 : vector<1x16xf32> to vector<16xf32>
      %get3A_426 = arith.index_cast %scan3A_370 : i32 to index
      %get3A_427 = arith.constant 32 : index
      %get3A_428 = tpu.vector_load %arg10[%get3A_426, %get3A_427] {strides = array<i32>} : memref<128x128xf32, #tpu.memory_space<vmem>>, vector<1x16xf32>,
      %get3A_429 = vector.shape_cast %get3A_428 : vector<1x16xf32> to vector<16xf32>
      %get3A_430 = arith.index_cast %scan3A_370 : i32 to index
      %get3A_431 = arith.constant 32 : index
      %get3A_432 = tpu.vector_load %arg11[%get3A_430, %get3A_431] {strides = array<i32>} : memref<128x64xf32, #tpu.memory_space<vmem>>, vector<1x16xf32>,
      %get3A_433 = vector.shape_cast %get3A_432 : vector<1x16xf32> to vector<16xf32>
      %mul3A_434 = arith.constant 5.000000e-01 : f32
      %mul3A_435 = vector.broadcast %mul3A_434 : f32 to vector<16xf32>
      %mul3A_436 = arith.mulf %mul3A_435, %get3A_425 : vector<16xf32>
      %mul3A_437 = arith.constant 5.000000e-01 : f32
      %mul3A_438 = vector.broadcast %mul3A_437 : f32 to vector<16xf32>
      %mul3A_439 = arith.mulf %mul3A_438, %get3A_429 : vector<16xf32>
      %add3A_440 = arith.addf %mul3A_436, %mul3A_439 : vector<16xf32>
      %mul3A_441 = arith.mulf %add3A_440, %add3A_440 : vector<16xf32>
      %mul3A_442 = arith.constant 2.000000e+00 : f32
      %mul3A_443 = vector.broadcast %mul3A_442 : f32 to vector<16xf32>
      %mul3A_444 = arith.mulf %mul3A_443, %add3A_440 : vector<16xf32>
      %mul3A_445 = arith.mulf %mul3A_444, %get3A_433 : vector<16xf32>
      %sub3A_446 = arith.subf %mul3A_441, %mul3A_445 : vector<16xf32>
      %add3A_447 = arith.addf %add3A_421, %sub3A_446 : vector<16xf32>
      %get3A_448 = arith.index_cast %scan3A_370 : i32 to index
      %get3A_449 = arith.constant 48 : index
      %get3A_450 = tpu.vector_load %arg9[%get3A_448, %get3A_449] {strides = array<i32>} : memref<128x128xf32, #tpu.memory_space<vmem>>, vector<1x16xf32>,
      %get3A_451 = vector.shape_cast %get3A_450 : vector<1x16xf32> to vector<16xf32>
      %get3A_452 = arith.index_cast %scan3A_370 : i32 to index
      %get3A_453 = arith.constant 48 : index
      %get3A_454 = tpu.vector_load %arg10[%get3A_452, %get3A_453] {strides = array<i32>} : memref<128x128xf32, #tpu.memory_space<vmem>>, vector<1x16xf32>,
      %get3A_455 = vector.shape_cast %get3A_454 : vector<1x16xf32> to vector<16xf32>
      %get3A_456 = arith.index_cast %scan3A_370 : i32 to index
      %get3A_457 = arith.constant 48 : index
      %get3A_458 = tpu.vector_load %arg11[%get3A_456, %get3A_457] {strides = array<i32>} : memref<128x64xf32, #tpu.memory_space<vmem>>, vector<1x16xf32>,
      %get3A_459 = vector.shape_cast %get3A_458 : vector<1x16xf32> to vector<16xf32>
      %mul3A_460 = arith.constant 5.000000e-01 : f32
      %mul3A_461 = vector.broadcast %mul3A_460 : f32 to vector<16xf32>
      %mul3A_462 = arith.mulf %mul3A_461, %get3A_451 : vector<16xf32>
      %mul3A_463 = arith.constant 5.000000e-01 : f32
      %mul3A_464 = vector.broadcast %mul3A_463 : f32 to vector<16xf32>
      %mul3A_465 = arith.mulf %mul3A_464, %get3A_455 : vector<16xf32>
      %add3A_466 = arith.addf %mul3A_462, %mul3A_465 : vector<16xf32>
      %mul3A_467 = arith.mulf %add3A_466, %add3A_466 : vector<16xf32>
      %mul3A_468 = arith.constant 2.000000e+00 : f32
      %mul3A_469 = vector.broadcast %mul3A_468 : f32 to vector<16xf32>
      %mul3A_470 = arith.mulf %mul3A_469, %add3A_466 : vector<16xf32>
      %mul3A_471 = arith.mulf %mul3A_470, %get3A_459 : vector<16xf32>
      %sub3A_472 = arith.subf %mul3A_467, %mul3A_471 : vector<16xf32>
      %add3A_473 = arith.addf %add3A_447, %sub3A_472 : vector<16xf32>
      scf.yield %add3A_473 : vector<16xf32>
    }
    %scan3A_136 = arith.constant 128 : i32
    %dma_start3A_137 = arith.constant 3 : i32
    %dma_start3A_138 = arith.constant 0 : i32
    %dma_start3A_139 = tpu.memref_slice %arg7[%dma_start3A_137, %dma_start3A_138] : memref<8x128xi32, #tpu.memory_space<vmem>> -> memref<1x128xi32, #tpu.memory_space<vmem>>
    %dma_start3A_140 = tpu.memref_squeeze %dma_start3A_139 : memref<1x128xi32, #tpu.memory_space<vmem>> -> memref<128xi32, #tpu.memory_space<vmem>>
    %dma_start3A_141 = arith.constant 0 : i32
    %dma_start3A_142 = arith.constant 0 : i32
    %dma_start3A_143 = tpu.memref_slice %arg4[%dma_start3A_141, %dma_start3A_142] : memref<1000x128xf32, #tpu.memory_space<hbm>> -> memref<1000x128xf32, #tpu.memory_space<hbm>>
    tpu.enqueue_indirect_dma source(%dma_start3A_143 : memref<1000x128xf32, #tpu.memory_space<hbm>>) target(%arg9 : memref<128x128xf32, #tpu.memory_space<vmem>>) offsets(%dma_start3A_140 : memref<128xi32, #tpu.memory_space<vmem>>) semaphore(%arg13 : memref<!tpu.dma_semaphore, #tpu.memory_space<semaphore_mem>>)
    %dma_start3A_144 = arith.constant 3 : i32
    %dma_start3A_145 = arith.constant 0 : i32
    %dma_start3A_146 = tpu.memref_slice %arg8[%dma_start3A_144, %dma_start3A_145] : memref<8x128xi32, #tpu.memory_space<vmem>> -> memref<1x128xi32, #tpu.memory_space<vmem>>
    %dma_start3A_147 = tpu.memref_squeeze %dma_start3A_146 : memref<1x128xi32, #tpu.memory_space<vmem>> -> memref<128xi32, #tpu.memory_space<vmem>>
    %dma_start3A_148 = arith.constant 0 : i32
    %dma_start3A_149 = arith.constant 0 : i32
    %dma_start3A_150 = tpu.memref_slice %arg4[%dma_start3A_148, %dma_start3A_149] : memref<1000x128xf32, #tpu.memory_space<hbm>> -> memref<1000x128xf32, #tpu.memory_space<hbm>>
    tpu.enqueue_indirect_dma source(%dma_start3A_150 : memref<1000x128xf32, #tpu.memory_space<hbm>>) target(%arg10 : memref<128x128xf32, #tpu.memory_space<vmem>>) offsets(%dma_start3A_147 : memref<128xi32, #tpu.memory_space<vmem>>) semaphore(%arg13 : memref<!tpu.dma_semaphore, #tpu.memory_space<semaphore_mem>>)
    %dma_start3A_151 = arith.constant 384 : i32
    %dma_start3A_152 = arith.constant 0 : i32
    %dma_start3A_153 = tpu.memref_slice %arg5[%dma_start3A_151, %dma_start3A_152] : memref<1024x64xf32, #tpu.memory_space<hbm>> -> memref<128x64xf32, #tpu.memory_space<hbm>>
    %dma_start3A_154 = arith.constant 384 : i32
    %dma_start3A_155 = arith.constant 0 : i32
    %dma_start3A_156 = tpu.memref_slice %arg5[%dma_start3A_154, %dma_start3A_155] : memref<1024x64xf32, #tpu.memory_space<hbm>> -> memref<128x64xf32, #tpu.memory_space<hbm>>
    tpu.enqueue_dma source(%dma_start3A_156 : memref<128x64xf32, #tpu.memory_space<hbm>>) target(%arg11 : memref<128x64xf32, #tpu.memory_space<vmem>>) target_semaphore(%arg13 : memref<!tpu.dma_semaphore, #tpu.memory_space<semaphore_mem>>)
    %dma_wait3A_157 = arith.constant 3 : i32
    %dma_wait3A_158 = arith.constant 0 : i32
    %dma_wait3A_159 = tpu.memref_slice %arg7[%dma_wait3A_157, %dma_wait3A_158] : memref<8x128xi32, #tpu.memory_space<vmem>> -> memref<1x128xi32, #tpu.memory_space<vmem>>
    %dma_wait3A_160 = tpu.memref_squeeze %dma_wait3A_159 : memref<1x128xi32, #tpu.memory_space<vmem>> -> memref<128xi32, #tpu.memory_space<vmem>>
    %dma_wait3A_161 = arith.constant 0 : i32
    %dma_wait3A_162 = arith.constant 0 : i32
    %dma_wait3A_163 = tpu.memref_slice %arg4[%dma_wait3A_161, %dma_wait3A_162] : memref<1000x128xf32, #tpu.memory_space<hbm>> -> memref<1000x128xf32, #tpu.memory_space<hbm>>
    tpu.wait_indirect_dma semaphore(%arg13 : memref<!tpu.dma_semaphore, #tpu.memory_space<semaphore_mem>>) src(%dma_wait3A_163 : memref<1000x128xf32, #tpu.memory_space<hbm>>) dst(%arg9 : memref<128x128xf32, #tpu.memory_space<vmem>>)
    %dma_wait3A_164 = arith.constant 3 : i32
    %dma_wait3A_165 = arith.constant 0 : i32
    %dma_wait3A_166 = tpu.memref_slice %arg8[%dma_wait3A_164, %dma_wait3A_165] : memref<8x128xi32, #tpu.memory_space<vmem>> -> memref<1x128xi32, #tpu.memory_space<vmem>>
    %dma_wait3A_167 = tpu.memref_squeeze %dma_wait3A_166 : memref<1x128xi32, #tpu.memory_space<vmem>> -> memref<128xi32, #tpu.memory_space<vmem>>
    %dma_wait3A_168 = arith.constant 0 : i32
    %dma_wait3A_169 = arith.constant 0 : i32
    %dma_wait3A_170 = tpu.memref_slice %arg4[%dma_wait3A_168, %dma_wait3A_169] : memref<1000x128xf32, #tpu.memory_space<hbm>> -> memref<1000x128xf32, #tpu.memory_space<hbm>>
    tpu.wait_indirect_dma semaphore(%arg13 : memref<!tpu.dma_semaphore, #tpu.memory_space<semaphore_mem>>) src(%dma_wait3A_170 : memref<1000x128xf32, #tpu.memory_space<hbm>>) dst(%arg10 : memref<128x128xf32, #tpu.memory_space<vmem>>)
    %dma_wait3A_171 = arith.constant 384 : i32
    %dma_wait3A_172 = arith.constant 0 : i32
    %dma_wait3A_173 = tpu.memref_slice %arg5[%dma_wait3A_171, %dma_wait3A_172] : memref<1024x64xf32, #tpu.memory_space<hbm>> -> memref<128x64xf32, #tpu.memory_space<hbm>>
    %dma_wait3A_174 = arith.constant 384 : i32
    %dma_wait3A_175 = arith.constant 0 : i32
    %dma_wait3A_176 = tpu.memref_slice %arg5[%dma_wait3A_174, %dma_wait3A_175] : memref<1024x64xf32, #tpu.memory_space<hbm>> -> memref<128x64xf32, #tpu.memory_space<hbm>>
    tpu.wait_dma2 semaphore(%arg13 : memref<!tpu.dma_semaphore, #tpu.memory_space<semaphore_mem>>) src(%dma_wait3A_176 : memref<128x64xf32, #tpu.memory_space<hbm>>) dst(%arg11 : memref<128x64xf32, #tpu.memory_space<vmem>>)
    %scan3A_177 = arith.constant 0 : i32
    %scan3A_178 = arith.constant 128 : i32
    %scan3A_179 = arith.addi %scan3A_177, %scan3A_178 : i32
    %scan3A_180 = arith.constant 1 : i32
    %scan3A_181 = scf.for %scan3A_370 = %scan3A_177 to %scan3A_179 step %scan3A_180 iter_args(%scan3A_371 = %scan3A_135) -> (vector<16xf32>)  : i32 {
      %get3A = arith.index_cast %scan3A_370 : i32 to index
      %get3A_372 = arith.constant 0 : index
      %get3A_373 = tpu.vector_load %arg9[%get3A, %get3A_372] {strides = array<i32>} : memref<128x128xf32, #tpu.memory_space<vmem>>, vector<1x16xf32>,
      %get3A_374 = vector.shape_cast %get3A_373 : vector<1x16xf32> to vector<16xf32>
      %get3A_375 = arith.index_cast %scan3A_370 : i32 to index
      %get3A_376 = arith.constant 0 : index
      %get3A_377 = tpu.vector_load %arg10[%get3A_375, %get3A_376] {strides = array<i32>} : memref<128x128xf32, #tpu.memory_space<vmem>>, vector<1x16xf32>,
      %get3A_378 = vector.shape_cast %get3A_377 : vector<1x16xf32> to vector<16xf32>
      %get3A_379 = arith.index_cast %scan3A_370 : i32 to index
      %get3A_380 = arith.constant 0 : index
      %get3A_381 = tpu.vector_load %arg11[%get3A_379, %get3A_380] {strides = array<i32>} : memref<128x64xf32, #tpu.memory_space<vmem>>, vector<1x16xf32>,
      %get3A_382 = vector.shape_cast %get3A_381 : vector<1x16xf32> to vector<16xf32>
      %mul3A_383 = arith.constant 5.000000e-01 : f32
      %mul3A_384 = vector.broadcast %mul3A_383 : f32 to vector<16xf32>
      %mul3A_385 = arith.mulf %mul3A_384, %get3A_374 : vector<16xf32>
      %mul3A_386 = arith.constant 5.000000e-01 : f32
      %mul3A_387 = vector.broadcast %mul3A_386 : f32 to vector<16xf32>
      %mul3A_388 = arith.mulf %mul3A_387, %get3A_378 : vector<16xf32>
      %add3A_389 = arith.addf %mul3A_385, %mul3A_388 : vector<16xf32>
      %mul3A_390 = arith.mulf %add3A_389, %add3A_389 : vector<16xf32>
      %mul3A_391 = arith.constant 2.000000e+00 : f32
      %mul3A_392 = vector.broadcast %mul3A_391 : f32 to vector<16xf32>
      %mul3A_393 = arith.mulf %mul3A_392, %add3A_389 : vector<16xf32>
      %mul3A_394 = arith.mulf %mul3A_393, %get3A_382 : vector<16xf32>
      %sub3A = arith.subf %mul3A_390, %mul3A_394 : vector<16xf32>
      %add3A_395 = arith.addf %scan3A_371, %sub3A : vector<16xf32>
      %get3A_396 = arith.index_cast %scan3A_370 : i32 to index
      %get3A_397 = arith.constant 16 : index
      %get3A_398 = tpu.vector_load %arg9[%get3A_396, %get3A_397] {strides = array<i32>} : memref<128x128xf32, #tpu.memory_space<vmem>>, vector<1x16xf32>,
      %get3A_399 = vector.shape_cast %get3A_398 : vector<1x16xf32> to vector<16xf32>
      %get3A_400 = arith.index_cast %scan3A_370 : i32 to index
      %get3A_401 = arith.constant 16 : index
      %get3A_402 = tpu.vector_load %arg10[%get3A_400, %get3A_401] {strides = array<i32>} : memref<128x128xf32, #tpu.memory_space<vmem>>, vector<1x16xf32>,
      %get3A_403 = vector.shape_cast %get3A_402 : vector<1x16xf32> to vector<16xf32>
      %get3A_404 = arith.index_cast %scan3A_370 : i32 to index
      %get3A_405 = arith.constant 16 : index
      %get3A_406 = tpu.vector_load %arg11[%get3A_404, %get3A_405] {strides = array<i32>} : memref<128x64xf32, #tpu.memory_space<vmem>>, vector<1x16xf32>,
      %get3A_407 = vector.shape_cast %get3A_406 : vector<1x16xf32> to vector<16xf32>
      %mul3A_408 = arith.constant 5.000000e-01 : f32
      %mul3A_409 = vector.broadcast %mul3A_408 : f32 to vector<16xf32>
      %mul3A_410 = arith.mulf %mul3A_409, %get3A_399 : vector<16xf32>
      %mul3A_411 = arith.constant 5.000000e-01 : f32
      %mul3A_412 = vector.broadcast %mul3A_411 : f32 to vector<16xf32>
      %mul3A_413 = arith.mulf %mul3A_412, %get3A_403 : vector<16xf32>
      %add3A_414 = arith.addf %mul3A_410, %mul3A_413 : vector<16xf32>
      %mul3A_415 = arith.mulf %add3A_414, %add3A_414 : vector<16xf32>
      %mul3A_416 = arith.constant 2.000000e+00 : f32
      %mul3A_417 = vector.broadcast %mul3A_416 : f32 to vector<16xf32>
      %mul3A_418 = arith.mulf %mul3A_417, %add3A_414 : vector<16xf32>
      %mul3A_419 = arith.mulf %mul3A_418, %get3A_407 : vector<16xf32>
      %sub3A_420 = arith.subf %mul3A_415, %mul3A_419 : vector<16xf32>
      %add3A_421 = arith.addf %add3A_395, %sub3A_420 : vector<16xf32>
      %get3A_422 = arith.index_cast %scan3A_370 : i32 to index
      %get3A_423 = arith.constant 32 : index
      %get3A_424 = tpu.vector_load %arg9[%get3A_422, %get3A_423] {strides = array<i32>} : memref<128x128xf32, #tpu.memory_space<vmem>>, vector<1x16xf32>,
      %get3A_425 = vector.shape_cast %get3A_424 : vector<1x16xf32> to vector<16xf32>
      %get3A_426 = arith.index_cast %scan3A_370 : i32 to index
      %get3A_427 = arith.constant 32 : index
      %get3A_428 = tpu.vector_load %arg10[%get3A_426, %get3A_427] {strides = array<i32>} : memref<128x128xf32, #tpu.memory_space<vmem>>, vector<1x16xf32>,
      %get3A_429 = vector.shape_cast %get3A_428 : vector<1x16xf32> to vector<16xf32>
      %get3A_430 = arith.index_cast %scan3A_370 : i32 to index
      %get3A_431 = arith.constant 32 : index
      %get3A_432 = tpu.vector_load %arg11[%get3A_430, %get3A_431] {strides = array<i32>} : memref<128x64xf32, #tpu.memory_space<vmem>>, vector<1x16xf32>,
      %get3A_433 = vector.shape_cast %get3A_432 : vector<1x16xf32> to vector<16xf32>
      %mul3A_434 = arith.constant 5.000000e-01 : f32
      %mul3A_435 = vector.broadcast %mul3A_434 : f32 to vector<16xf32>
      %mul3A_436 = arith.mulf %mul3A_435, %get3A_425 : vector<16xf32>
      %mul3A_437 = arith.constant 5.000000e-01 : f32
      %mul3A_438 = vector.broadcast %mul3A_437 : f32 to vector<16xf32>
      %mul3A_439 = arith.mulf %mul3A_438, %get3A_429 : vector<16xf32>
      %add3A_440 = arith.addf %mul3A_436, %mul3A_439 : vector<16xf32>
      %mul3A_441 = arith.mulf %add3A_440, %add3A_440 : vector<16xf32>
      %mul3A_442 = arith.constant 2.000000e+00 : f32
      %mul3A_443 = vector.broadcast %mul3A_442 : f32 to vector<16xf32>
      %mul3A_444 = arith.mulf %mul3A_443, %add3A_440 : vector<16xf32>
      %mul3A_445 = arith.mulf %mul3A_444, %get3A_433 : vector<16xf32>
      %sub3A_446 = arith.subf %mul3A_441, %mul3A_445 : vector<16xf32>
      %add3A_447 = arith.addf %add3A_421, %sub3A_446 : vector<16xf32>
      %get3A_448 = arith.index_cast %scan3A_370 : i32 to index
      %get3A_449 = arith.constant 48 : index
      %get3A_450 = tpu.vector_load %arg9[%get3A_448, %get3A_449] {strides = array<i32>} : memref<128x128xf32, #tpu.memory_space<vmem>>, vector<1x16xf32>,
      %get3A_451 = vector.shape_cast %get3A_450 : vector<1x16xf32> to vector<16xf32>
      %get3A_452 = arith.index_cast %scan3A_370 : i32 to index
      %get3A_453 = arith.constant 48 : index
      %get3A_454 = tpu.vector_load %arg10[%get3A_452, %get3A_453] {strides = array<i32>} : memref<128x128xf32, #tpu.memory_space<vmem>>, vector<1x16xf32>,
      %get3A_455 = vector.shape_cast %get3A_454 : vector<1x16xf32> to vector<16xf32>
      %get3A_456 = arith.index_cast %scan3A_370 : i32 to index
      %get3A_457 = arith.constant 48 : index
      %get3A_458 = tpu.vector_load %arg11[%get3A_456, %get3A_457] {strides = array<i32>} : memref<128x64xf32, #tpu.memory_space<vmem>>, vector<1x16xf32>,
      %get3A_459 = vector.shape_cast %get3A_458 : vector<1x16xf32> to vector<16xf32>
      %mul3A_460 = arith.constant 5.000000e-01 : f32
      %mul3A_461 = vector.broadcast %mul3A_460 : f32 to vector<16xf32>
      %mul3A_462 = arith.mulf %mul3A_461, %get3A_451 : vector<16xf32>
      %mul3A_463 = arith.constant 5.000000e-01 : f32
      %mul3A_464 = vector.broadcast %mul3A_463 : f32 to vector<16xf32>
      %mul3A_465 = arith.mulf %mul3A_464, %get3A_455 : vector<16xf32>
      %add3A_466 = arith.addf %mul3A_462, %mul3A_465 : vector<16xf32>
      %mul3A_467 = arith.mulf %add3A_466, %add3A_466 : vector<16xf32>
      %mul3A_468 = arith.constant 2.000000e+00 : f32
      %mul3A_469 = vector.broadcast %mul3A_468 : f32 to vector<16xf32>
      %mul3A_470 = arith.mulf %mul3A_469, %add3A_466 : vector<16xf32>
      %mul3A_471 = arith.mulf %mul3A_470, %get3A_459 : vector<16xf32>
      %sub3A_472 = arith.subf %mul3A_467, %mul3A_471 : vector<16xf32>
      %add3A_473 = arith.addf %add3A_447, %sub3A_472 : vector<16xf32>
      scf.yield %add3A_473 : vector<16xf32>
    }
    %scan3A_182 = arith.constant 128 : i32
    %dma_start3A_183 = arith.constant 4 : i32
    %dma_start3A_184 = arith.constant 0 : i32
    %dma_start3A_185 = tpu.memref_slice %arg7[%dma_start3A_183, %dma_start3A_184] : memref<8x128xi32, #tpu.memory_space<vmem>> -> memref<1x128xi32, #tpu.memory_space<vmem>>
    %dma_start3A_186 = tpu.memref_squeeze %dma_start3A_185 : memref<1x128xi32, #tpu.memory_space<vmem>> -> memref<128xi32, #tpu.memory_space<vmem>>
    %dma_start3A_187 = arith.constant 0 : i32
    %dma_start3A_188 = arith.constant 0 : i32
    %dma_start3A_189 = tpu.memref_slice %arg4[%dma_start3A_187, %dma_start3A_188] : memref<1000x128xf32, #tpu.memory_space<hbm>> -> memref<1000x128xf32, #tpu.memory_space<hbm>>
    tpu.enqueue_indirect_dma source(%dma_start3A_189 : memref<1000x128xf32, #tpu.memory_space<hbm>>) target(%arg9 : memref<128x128xf32, #tpu.memory_space<vmem>>) offsets(%dma_start3A_186 : memref<128xi32, #tpu.memory_space<vmem>>) semaphore(%arg13 : memref<!tpu.dma_semaphore, #tpu.memory_space<semaphore_mem>>)
    %dma_start3A_190 = arith.constant 4 : i32
    %dma_start3A_191 = arith.constant 0 : i32
    %dma_start3A_192 = tpu.memref_slice %arg8[%dma_start3A_190, %dma_start3A_191] : memref<8x128xi32, #tpu.memory_space<vmem>> -> memref<1x128xi32, #tpu.memory_space<vmem>>
    %dma_start3A_193 = tpu.memref_squeeze %dma_start3A_192 : memref<1x128xi32, #tpu.memory_space<vmem>> -> memref<128xi32, #tpu.memory_space<vmem>>
    %dma_start3A_194 = arith.constant 0 : i32
    %dma_start3A_195 = arith.constant 0 : i32
    %dma_start3A_196 = tpu.memref_slice %arg4[%dma_start3A_194, %dma_start3A_195] : memref<1000x128xf32, #tpu.memory_space<hbm>> -> memref<1000x128xf32, #tpu.memory_space<hbm>>
    tpu.enqueue_indirect_dma source(%dma_start3A_196 : memref<1000x128xf32, #tpu.memory_space<hbm>>) target(%arg10 : memref<128x128xf32, #tpu.memory_space<vmem>>) offsets(%dma_start3A_193 : memref<128xi32, #tpu.memory_space<vmem>>) semaphore(%arg13 : memref<!tpu.dma_semaphore, #tpu.memory_space<semaphore_mem>>)
    %dma_start3A_197 = arith.constant 512 : i32
    %dma_start3A_198 = arith.constant 0 : i32
    %dma_start3A_199 = tpu.memref_slice %arg5[%dma_start3A_197, %dma_start3A_198] : memref<1024x64xf32, #tpu.memory_space<hbm>> -> memref<128x64xf32, #tpu.memory_space<hbm>>
    %dma_start3A_200 = arith.constant 512 : i32
    %dma_start3A_201 = arith.constant 0 : i32
    %dma_start3A_202 = tpu.memref_slice %arg5[%dma_start3A_200, %dma_start3A_201] : memref<1024x64xf32, #tpu.memory_space<hbm>> -> memref<128x64xf32, #tpu.memory_space<hbm>>
    tpu.enqueue_dma source(%dma_start3A_202 : memref<128x64xf32, #tpu.memory_space<hbm>>) target(%arg11 : memref<128x64xf32, #tpu.memory_space<vmem>>) target_semaphore(%arg13 : memref<!tpu.dma_semaphore, #tpu.memory_space<semaphore_mem>>)
    %dma_wait3A_203 = arith.constant 4 : i32
    %dma_wait3A_204 = arith.constant 0 : i32
    %dma_wait3A_205 = tpu.memref_slice %arg7[%dma_wait3A_203, %dma_wait3A_204] : memref<8x128xi32, #tpu.memory_space<vmem>> -> memref<1x128xi32, #tpu.memory_space<vmem>>
    %dma_wait3A_206 = tpu.memref_squeeze %dma_wait3A_205 : memref<1x128xi32, #tpu.memory_space<vmem>> -> memref<128xi32, #tpu.memory_space<vmem>>
    %dma_wait3A_207 = arith.constant 0 : i32
    %dma_wait3A_208 = arith.constant 0 : i32
    %dma_wait3A_209 = tpu.memref_slice %arg4[%dma_wait3A_207, %dma_wait3A_208] : memref<1000x128xf32, #tpu.memory_space<hbm>> -> memref<1000x128xf32, #tpu.memory_space<hbm>>
    tpu.wait_indirect_dma semaphore(%arg13 : memref<!tpu.dma_semaphore, #tpu.memory_space<semaphore_mem>>) src(%dma_wait3A_209 : memref<1000x128xf32, #tpu.memory_space<hbm>>) dst(%arg9 : memref<128x128xf32, #tpu.memory_space<vmem>>)
    %dma_wait3A_210 = arith.constant 4 : i32
    %dma_wait3A_211 = arith.constant 0 : i32
    %dma_wait3A_212 = tpu.memref_slice %arg8[%dma_wait3A_210, %dma_wait3A_211] : memref<8x128xi32, #tpu.memory_space<vmem>> -> memref<1x128xi32, #tpu.memory_space<vmem>>
    %dma_wait3A_213 = tpu.memref_squeeze %dma_wait3A_212 : memref<1x128xi32, #tpu.memory_space<vmem>> -> memref<128xi32, #tpu.memory_space<vmem>>
    %dma_wait3A_214 = arith.constant 0 : i32
    %dma_wait3A_215 = arith.constant 0 : i32
    %dma_wait3A_216 = tpu.memref_slice %arg4[%dma_wait3A_214, %dma_wait3A_215] : memref<1000x128xf32, #tpu.memory_space<hbm>> -> memref<1000x128xf32, #tpu.memory_space<hbm>>
    tpu.wait_indirect_dma semaphore(%arg13 : memref<!tpu.dma_semaphore, #tpu.memory_space<semaphore_mem>>) src(%dma_wait3A_216 : memref<1000x128xf32, #tpu.memory_space<hbm>>) dst(%arg10 : memref<128x128xf32, #tpu.memory_space<vmem>>)
    %dma_wait3A_217 = arith.constant 512 : i32
    %dma_wait3A_218 = arith.constant 0 : i32
    %dma_wait3A_219 = tpu.memref_slice %arg5[%dma_wait3A_217, %dma_wait3A_218] : memref<1024x64xf32, #tpu.memory_space<hbm>> -> memref<128x64xf32, #tpu.memory_space<hbm>>
    %dma_wait3A_220 = arith.constant 512 : i32
    %dma_wait3A_221 = arith.constant 0 : i32
    %dma_wait3A_222 = tpu.memref_slice %arg5[%dma_wait3A_220, %dma_wait3A_221] : memref<1024x64xf32, #tpu.memory_space<hbm>> -> memref<128x64xf32, #tpu.memory_space<hbm>>
    tpu.wait_dma2 semaphore(%arg13 : memref<!tpu.dma_semaphore, #tpu.memory_space<semaphore_mem>>) src(%dma_wait3A_222 : memref<128x64xf32, #tpu.memory_space<hbm>>) dst(%arg11 : memref<128x64xf32, #tpu.memory_space<vmem>>)
    %scan3A_223 = arith.constant 0 : i32
    %scan3A_224 = arith.constant 128 : i32
    %scan3A_225 = arith.addi %scan3A_223, %scan3A_224 : i32
    %scan3A_226 = arith.constant 1 : i32
    %scan3A_227 = scf.for %scan3A_370 = %scan3A_223 to %scan3A_225 step %scan3A_226 iter_args(%scan3A_371 = %scan3A_181) -> (vector<16xf32>)  : i32 {
      %get3A = arith.index_cast %scan3A_370 : i32 to index
      %get3A_372 = arith.constant 0 : index
      %get3A_373 = tpu.vector_load %arg9[%get3A, %get3A_372] {strides = array<i32>} : memref<128x128xf32, #tpu.memory_space<vmem>>, vector<1x16xf32>,
      %get3A_374 = vector.shape_cast %get3A_373 : vector<1x16xf32> to vector<16xf32>
      %get3A_375 = arith.index_cast %scan3A_370 : i32 to index
      %get3A_376 = arith.constant 0 : index
      %get3A_377 = tpu.vector_load %arg10[%get3A_375, %get3A_376] {strides = array<i32>} : memref<128x128xf32, #tpu.memory_space<vmem>>, vector<1x16xf32>,
      %get3A_378 = vector.shape_cast %get3A_377 : vector<1x16xf32> to vector<16xf32>
      %get3A_379 = arith.index_cast %scan3A_370 : i32 to index
      %get3A_380 = arith.constant 0 : index
      %get3A_381 = tpu.vector_load %arg11[%get3A_379, %get3A_380] {strides = array<i32>} : memref<128x64xf32, #tpu.memory_space<vmem>>, vector<1x16xf32>,
      %get3A_382 = vector.shape_cast %get3A_381 : vector<1x16xf32> to vector<16xf32>
      %mul3A_383 = arith.constant 5.000000e-01 : f32
      %mul3A_384 = vector.broadcast %mul3A_383 : f32 to vector<16xf32>
      %mul3A_385 = arith.mulf %mul3A_384, %get3A_374 : vector<16xf32>
      %mul3A_386 = arith.constant 5.000000e-01 : f32
      %mul3A_387 = vector.broadcast %mul3A_386 : f32 to vector<16xf32>
      %mul3A_388 = arith.mulf %mul3A_387, %get3A_378 : vector<16xf32>
      %add3A_389 = arith.addf %mul3A_385, %mul3A_388 : vector<16xf32>
      %mul3A_390 = arith.mulf %add3A_389, %add3A_389 : vector<16xf32>
      %mul3A_391 = arith.constant 2.000000e+00 : f32
      %mul3A_392 = vector.broadcast %mul3A_391 : f32 to vector<16xf32>
      %mul3A_393 = arith.mulf %mul3A_392, %add3A_389 : vector<16xf32>
      %mul3A_394 = arith.mulf %mul3A_393, %get3A_382 : vector<16xf32>
      %sub3A = arith.subf %mul3A_390, %mul3A_394 : vector<16xf32>
      %add3A_395 = arith.addf %scan3A_371, %sub3A : vector<16xf32>
      %get3A_396 = arith.index_cast %scan3A_370 : i32 to index
      %get3A_397 = arith.constant 16 : index
      %get3A_398 = tpu.vector_load %arg9[%get3A_396, %get3A_397] {strides = array<i32>} : memref<128x128xf32, #tpu.memory_space<vmem>>, vector<1x16xf32>,
      %get3A_399 = vector.shape_cast %get3A_398 : vector<1x16xf32> to vector<16xf32>
      %get3A_400 = arith.index_cast %scan3A_370 : i32 to index
      %get3A_401 = arith.constant 16 : index
      %get3A_402 = tpu.vector_load %arg10[%get3A_400, %get3A_401] {strides = array<i32>} : memref<128x128xf32, #tpu.memory_space<vmem>>, vector<1x16xf32>,
      %get3A_403 = vector.shape_cast %get3A_402 : vector<1x16xf32> to vector<16xf32>
      %get3A_404 = arith.index_cast %scan3A_370 : i32 to index
      %get3A_405 = arith.constant 16 : index
      %get3A_406 = tpu.vector_load %arg11[%get3A_404, %get3A_405] {strides = array<i32>} : memref<128x64xf32, #tpu.memory_space<vmem>>, vector<1x16xf32>,
      %get3A_407 = vector.shape_cast %get3A_406 : vector<1x16xf32> to vector<16xf32>
      %mul3A_408 = arith.constant 5.000000e-01 : f32
      %mul3A_409 = vector.broadcast %mul3A_408 : f32 to vector<16xf32>
      %mul3A_410 = arith.mulf %mul3A_409, %get3A_399 : vector<16xf32>
      %mul3A_411 = arith.constant 5.000000e-01 : f32
      %mul3A_412 = vector.broadcast %mul3A_411 : f32 to vector<16xf32>
      %mul3A_413 = arith.mulf %mul3A_412, %get3A_403 : vector<16xf32>
      %add3A_414 = arith.addf %mul3A_410, %mul3A_413 : vector<16xf32>
      %mul3A_415 = arith.mulf %add3A_414, %add3A_414 : vector<16xf32>
      %mul3A_416 = arith.constant 2.000000e+00 : f32
      %mul3A_417 = vector.broadcast %mul3A_416 : f32 to vector<16xf32>
      %mul3A_418 = arith.mulf %mul3A_417, %add3A_414 : vector<16xf32>
      %mul3A_419 = arith.mulf %mul3A_418, %get3A_407 : vector<16xf32>
      %sub3A_420 = arith.subf %mul3A_415, %mul3A_419 : vector<16xf32>
      %add3A_421 = arith.addf %add3A_395, %sub3A_420 : vector<16xf32>
      %get3A_422 = arith.index_cast %scan3A_370 : i32 to index
      %get3A_423 = arith.constant 32 : index
      %get3A_424 = tpu.vector_load %arg9[%get3A_422, %get3A_423] {strides = array<i32>} : memref<128x128xf32, #tpu.memory_space<vmem>>, vector<1x16xf32>,
      %get3A_425 = vector.shape_cast %get3A_424 : vector<1x16xf32> to vector<16xf32>
      %get3A_426 = arith.index_cast %scan3A_370 : i32 to index
      %get3A_427 = arith.constant 32 : index
      %get3A_428 = tpu.vector_load %arg10[%get3A_426, %get3A_427] {strides = array<i32>} : memref<128x128xf32, #tpu.memory_space<vmem>>, vector<1x16xf32>,
      %get3A_429 = vector.shape_cast %get3A_428 : vector<1x16xf32> to vector<16xf32>
      %get3A_430 = arith.index_cast %scan3A_370 : i32 to index
      %get3A_431 = arith.constant 32 : index
      %get3A_432 = tpu.vector_load %arg11[%get3A_430, %get3A_431] {strides = array<i32>} : memref<128x64xf32, #tpu.memory_space<vmem>>, vector<1x16xf32>,
      %get3A_433 = vector.shape_cast %get3A_432 : vector<1x16xf32> to vector<16xf32>
      %mul3A_434 = arith.constant 5.000000e-01 : f32
      %mul3A_435 = vector.broadcast %mul3A_434 : f32 to vector<16xf32>
      %mul3A_436 = arith.mulf %mul3A_435, %get3A_425 : vector<16xf32>
      %mul3A_437 = arith.constant 5.000000e-01 : f32
      %mul3A_438 = vector.broadcast %mul3A_437 : f32 to vector<16xf32>
      %mul3A_439 = arith.mulf %mul3A_438, %get3A_429 : vector<16xf32>
      %add3A_440 = arith.addf %mul3A_436, %mul3A_439 : vector<16xf32>
      %mul3A_441 = arith.mulf %add3A_440, %add3A_440 : vector<16xf32>
      %mul3A_442 = arith.constant 2.000000e+00 : f32
      %mul3A_443 = vector.broadcast %mul3A_442 : f32 to vector<16xf32>
      %mul3A_444 = arith.mulf %mul3A_443, %add3A_440 : vector<16xf32>
      %mul3A_445 = arith.mulf %mul3A_444, %get3A_433 : vector<16xf32>
      %sub3A_446 = arith.subf %mul3A_441, %mul3A_445 : vector<16xf32>
      %add3A_447 = arith.addf %add3A_421, %sub3A_446 : vector<16xf32>
      %get3A_448 = arith.index_cast %scan3A_370 : i32 to index
      %get3A_449 = arith.constant 48 : index
      %get3A_450 = tpu.vector_load %arg9[%get3A_448, %get3A_449] {strides = array<i32>} : memref<128x128xf32, #tpu.memory_space<vmem>>, vector<1x16xf32>,
      %get3A_451 = vector.shape_cast %get3A_450 : vector<1x16xf32> to vector<16xf32>
      %get3A_452 = arith.index_cast %scan3A_370 : i32 to index
      %get3A_453 = arith.constant 48 : index
      %get3A_454 = tpu.vector_load %arg10[%get3A_452, %get3A_453] {strides = array<i32>} : memref<128x128xf32, #tpu.memory_space<vmem>>, vector<1x16xf32>,
      %get3A_455 = vector.shape_cast %get3A_454 : vector<1x16xf32> to vector<16xf32>
      %get3A_456 = arith.index_cast %scan3A_370 : i32 to index
      %get3A_457 = arith.constant 48 : index
      %get3A_458 = tpu.vector_load %arg11[%get3A_456, %get3A_457] {strides = array<i32>} : memref<128x64xf32, #tpu.memory_space<vmem>>, vector<1x16xf32>,
      %get3A_459 = vector.shape_cast %get3A_458 : vector<1x16xf32> to vector<16xf32>
      %mul3A_460 = arith.constant 5.000000e-01 : f32
      %mul3A_461 = vector.broadcast %mul3A_460 : f32 to vector<16xf32>
      %mul3A_462 = arith.mulf %mul3A_461, %get3A_451 : vector<16xf32>
      %mul3A_463 = arith.constant 5.000000e-01 : f32
      %mul3A_464 = vector.broadcast %mul3A_463 : f32 to vector<16xf32>
      %mul3A_465 = arith.mulf %mul3A_464, %get3A_455 : vector<16xf32>
      %add3A_466 = arith.addf %mul3A_462, %mul3A_465 : vector<16xf32>
      %mul3A_467 = arith.mulf %add3A_466, %add3A_466 : vector<16xf32>
      %mul3A_468 = arith.constant 2.000000e+00 : f32
      %mul3A_469 = vector.broadcast %mul3A_468 : f32 to vector<16xf32>
      %mul3A_470 = arith.mulf %mul3A_469, %add3A_466 : vector<16xf32>
      %mul3A_471 = arith.mulf %mul3A_470, %get3A_459 : vector<16xf32>
      %sub3A_472 = arith.subf %mul3A_467, %mul3A_471 : vector<16xf32>
      %add3A_473 = arith.addf %add3A_447, %sub3A_472 : vector<16xf32>
      scf.yield %add3A_473 : vector<16xf32>
    }
    %scan3A_228 = arith.constant 128 : i32
    %dma_start3A_229 = arith.constant 5 : i32
    %dma_start3A_230 = arith.constant 0 : i32
    %dma_start3A_231 = tpu.memref_slice %arg7[%dma_start3A_229, %dma_start3A_230] : memref<8x128xi32, #tpu.memory_space<vmem>> -> memref<1x128xi32, #tpu.memory_space<vmem>>
    %dma_start3A_232 = tpu.memref_squeeze %dma_start3A_231 : memref<1x128xi32, #tpu.memory_space<vmem>> -> memref<128xi32, #tpu.memory_space<vmem>>
    %dma_start3A_233 = arith.constant 0 : i32
    %dma_start3A_234 = arith.constant 0 : i32
    %dma_start3A_235 = tpu.memref_slice %arg4[%dma_start3A_233, %dma_start3A_234] : memref<1000x128xf32, #tpu.memory_space<hbm>> -> memref<1000x128xf32, #tpu.memory_space<hbm>>
    tpu.enqueue_indirect_dma source(%dma_start3A_235 : memref<1000x128xf32, #tpu.memory_space<hbm>>) target(%arg9 : memref<128x128xf32, #tpu.memory_space<vmem>>) offsets(%dma_start3A_232 : memref<128xi32, #tpu.memory_space<vmem>>) semaphore(%arg13 : memref<!tpu.dma_semaphore, #tpu.memory_space<semaphore_mem>>)
    %dma_start3A_236 = arith.constant 5 : i32
    %dma_start3A_237 = arith.constant 0 : i32
    %dma_start3A_238 = tpu.memref_slice %arg8[%dma_start3A_236, %dma_start3A_237] : memref<8x128xi32, #tpu.memory_space<vmem>> -> memref<1x128xi32, #tpu.memory_space<vmem>>
    %dma_start3A_239 = tpu.memref_squeeze %dma_start3A_238 : memref<1x128xi32, #tpu.memory_space<vmem>> -> memref<128xi32, #tpu.memory_space<vmem>>
    %dma_start3A_240 = arith.constant 0 : i32
    %dma_start3A_241 = arith.constant 0 : i32
    %dma_start3A_242 = tpu.memref_slice %arg4[%dma_start3A_240, %dma_start3A_241] : memref<1000x128xf32, #tpu.memory_space<hbm>> -> memref<1000x128xf32, #tpu.memory_space<hbm>>
    tpu.enqueue_indirect_dma source(%dma_start3A_242 : memref<1000x128xf32, #tpu.memory_space<hbm>>) target(%arg10 : memref<128x128xf32, #tpu.memory_space<vmem>>) offsets(%dma_start3A_239 : memref<128xi32, #tpu.memory_space<vmem>>) semaphore(%arg13 : memref<!tpu.dma_semaphore, #tpu.memory_space<semaphore_mem>>)
    %dma_start3A_243 = arith.constant 640 : i32
    %dma_start3A_244 = arith.constant 0 : i32
    %dma_start3A_245 = tpu.memref_slice %arg5[%dma_start3A_243, %dma_start3A_244] : memref<1024x64xf32, #tpu.memory_space<hbm>> -> memref<128x64xf32, #tpu.memory_space<hbm>>
    %dma_start3A_246 = arith.constant 640 : i32
    %dma_start3A_247 = arith.constant 0 : i32
    %dma_start3A_248 = tpu.memref_slice %arg5[%dma_start3A_246, %dma_start3A_247] : memref<1024x64xf32, #tpu.memory_space<hbm>> -> memref<128x64xf32, #tpu.memory_space<hbm>>
    tpu.enqueue_dma source(%dma_start3A_248 : memref<128x64xf32, #tpu.memory_space<hbm>>) target(%arg11 : memref<128x64xf32, #tpu.memory_space<vmem>>) target_semaphore(%arg13 : memref<!tpu.dma_semaphore, #tpu.memory_space<semaphore_mem>>)
    %dma_wait3A_249 = arith.constant 5 : i32
    %dma_wait3A_250 = arith.constant 0 : i32
    %dma_wait3A_251 = tpu.memref_slice %arg7[%dma_wait3A_249, %dma_wait3A_250] : memref<8x128xi32, #tpu.memory_space<vmem>> -> memref<1x128xi32, #tpu.memory_space<vmem>>
    %dma_wait3A_252 = tpu.memref_squeeze %dma_wait3A_251 : memref<1x128xi32, #tpu.memory_space<vmem>> -> memref<128xi32, #tpu.memory_space<vmem>>
    %dma_wait3A_253 = arith.constant 0 : i32
    %dma_wait3A_254 = arith.constant 0 : i32
    %dma_wait3A_255 = tpu.memref_slice %arg4[%dma_wait3A_253, %dma_wait3A_254] : memref<1000x128xf32, #tpu.memory_space<hbm>> -> memref<1000x128xf32, #tpu.memory_space<hbm>>
    tpu.wait_indirect_dma semaphore(%arg13 : memref<!tpu.dma_semaphore, #tpu.memory_space<semaphore_mem>>) src(%dma_wait3A_255 : memref<1000x128xf32, #tpu.memory_space<hbm>>) dst(%arg9 : memref<128x128xf32, #tpu.memory_space<vmem>>)
    %dma_wait3A_256 = arith.constant 5 : i32
    %dma_wait3A_257 = arith.constant 0 : i32
    %dma_wait3A_258 = tpu.memref_slice %arg8[%dma_wait3A_256, %dma_wait3A_257] : memref<8x128xi32, #tpu.memory_space<vmem>> -> memref<1x128xi32, #tpu.memory_space<vmem>>
    %dma_wait3A_259 = tpu.memref_squeeze %dma_wait3A_258 : memref<1x128xi32, #tpu.memory_space<vmem>> -> memref<128xi32, #tpu.memory_space<vmem>>
    %dma_wait3A_260 = arith.constant 0 : i32
    %dma_wait3A_261 = arith.constant 0 : i32
    %dma_wait3A_262 = tpu.memref_slice %arg4[%dma_wait3A_260, %dma_wait3A_261] : memref<1000x128xf32, #tpu.memory_space<hbm>> -> memref<1000x128xf32, #tpu.memory_space<hbm>>
    tpu.wait_indirect_dma semaphore(%arg13 : memref<!tpu.dma_semaphore, #tpu.memory_space<semaphore_mem>>) src(%dma_wait3A_262 : memref<1000x128xf32, #tpu.memory_space<hbm>>) dst(%arg10 : memref<128x128xf32, #tpu.memory_space<vmem>>)
    %dma_wait3A_263 = arith.constant 640 : i32
    %dma_wait3A_264 = arith.constant 0 : i32
    %dma_wait3A_265 = tpu.memref_slice %arg5[%dma_wait3A_263, %dma_wait3A_264] : memref<1024x64xf32, #tpu.memory_space<hbm>> -> memref<128x64xf32, #tpu.memory_space<hbm>>
    %dma_wait3A_266 = arith.constant 640 : i32
    %dma_wait3A_267 = arith.constant 0 : i32
    %dma_wait3A_268 = tpu.memref_slice %arg5[%dma_wait3A_266, %dma_wait3A_267] : memref<1024x64xf32, #tpu.memory_space<hbm>> -> memref<128x64xf32, #tpu.memory_space<hbm>>
    tpu.wait_dma2 semaphore(%arg13 : memref<!tpu.dma_semaphore, #tpu.memory_space<semaphore_mem>>) src(%dma_wait3A_268 : memref<128x64xf32, #tpu.memory_space<hbm>>) dst(%arg11 : memref<128x64xf32, #tpu.memory_space<vmem>>)
    %scan3A_269 = arith.constant 0 : i32
    %scan3A_270 = arith.constant 128 : i32
    %scan3A_271 = arith.addi %scan3A_269, %scan3A_270 : i32
    %scan3A_272 = arith.constant 1 : i32
    %scan3A_273 = scf.for %scan3A_370 = %scan3A_269 to %scan3A_271 step %scan3A_272 iter_args(%scan3A_371 = %scan3A_227) -> (vector<16xf32>)  : i32 {
      %get3A = arith.index_cast %scan3A_370 : i32 to index
      %get3A_372 = arith.constant 0 : index
      %get3A_373 = tpu.vector_load %arg9[%get3A, %get3A_372] {strides = array<i32>} : memref<128x128xf32, #tpu.memory_space<vmem>>, vector<1x16xf32>,
      %get3A_374 = vector.shape_cast %get3A_373 : vector<1x16xf32> to vector<16xf32>
      %get3A_375 = arith.index_cast %scan3A_370 : i32 to index
      %get3A_376 = arith.constant 0 : index
      %get3A_377 = tpu.vector_load %arg10[%get3A_375, %get3A_376] {strides = array<i32>} : memref<128x128xf32, #tpu.memory_space<vmem>>, vector<1x16xf32>,
      %get3A_378 = vector.shape_cast %get3A_377 : vector<1x16xf32> to vector<16xf32>
      %get3A_379 = arith.index_cast %scan3A_370 : i32 to index
      %get3A_380 = arith.constant 0 : index
      %get3A_381 = tpu.vector_load %arg11[%get3A_379, %get3A_380] {strides = array<i32>} : memref<128x64xf32, #tpu.memory_space<vmem>>, vector<1x16xf32>,
      %get3A_382 = vector.shape_cast %get3A_381 : vector<1x16xf32> to vector<16xf32>
      %mul3A_383 = arith.constant 5.000000e-01 : f32
      %mul3A_384 = vector.broadcast %mul3A_383 : f32 to vector<16xf32>
      %mul3A_385 = arith.mulf %mul3A_384, %get3A_374 : vector<16xf32>
      %mul3A_386 = arith.constant 5.000000e-01 : f32
      %mul3A_387 = vector.broadcast %mul3A_386 : f32 to vector<16xf32>
      %mul3A_388 = arith.mulf %mul3A_387, %get3A_378 : vector<16xf32>
      %add3A_389 = arith.addf %mul3A_385, %mul3A_388 : vector<16xf32>
      %mul3A_390 = arith.mulf %add3A_389, %add3A_389 : vector<16xf32>
      %mul3A_391 = arith.constant 2.000000e+00 : f32
      %mul3A_392 = vector.broadcast %mul3A_391 : f32 to vector<16xf32>
      %mul3A_393 = arith.mulf %mul3A_392, %add3A_389 : vector<16xf32>
      %mul3A_394 = arith.mulf %mul3A_393, %get3A_382 : vector<16xf32>
      %sub3A = arith.subf %mul3A_390, %mul3A_394 : vector<16xf32>
      %add3A_395 = arith.addf %scan3A_371, %sub3A : vector<16xf32>
      %get3A_396 = arith.index_cast %scan3A_370 : i32 to index
      %get3A_397 = arith.constant 16 : index
      %get3A_398 = tpu.vector_load %arg9[%get3A_396, %get3A_397] {strides = array<i32>} : memref<128x128xf32, #tpu.memory_space<vmem>>, vector<1x16xf32>,
      %get3A_399 = vector.shape_cast %get3A_398 : vector<1x16xf32> to vector<16xf32>
      %get3A_400 = arith.index_cast %scan3A_370 : i32 to index
      %get3A_401 = arith.constant 16 : index
      %get3A_402 = tpu.vector_load %arg10[%get3A_400, %get3A_401] {strides = array<i32>} : memref<128x128xf32, #tpu.memory_space<vmem>>, vector<1x16xf32>,
      %get3A_403 = vector.shape_cast %get3A_402 : vector<1x16xf32> to vector<16xf32>
      %get3A_404 = arith.index_cast %scan3A_370 : i32 to index
      %get3A_405 = arith.constant 16 : index
      %get3A_406 = tpu.vector_load %arg11[%get3A_404, %get3A_405] {strides = array<i32>} : memref<128x64xf32, #tpu.memory_space<vmem>>, vector<1x16xf32>,
      %get3A_407 = vector.shape_cast %get3A_406 : vector<1x16xf32> to vector<16xf32>
      %mul3A_408 = arith.constant 5.000000e-01 : f32
      %mul3A_409 = vector.broadcast %mul3A_408 : f32 to vector<16xf32>
      %mul3A_410 = arith.mulf %mul3A_409, %get3A_399 : vector<16xf32>
      %mul3A_411 = arith.constant 5.000000e-01 : f32
      %mul3A_412 = vector.broadcast %mul3A_411 : f32 to vector<16xf32>
      %mul3A_413 = arith.mulf %mul3A_412, %get3A_403 : vector<16xf32>
      %add3A_414 = arith.addf %mul3A_410, %mul3A_413 : vector<16xf32>
      %mul3A_415 = arith.mulf %add3A_414, %add3A_414 : vector<16xf32>
      %mul3A_416 = arith.constant 2.000000e+00 : f32
      %mul3A_417 = vector.broadcast %mul3A_416 : f32 to vector<16xf32>
      %mul3A_418 = arith.mulf %mul3A_417, %add3A_414 : vector<16xf32>
      %mul3A_419 = arith.mulf %mul3A_418, %get3A_407 : vector<16xf32>
      %sub3A_420 = arith.subf %mul3A_415, %mul3A_419 : vector<16xf32>
      %add3A_421 = arith.addf %add3A_395, %sub3A_420 : vector<16xf32>
      %get3A_422 = arith.index_cast %scan3A_370 : i32 to index
      %get3A_423 = arith.constant 32 : index
      %get3A_424 = tpu.vector_load %arg9[%get3A_422, %get3A_423] {strides = array<i32>} : memref<128x128xf32, #tpu.memory_space<vmem>>, vector<1x16xf32>,
      %get3A_425 = vector.shape_cast %get3A_424 : vector<1x16xf32> to vector<16xf32>
      %get3A_426 = arith.index_cast %scan3A_370 : i32 to index
      %get3A_427 = arith.constant 32 : index
      %get3A_428 = tpu.vector_load %arg10[%get3A_426, %get3A_427] {strides = array<i32>} : memref<128x128xf32, #tpu.memory_space<vmem>>, vector<1x16xf32>,
      %get3A_429 = vector.shape_cast %get3A_428 : vector<1x16xf32> to vector<16xf32>
      %get3A_430 = arith.index_cast %scan3A_370 : i32 to index
      %get3A_431 = arith.constant 32 : index
      %get3A_432 = tpu.vector_load %arg11[%get3A_430, %get3A_431] {strides = array<i32>} : memref<128x64xf32, #tpu.memory_space<vmem>>, vector<1x16xf32>,
      %get3A_433 = vector.shape_cast %get3A_432 : vector<1x16xf32> to vector<16xf32>
      %mul3A_434 = arith.constant 5.000000e-01 : f32
      %mul3A_435 = vector.broadcast %mul3A_434 : f32 to vector<16xf32>
      %mul3A_436 = arith.mulf %mul3A_435, %get3A_425 : vector<16xf32>
      %mul3A_437 = arith.constant 5.000000e-01 : f32
      %mul3A_438 = vector.broadcast %mul3A_437 : f32 to vector<16xf32>
      %mul3A_439 = arith.mulf %mul3A_438, %get3A_429 : vector<16xf32>
      %add3A_440 = arith.addf %mul3A_436, %mul3A_439 : vector<16xf32>
      %mul3A_441 = arith.mulf %add3A_440, %add3A_440 : vector<16xf32>
      %mul3A_442 = arith.constant 2.000000e+00 : f32
      %mul3A_443 = vector.broadcast %mul3A_442 : f32 to vector<16xf32>
      %mul3A_444 = arith.mulf %mul3A_443, %add3A_440 : vector<16xf32>
      %mul3A_445 = arith.mulf %mul3A_444, %get3A_433 : vector<16xf32>
      %sub3A_446 = arith.subf %mul3A_441, %mul3A_445 : vector<16xf32>
      %add3A_447 = arith.addf %add3A_421, %sub3A_446 : vector<16xf32>
      %get3A_448 = arith.index_cast %scan3A_370 : i32 to index
      %get3A_449 = arith.constant 48 : index
      %get3A_450 = tpu.vector_load %arg9[%get3A_448, %get3A_449] {strides = array<i32>} : memref<128x128xf32, #tpu.memory_space<vmem>>, vector<1x16xf32>,
      %get3A_451 = vector.shape_cast %get3A_450 : vector<1x16xf32> to vector<16xf32>
      %get3A_452 = arith.index_cast %scan3A_370 : i32 to index
      %get3A_453 = arith.constant 48 : index
      %get3A_454 = tpu.vector_load %arg10[%get3A_452, %get3A_453] {strides = array<i32>} : memref<128x128xf32, #tpu.memory_space<vmem>>, vector<1x16xf32>,
      %get3A_455 = vector.shape_cast %get3A_454 : vector<1x16xf32> to vector<16xf32>
      %get3A_456 = arith.index_cast %scan3A_370 : i32 to index
      %get3A_457 = arith.constant 48 : index
      %get3A_458 = tpu.vector_load %arg11[%get3A_456, %get3A_457] {strides = array<i32>} : memref<128x64xf32, #tpu.memory_space<vmem>>, vector<1x16xf32>,
      %get3A_459 = vector.shape_cast %get3A_458 : vector<1x16xf32> to vector<16xf32>
      %mul3A_460 = arith.constant 5.000000e-01 : f32
      %mul3A_461 = vector.broadcast %mul3A_460 : f32 to vector<16xf32>
      %mul3A_462 = arith.mulf %mul3A_461, %get3A_451 : vector<16xf32>
      %mul3A_463 = arith.constant 5.000000e-01 : f32
      %mul3A_464 = vector.broadcast %mul3A_463 : f32 to vector<16xf32>
      %mul3A_465 = arith.mulf %mul3A_464, %get3A_455 : vector<16xf32>
      %add3A_466 = arith.addf %mul3A_462, %mul3A_465 : vector<16xf32>
      %mul3A_467 = arith.mulf %add3A_466, %add3A_466 : vector<16xf32>
      %mul3A_468 = arith.constant 2.000000e+00 : f32
      %mul3A_469 = vector.broadcast %mul3A_468 : f32 to vector<16xf32>
      %mul3A_470 = arith.mulf %mul3A_469, %add3A_466 : vector<16xf32>
      %mul3A_471 = arith.mulf %mul3A_470, %get3A_459 : vector<16xf32>
      %sub3A_472 = arith.subf %mul3A_467, %mul3A_471 : vector<16xf32>
      %add3A_473 = arith.addf %add3A_447, %sub3A_472 : vector<16xf32>
      scf.yield %add3A_473 : vector<16xf32>
    }
    %scan3A_274 = arith.constant 128 : i32
    %dma_start3A_275 = arith.constant 6 : i32
    %dma_start3A_276 = arith.constant 0 : i32
    %dma_start3A_277 = tpu.memref_slice %arg7[%dma_start3A_275, %dma_start3A_276] : memref<8x128xi32, #tpu.memory_space<vmem>> -> memref<1x128xi32, #tpu.memory_space<vmem>>
    %dma_start3A_278 = tpu.memref_squeeze %dma_start3A_277 : memref<1x128xi32, #tpu.memory_space<vmem>> -> memref<128xi32, #tpu.memory_space<vmem>>
    %dma_start3A_279 = arith.constant 0 : i32
    %dma_start3A_280 = arith.constant 0 : i32
    %dma_start3A_281 = tpu.memref_slice %arg4[%dma_start3A_279, %dma_start3A_280] : memref<1000x128xf32, #tpu.memory_space<hbm>> -> memref<1000x128xf32, #tpu.memory_space<hbm>>
    tpu.enqueue_indirect_dma source(%dma_start3A_281 : memref<1000x128xf32, #tpu.memory_space<hbm>>) target(%arg9 : memref<128x128xf32, #tpu.memory_space<vmem>>) offsets(%dma_start3A_278 : memref<128xi32, #tpu.memory_space<vmem>>) semaphore(%arg13 : memref<!tpu.dma_semaphore, #tpu.memory_space<semaphore_mem>>)
    %dma_start3A_282 = arith.constant 6 : i32
    %dma_start3A_283 = arith.constant 0 : i32
    %dma_start3A_284 = tpu.memref_slice %arg8[%dma_start3A_282, %dma_start3A_283] : memref<8x128xi32, #tpu.memory_space<vmem>> -> memref<1x128xi32, #tpu.memory_space<vmem>>
    %dma_start3A_285 = tpu.memref_squeeze %dma_start3A_284 : memref<1x128xi32, #tpu.memory_space<vmem>> -> memref<128xi32, #tpu.memory_space<vmem>>
    %dma_start3A_286 = arith.constant 0 : i32
    %dma_start3A_287 = arith.constant 0 : i32
    %dma_start3A_288 = tpu.memref_slice %arg4[%dma_start3A_286, %dma_start3A_287] : memref<1000x128xf32, #tpu.memory_space<hbm>> -> memref<1000x128xf32, #tpu.memory_space<hbm>>
    tpu.enqueue_indirect_dma source(%dma_start3A_288 : memref<1000x128xf32, #tpu.memory_space<hbm>>) target(%arg10 : memref<128x128xf32, #tpu.memory_space<vmem>>) offsets(%dma_start3A_285 : memref<128xi32, #tpu.memory_space<vmem>>) semaphore(%arg13 : memref<!tpu.dma_semaphore, #tpu.memory_space<semaphore_mem>>)
    %dma_start3A_289 = arith.constant 768 : i32
    %dma_start3A_290 = arith.constant 0 : i32
    %dma_start3A_291 = tpu.memref_slice %arg5[%dma_start3A_289, %dma_start3A_290] : memref<1024x64xf32, #tpu.memory_space<hbm>> -> memref<128x64xf32, #tpu.memory_space<hbm>>
    %dma_start3A_292 = arith.constant 768 : i32
    %dma_start3A_293 = arith.constant 0 : i32
    %dma_start3A_294 = tpu.memref_slice %arg5[%dma_start3A_292, %dma_start3A_293] : memref<1024x64xf32, #tpu.memory_space<hbm>> -> memref<128x64xf32, #tpu.memory_space<hbm>>
    tpu.enqueue_dma source(%dma_start3A_294 : memref<128x64xf32, #tpu.memory_space<hbm>>) target(%arg11 : memref<128x64xf32, #tpu.memory_space<vmem>>) target_semaphore(%arg13 : memref<!tpu.dma_semaphore, #tpu.memory_space<semaphore_mem>>)
    %dma_wait3A_295 = arith.constant 6 : i32
    %dma_wait3A_296 = arith.constant 0 : i32
    %dma_wait3A_297 = tpu.memref_slice %arg7[%dma_wait3A_295, %dma_wait3A_296] : memref<8x128xi32, #tpu.memory_space<vmem>> -> memref<1x128xi32, #tpu.memory_space<vmem>>
    %dma_wait3A_298 = tpu.memref_squeeze %dma_wait3A_297 : memref<1x128xi32, #tpu.memory_space<vmem>> -> memref<128xi32, #tpu.memory_space<vmem>>
    %dma_wait3A_299 = arith.constant 0 : i32
    %dma_wait3A_300 = arith.constant 0 : i32
    %dma_wait3A_301 = tpu.memref_slice %arg4[%dma_wait3A_299, %dma_wait3A_300] : memref<1000x128xf32, #tpu.memory_space<hbm>> -> memref<1000x128xf32, #tpu.memory_space<hbm>>
    tpu.wait_indirect_dma semaphore(%arg13 : memref<!tpu.dma_semaphore, #tpu.memory_space<semaphore_mem>>) src(%dma_wait3A_301 : memref<1000x128xf32, #tpu.memory_space<hbm>>) dst(%arg9 : memref<128x128xf32, #tpu.memory_space<vmem>>)
    %dma_wait3A_302 = arith.constant 6 : i32
    %dma_wait3A_303 = arith.constant 0 : i32
    %dma_wait3A_304 = tpu.memref_slice %arg8[%dma_wait3A_302, %dma_wait3A_303] : memref<8x128xi32, #tpu.memory_space<vmem>> -> memref<1x128xi32, #tpu.memory_space<vmem>>
    %dma_wait3A_305 = tpu.memref_squeeze %dma_wait3A_304 : memref<1x128xi32, #tpu.memory_space<vmem>> -> memref<128xi32, #tpu.memory_space<vmem>>
    %dma_wait3A_306 = arith.constant 0 : i32
    %dma_wait3A_307 = arith.constant 0 : i32
    %dma_wait3A_308 = tpu.memref_slice %arg4[%dma_wait3A_306, %dma_wait3A_307] : memref<1000x128xf32, #tpu.memory_space<hbm>> -> memref<1000x128xf32, #tpu.memory_space<hbm>>
    tpu.wait_indirect_dma semaphore(%arg13 : memref<!tpu.dma_semaphore, #tpu.memory_space<semaphore_mem>>) src(%dma_wait3A_308 : memref<1000x128xf32, #tpu.memory_space<hbm>>) dst(%arg10 : memref<128x128xf32, #tpu.memory_space<vmem>>)
    %dma_wait3A_309 = arith.constant 768 : i32
    %dma_wait3A_310 = arith.constant 0 : i32
    %dma_wait3A_311 = tpu.memref_slice %arg5[%dma_wait3A_309, %dma_wait3A_310] : memref<1024x64xf32, #tpu.memory_space<hbm>> -> memref<128x64xf32, #tpu.memory_space<hbm>>
    %dma_wait3A_312 = arith.constant 768 : i32
    %dma_wait3A_313 = arith.constant 0 : i32
    %dma_wait3A_314 = tpu.memref_slice %arg5[%dma_wait3A_312, %dma_wait3A_313] : memref<1024x64xf32, #tpu.memory_space<hbm>> -> memref<128x64xf32, #tpu.memory_space<hbm>>
    tpu.wait_dma2 semaphore(%arg13 : memref<!tpu.dma_semaphore, #tpu.memory_space<semaphore_mem>>) src(%dma_wait3A_314 : memref<128x64xf32, #tpu.memory_space<hbm>>) dst(%arg11 : memref<128x64xf32, #tpu.memory_space<vmem>>)
    %scan3A_315 = arith.constant 0 : i32
    %scan3A_316 = arith.constant 128 : i32
    %scan3A_317 = arith.addi %scan3A_315, %scan3A_316 : i32
    %scan3A_318 = arith.constant 1 : i32
    %scan3A_319 = scf.for %scan3A_370 = %scan3A_315 to %scan3A_317 step %scan3A_318 iter_args(%scan3A_371 = %scan3A_273) -> (vector<16xf32>)  : i32 {
      %get3A = arith.index_cast %scan3A_370 : i32 to index
      %get3A_372 = arith.constant 0 : index
      %get3A_373 = tpu.vector_load %arg9[%get3A, %get3A_372] {strides = array<i32>} : memref<128x128xf32, #tpu.memory_space<vmem>>, vector<1x16xf32>,
      %get3A_374 = vector.shape_cast %get3A_373 : vector<1x16xf32> to vector<16xf32>
      %get3A_375 = arith.index_cast %scan3A_370 : i32 to index
      %get3A_376 = arith.constant 0 : index
      %get3A_377 = tpu.vector_load %arg10[%get3A_375, %get3A_376] {strides = array<i32>} : memref<128x128xf32, #tpu.memory_space<vmem>>, vector<1x16xf32>,
      %get3A_378 = vector.shape_cast %get3A_377 : vector<1x16xf32> to vector<16xf32>
      %get3A_379 = arith.index_cast %scan3A_370 : i32 to index
      %get3A_380 = arith.constant 0 : index
      %get3A_381 = tpu.vector_load %arg11[%get3A_379, %get3A_380] {strides = array<i32>} : memref<128x64xf32, #tpu.memory_space<vmem>>, vector<1x16xf32>,
      %get3A_382 = vector.shape_cast %get3A_381 : vector<1x16xf32> to vector<16xf32>
      %mul3A_383 = arith.constant 5.000000e-01 : f32
      %mul3A_384 = vector.broadcast %mul3A_383 : f32 to vector<16xf32>
      %mul3A_385 = arith.mulf %mul3A_384, %get3A_374 : vector<16xf32>
      %mul3A_386 = arith.constant 5.000000e-01 : f32
      %mul3A_387 = vector.broadcast %mul3A_386 : f32 to vector<16xf32>
      %mul3A_388 = arith.mulf %mul3A_387, %get3A_378 : vector<16xf32>
      %add3A_389 = arith.addf %mul3A_385, %mul3A_388 : vector<16xf32>
      %mul3A_390 = arith.mulf %add3A_389, %add3A_389 : vector<16xf32>
      %mul3A_391 = arith.constant 2.000000e+00 : f32
      %mul3A_392 = vector.broadcast %mul3A_391 : f32 to vector<16xf32>
      %mul3A_393 = arith.mulf %mul3A_392, %add3A_389 : vector<16xf32>
      %mul3A_394 = arith.mulf %mul3A_393, %get3A_382 : vector<16xf32>
      %sub3A = arith.subf %mul3A_390, %mul3A_394 : vector<16xf32>
      %add3A_395 = arith.addf %scan3A_371, %sub3A : vector<16xf32>
      %get3A_396 = arith.index_cast %scan3A_370 : i32 to index
      %get3A_397 = arith.constant 16 : index
      %get3A_398 = tpu.vector_load %arg9[%get3A_396, %get3A_397] {strides = array<i32>} : memref<128x128xf32, #tpu.memory_space<vmem>>, vector<1x16xf32>,
      %get3A_399 = vector.shape_cast %get3A_398 : vector<1x16xf32> to vector<16xf32>
      %get3A_400 = arith.index_cast %scan3A_370 : i32 to index
      %get3A_401 = arith.constant 16 : index
      %get3A_402 = tpu.vector_load %arg10[%get3A_400, %get3A_401] {strides = array<i32>} : memref<128x128xf32, #tpu.memory_space<vmem>>, vector<1x16xf32>,
      %get3A_403 = vector.shape_cast %get3A_402 : vector<1x16xf32> to vector<16xf32>
      %get3A_404 = arith.index_cast %scan3A_370 : i32 to index
      %get3A_405 = arith.constant 16 : index
      %get3A_406 = tpu.vector_load %arg11[%get3A_404, %get3A_405] {strides = array<i32>} : memref<128x64xf32, #tpu.memory_space<vmem>>, vector<1x16xf32>,
      %get3A_407 = vector.shape_cast %get3A_406 : vector<1x16xf32> to vector<16xf32>
      %mul3A_408 = arith.constant 5.000000e-01 : f32
      %mul3A_409 = vector.broadcast %mul3A_408 : f32 to vector<16xf32>
      %mul3A_410 = arith.mulf %mul3A_409, %get3A_399 : vector<16xf32>
      %mul3A_411 = arith.constant 5.000000e-01 : f32
      %mul3A_412 = vector.broadcast %mul3A_411 : f32 to vector<16xf32>
      %mul3A_413 = arith.mulf %mul3A_412, %get3A_403 : vector<16xf32>
      %add3A_414 = arith.addf %mul3A_410, %mul3A_413 : vector<16xf32>
      %mul3A_415 = arith.mulf %add3A_414, %add3A_414 : vector<16xf32>
      %mul3A_416 = arith.constant 2.000000e+00 : f32
      %mul3A_417 = vector.broadcast %mul3A_416 : f32 to vector<16xf32>
      %mul3A_418 = arith.mulf %mul3A_417, %add3A_414 : vector<16xf32>
      %mul3A_419 = arith.mulf %mul3A_418, %get3A_407 : vector<16xf32>
      %sub3A_420 = arith.subf %mul3A_415, %mul3A_419 : vector<16xf32>
      %add3A_421 = arith.addf %add3A_395, %sub3A_420 : vector<16xf32>
      %get3A_422 = arith.index_cast %scan3A_370 : i32 to index
      %get3A_423 = arith.constant 32 : index
      %get3A_424 = tpu.vector_load %arg9[%get3A_422, %get3A_423] {strides = array<i32>} : memref<128x128xf32, #tpu.memory_space<vmem>>, vector<1x16xf32>,
      %get3A_425 = vector.shape_cast %get3A_424 : vector<1x16xf32> to vector<16xf32>
      %get3A_426 = arith.index_cast %scan3A_370 : i32 to index
      %get3A_427 = arith.constant 32 : index
      %get3A_428 = tpu.vector_load %arg10[%get3A_426, %get3A_427] {strides = array<i32>} : memref<128x128xf32, #tpu.memory_space<vmem>>, vector<1x16xf32>,
      %get3A_429 = vector.shape_cast %get3A_428 : vector<1x16xf32> to vector<16xf32>
      %get3A_430 = arith.index_cast %scan3A_370 : i32 to index
      %get3A_431 = arith.constant 32 : index
      %get3A_432 = tpu.vector_load %arg11[%get3A_430, %get3A_431] {strides = array<i32>} : memref<128x64xf32, #tpu.memory_space<vmem>>, vector<1x16xf32>,
      %get3A_433 = vector.shape_cast %get3A_432 : vector<1x16xf32> to vector<16xf32>
      %mul3A_434 = arith.constant 5.000000e-01 : f32
      %mul3A_435 = vector.broadcast %mul3A_434 : f32 to vector<16xf32>
      %mul3A_436 = arith.mulf %mul3A_435, %get3A_425 : vector<16xf32>
      %mul3A_437 = arith.constant 5.000000e-01 : f32
      %mul3A_438 = vector.broadcast %mul3A_437 : f32 to vector<16xf32>
      %mul3A_439 = arith.mulf %mul3A_438, %get3A_429 : vector<16xf32>
      %add3A_440 = arith.addf %mul3A_436, %mul3A_439 : vector<16xf32>
      %mul3A_441 = arith.mulf %add3A_440, %add3A_440 : vector<16xf32>
      %mul3A_442 = arith.constant 2.000000e+00 : f32
      %mul3A_443 = vector.broadcast %mul3A_442 : f32 to vector<16xf32>
      %mul3A_444 = arith.mulf %mul3A_443, %add3A_440 : vector<16xf32>
      %mul3A_445 = arith.mulf %mul3A_444, %get3A_433 : vector<16xf32>
      %sub3A_446 = arith.subf %mul3A_441, %mul3A_445 : vector<16xf32>
      %add3A_447 = arith.addf %add3A_421, %sub3A_446 : vector<16xf32>
      %get3A_448 = arith.index_cast %scan3A_370 : i32 to index
      %get3A_449 = arith.constant 48 : index
      %get3A_450 = tpu.vector_load %arg9[%get3A_448, %get3A_449] {strides = array<i32>} : memref<128x128xf32, #tpu.memory_space<vmem>>, vector<1x16xf32>,
      %get3A_451 = vector.shape_cast %get3A_450 : vector<1x16xf32> to vector<16xf32>
      %get3A_452 = arith.index_cast %scan3A_370 : i32 to index
      %get3A_453 = arith.constant 48 : index
      %get3A_454 = tpu.vector_load %arg10[%get3A_452, %get3A_453] {strides = array<i32>} : memref<128x128xf32, #tpu.memory_space<vmem>>, vector<1x16xf32>,
      %get3A_455 = vector.shape_cast %get3A_454 : vector<1x16xf32> to vector<16xf32>
      %get3A_456 = arith.index_cast %scan3A_370 : i32 to index
      %get3A_457 = arith.constant 48 : index
      %get3A_458 = tpu.vector_load %arg11[%get3A_456, %get3A_457] {strides = array<i32>} : memref<128x64xf32, #tpu.memory_space<vmem>>, vector<1x16xf32>,
      %get3A_459 = vector.shape_cast %get3A_458 : vector<1x16xf32> to vector<16xf32>
      %mul3A_460 = arith.constant 5.000000e-01 : f32
      %mul3A_461 = vector.broadcast %mul3A_460 : f32 to vector<16xf32>
      %mul3A_462 = arith.mulf %mul3A_461, %get3A_451 : vector<16xf32>
      %mul3A_463 = arith.constant 5.000000e-01 : f32
      %mul3A_464 = vector.broadcast %mul3A_463 : f32 to vector<16xf32>
      %mul3A_465 = arith.mulf %mul3A_464, %get3A_455 : vector<16xf32>
      %add3A_466 = arith.addf %mul3A_462, %mul3A_465 : vector<16xf32>
      %mul3A_467 = arith.mulf %add3A_466, %add3A_466 : vector<16xf32>
      %mul3A_468 = arith.constant 2.000000e+00 : f32
      %mul3A_469 = vector.broadcast %mul3A_468 : f32 to vector<16xf32>
      %mul3A_470 = arith.mulf %mul3A_469, %add3A_466 : vector<16xf32>
      %mul3A_471 = arith.mulf %mul3A_470, %get3A_459 : vector<16xf32>
      %sub3A_472 = arith.subf %mul3A_467, %mul3A_471 : vector<16xf32>
      %add3A_473 = arith.addf %add3A_447, %sub3A_472 : vector<16xf32>
      scf.yield %add3A_473 : vector<16xf32>
    }
    %scan3A_320 = arith.constant 128 : i32
    %dma_start3A_321 = arith.constant 7 : i32
    %dma_start3A_322 = arith.constant 0 : i32
    %dma_start3A_323 = tpu.memref_slice %arg7[%dma_start3A_321, %dma_start3A_322] : memref<8x128xi32, #tpu.memory_space<vmem>> -> memref<1x128xi32, #tpu.memory_space<vmem>>
    %dma_start3A_324 = tpu.memref_squeeze %dma_start3A_323 : memref<1x128xi32, #tpu.memory_space<vmem>> -> memref<128xi32, #tpu.memory_space<vmem>>
    %dma_start3A_325 = arith.constant 0 : i32
    %dma_start3A_326 = arith.constant 0 : i32
    %dma_start3A_327 = tpu.memref_slice %arg4[%dma_start3A_325, %dma_start3A_326] : memref<1000x128xf32, #tpu.memory_space<hbm>> -> memref<1000x128xf32, #tpu.memory_space<hbm>>
    tpu.enqueue_indirect_dma source(%dma_start3A_327 : memref<1000x128xf32, #tpu.memory_space<hbm>>) target(%arg9 : memref<128x128xf32, #tpu.memory_space<vmem>>) offsets(%dma_start3A_324 : memref<128xi32, #tpu.memory_space<vmem>>) semaphore(%arg13 : memref<!tpu.dma_semaphore, #tpu.memory_space<semaphore_mem>>)
    %dma_start3A_328 = arith.constant 7 : i32
    %dma_start3A_329 = arith.constant 0 : i32
    %dma_start3A_330 = tpu.memref_slice %arg8[%dma_start3A_328, %dma_start3A_329] : memref<8x128xi32, #tpu.memory_space<vmem>> -> memref<1x128xi32, #tpu.memory_space<vmem>>
    %dma_start3A_331 = tpu.memref_squeeze %dma_start3A_330 : memref<1x128xi32, #tpu.memory_space<vmem>> -> memref<128xi32, #tpu.memory_space<vmem>>
    %dma_start3A_332 = arith.constant 0 : i32
    %dma_start3A_333 = arith.constant 0 : i32
    %dma_start3A_334 = tpu.memref_slice %arg4[%dma_start3A_332, %dma_start3A_333] : memref<1000x128xf32, #tpu.memory_space<hbm>> -> memref<1000x128xf32, #tpu.memory_space<hbm>>
    tpu.enqueue_indirect_dma source(%dma_start3A_334 : memref<1000x128xf32, #tpu.memory_space<hbm>>) target(%arg10 : memref<128x128xf32, #tpu.memory_space<vmem>>) offsets(%dma_start3A_331 : memref<128xi32, #tpu.memory_space<vmem>>) semaphore(%arg13 : memref<!tpu.dma_semaphore, #tpu.memory_space<semaphore_mem>>)
    %dma_start3A_335 = arith.constant 896 : i32
    %dma_start3A_336 = arith.constant 0 : i32
    %dma_start3A_337 = tpu.memref_slice %arg5[%dma_start3A_335, %dma_start3A_336] : memref<1024x64xf32, #tpu.memory_space<hbm>> -> memref<128x64xf32, #tpu.memory_space<hbm>>
    %dma_start3A_338 = arith.constant 896 : i32
    %dma_start3A_339 = arith.constant 0 : i32
    %dma_start3A_340 = tpu.memref_slice %arg5[%dma_start3A_338, %dma_start3A_339] : memref<1024x64xf32, #tpu.memory_space<hbm>> -> memref<128x64xf32, #tpu.memory_space<hbm>>
    tpu.enqueue_dma source(%dma_start3A_340 : memref<128x64xf32, #tpu.memory_space<hbm>>) target(%arg11 : memref<128x64xf32, #tpu.memory_space<vmem>>) target_semaphore(%arg13 : memref<!tpu.dma_semaphore, #tpu.memory_space<semaphore_mem>>)
    %dma_wait3A_341 = arith.constant 7 : i32
    %dma_wait3A_342 = arith.constant 0 : i32
    %dma_wait3A_343 = tpu.memref_slice %arg7[%dma_wait3A_341, %dma_wait3A_342] : memref<8x128xi32, #tpu.memory_space<vmem>> -> memref<1x128xi32, #tpu.memory_space<vmem>>
    %dma_wait3A_344 = tpu.memref_squeeze %dma_wait3A_343 : memref<1x128xi32, #tpu.memory_space<vmem>> -> memref<128xi32, #tpu.memory_space<vmem>>
    %dma_wait3A_345 = arith.constant 0 : i32
    %dma_wait3A_346 = arith.constant 0 : i32
    %dma_wait3A_347 = tpu.memref_slice %arg4[%dma_wait3A_345, %dma_wait3A_346] : memref<1000x128xf32, #tpu.memory_space<hbm>> -> memref<1000x128xf32, #tpu.memory_space<hbm>>
    tpu.wait_indirect_dma semaphore(%arg13 : memref<!tpu.dma_semaphore, #tpu.memory_space<semaphore_mem>>) src(%dma_wait3A_347 : memref<1000x128xf32, #tpu.memory_space<hbm>>) dst(%arg9 : memref<128x128xf32, #tpu.memory_space<vmem>>)
    %dma_wait3A_348 = arith.constant 7 : i32
    %dma_wait3A_349 = arith.constant 0 : i32
    %dma_wait3A_350 = tpu.memref_slice %arg8[%dma_wait3A_348, %dma_wait3A_349] : memref<8x128xi32, #tpu.memory_space<vmem>> -> memref<1x128xi32, #tpu.memory_space<vmem>>
    %dma_wait3A_351 = tpu.memref_squeeze %dma_wait3A_350 : memref<1x128xi32, #tpu.memory_space<vmem>> -> memref<128xi32, #tpu.memory_space<vmem>>
    %dma_wait3A_352 = arith.constant 0 : i32
    %dma_wait3A_353 = arith.constant 0 : i32
    %dma_wait3A_354 = tpu.memref_slice %arg4[%dma_wait3A_352, %dma_wait3A_353] : memref<1000x128xf32, #tpu.memory_space<hbm>> -> memref<1000x128xf32, #tpu.memory_space<hbm>>
    tpu.wait_indirect_dma semaphore(%arg13 : memref<!tpu.dma_semaphore, #tpu.memory_space<semaphore_mem>>) src(%dma_wait3A_354 : memref<1000x128xf32, #tpu.memory_space<hbm>>) dst(%arg10 : memref<128x128xf32, #tpu.memory_space<vmem>>)
    %dma_wait3A_355 = arith.constant 896 : i32
    %dma_wait3A_356 = arith.constant 0 : i32
    %dma_wait3A_357 = tpu.memref_slice %arg5[%dma_wait3A_355, %dma_wait3A_356] : memref<1024x64xf32, #tpu.memory_space<hbm>> -> memref<128x64xf32, #tpu.memory_space<hbm>>
    %dma_wait3A_358 = arith.constant 896 : i32
    %dma_wait3A_359 = arith.constant 0 : i32
    %dma_wait3A_360 = tpu.memref_slice %arg5[%dma_wait3A_358, %dma_wait3A_359] : memref<1024x64xf32, #tpu.memory_space<hbm>> -> memref<128x64xf32, #tpu.memory_space<hbm>>
    tpu.wait_dma2 semaphore(%arg13 : memref<!tpu.dma_semaphore, #tpu.memory_space<semaphore_mem>>) src(%dma_wait3A_360 : memref<128x64xf32, #tpu.memory_space<hbm>>) dst(%arg11 : memref<128x64xf32, #tpu.memory_space<vmem>>)
    %scan3A_361 = arith.constant 0 : i32
    %scan3A_362 = arith.constant 128 : i32
    %scan3A_363 = arith.addi %scan3A_361, %scan3A_362 : i32
    %scan3A_364 = arith.constant 1 : i32
    %scan3A_365 = scf.for %scan3A_370 = %scan3A_361 to %scan3A_363 step %scan3A_364 iter_args(%scan3A_371 = %scan3A_319) -> (vector<16xf32>)  : i32 {
      %get3A = arith.index_cast %scan3A_370 : i32 to index
      %get3A_372 = arith.constant 0 : index
      %get3A_373 = tpu.vector_load %arg9[%get3A, %get3A_372] {strides = array<i32>} : memref<128x128xf32, #tpu.memory_space<vmem>>, vector<1x16xf32>,
      %get3A_374 = vector.shape_cast %get3A_373 : vector<1x16xf32> to vector<16xf32>
      %get3A_375 = arith.index_cast %scan3A_370 : i32 to index
      %get3A_376 = arith.constant 0 : index
      %get3A_377 = tpu.vector_load %arg10[%get3A_375, %get3A_376] {strides = array<i32>} : memref<128x128xf32, #tpu.memory_space<vmem>>, vector<1x16xf32>,
      %get3A_378 = vector.shape_cast %get3A_377 : vector<1x16xf32> to vector<16xf32>
      %get3A_379 = arith.index_cast %scan3A_370 : i32 to index
      %get3A_380 = arith.constant 0 : index
      %get3A_381 = tpu.vector_load %arg11[%get3A_379, %get3A_380] {strides = array<i32>} : memref<128x64xf32, #tpu.memory_space<vmem>>, vector<1x16xf32>,
      %get3A_382 = vector.shape_cast %get3A_381 : vector<1x16xf32> to vector<16xf32>
      %mul3A_383 = arith.constant 5.000000e-01 : f32
      %mul3A_384 = vector.broadcast %mul3A_383 : f32 to vector<16xf32>
      %mul3A_385 = arith.mulf %mul3A_384, %get3A_374 : vector<16xf32>
      %mul3A_386 = arith.constant 5.000000e-01 : f32
      %mul3A_387 = vector.broadcast %mul3A_386 : f32 to vector<16xf32>
      %mul3A_388 = arith.mulf %mul3A_387, %get3A_378 : vector<16xf32>
      %add3A_389 = arith.addf %mul3A_385, %mul3A_388 : vector<16xf32>
      %mul3A_390 = arith.mulf %add3A_389, %add3A_389 : vector<16xf32>
      %mul3A_391 = arith.constant 2.000000e+00 : f32
      %mul3A_392 = vector.broadcast %mul3A_391 : f32 to vector<16xf32>
      %mul3A_393 = arith.mulf %mul3A_392, %add3A_389 : vector<16xf32>
      %mul3A_394 = arith.mulf %mul3A_393, %get3A_382 : vector<16xf32>
      %sub3A = arith.subf %mul3A_390, %mul3A_394 : vector<16xf32>
      %add3A_395 = arith.addf %scan3A_371, %sub3A : vector<16xf32>
      %get3A_396 = arith.index_cast %scan3A_370 : i32 to index
      %get3A_397 = arith.constant 16 : index
      %get3A_398 = tpu.vector_load %arg9[%get3A_396, %get3A_397] {strides = array<i32>} : memref<128x128xf32, #tpu.memory_space<vmem>>, vector<1x16xf32>,
      %get3A_399 = vector.shape_cast %get3A_398 : vector<1x16xf32> to vector<16xf32>
      %get3A_400 = arith.index_cast %scan3A_370 : i32 to index
      %get3A_401 = arith.constant 16 : index
      %get3A_402 = tpu.vector_load %arg10[%get3A_400, %get3A_401] {strides = array<i32>} : memref<128x128xf32, #tpu.memory_space<vmem>>, vector<1x16xf32>,
      %get3A_403 = vector.shape_cast %get3A_402 : vector<1x16xf32> to vector<16xf32>
      %get3A_404 = arith.index_cast %scan3A_370 : i32 to index
      %get3A_405 = arith.constant 16 : index
      %get3A_406 = tpu.vector_load %arg11[%get3A_404, %get3A_405] {strides = array<i32>} : memref<128x64xf32, #tpu.memory_space<vmem>>, vector<1x16xf32>,
      %get3A_407 = vector.shape_cast %get3A_406 : vector<1x16xf32> to vector<16xf32>
      %mul3A_408 = arith.constant 5.000000e-01 : f32
      %mul3A_409 = vector.broadcast %mul3A_408 : f32 to vector<16xf32>
      %mul3A_410 = arith.mulf %mul3A_409, %get3A_399 : vector<16xf32>
      %mul3A_411 = arith.constant 5.000000e-01 : f32
      %mul3A_412 = vector.broadcast %mul3A_411 : f32 to vector<16xf32>
      %mul3A_413 = arith.mulf %mul3A_412, %get3A_403 : vector<16xf32>
      %add3A_414 = arith.addf %mul3A_410, %mul3A_413 : vector<16xf32>
      %mul3A_415 = arith.mulf %add3A_414, %add3A_414 : vector<16xf32>
      %mul3A_416 = arith.constant 2.000000e+00 : f32
      %mul3A_417 = vector.broadcast %mul3A_416 : f32 to vector<16xf32>
      %mul3A_418 = arith.mulf %mul3A_417, %add3A_414 : vector<16xf32>
      %mul3A_419 = arith.mulf %mul3A_418, %get3A_407 : vector<16xf32>
      %sub3A_420 = arith.subf %mul3A_415, %mul3A_419 : vector<16xf32>
      %add3A_421 = arith.addf %add3A_395, %sub3A_420 : vector<16xf32>
      %get3A_422 = arith.index_cast %scan3A_370 : i32 to index
      %get3A_423 = arith.constant 32 : index
      %get3A_424 = tpu.vector_load %arg9[%get3A_422, %get3A_423] {strides = array<i32>} : memref<128x128xf32, #tpu.memory_space<vmem>>, vector<1x16xf32>,
      %get3A_425 = vector.shape_cast %get3A_424 : vector<1x16xf32> to vector<16xf32>
      %get3A_426 = arith.index_cast %scan3A_370 : i32 to index
      %get3A_427 = arith.constant 32 : index
      %get3A_428 = tpu.vector_load %arg10[%get3A_426, %get3A_427] {strides = array<i32>} : memref<128x128xf32, #tpu.memory_space<vmem>>, vector<1x16xf32>,
      %get3A_429 = vector.shape_cast %get3A_428 : vector<1x16xf32> to vector<16xf32>
      %get3A_430 = arith.index_cast %scan3A_370 : i32 to index
      %get3A_431 = arith.constant 32 : index
      %get3A_432 = tpu.vector_load %arg11[%get3A_430, %get3A_431] {strides = array<i32>} : memref<128x64xf32, #tpu.memory_space<vmem>>, vector<1x16xf32>,
      %get3A_433 = vector.shape_cast %get3A_432 : vector<1x16xf32> to vector<16xf32>
      %mul3A_434 = arith.constant 5.000000e-01 : f32
      %mul3A_435 = vector.broadcast %mul3A_434 : f32 to vector<16xf32>
      %mul3A_436 = arith.mulf %mul3A_435, %get3A_425 : vector<16xf32>
      %mul3A_437 = arith.constant 5.000000e-01 : f32
      %mul3A_438 = vector.broadcast %mul3A_437 : f32 to vector<16xf32>
      %mul3A_439 = arith.mulf %mul3A_438, %get3A_429 : vector<16xf32>
      %add3A_440 = arith.addf %mul3A_436, %mul3A_439 : vector<16xf32>
      %mul3A_441 = arith.mulf %add3A_440, %add3A_440 : vector<16xf32>
      %mul3A_442 = arith.constant 2.000000e+00 : f32
      %mul3A_443 = vector.broadcast %mul3A_442 : f32 to vector<16xf32>
      %mul3A_444 = arith.mulf %mul3A_443, %add3A_440 : vector<16xf32>
      %mul3A_445 = arith.mulf %mul3A_444, %get3A_433 : vector<16xf32>
      %sub3A_446 = arith.subf %mul3A_441, %mul3A_445 : vector<16xf32>
      %add3A_447 = arith.addf %add3A_421, %sub3A_446 : vector<16xf32>
      %get3A_448 = arith.index_cast %scan3A_370 : i32 to index
      %get3A_449 = arith.constant 48 : index
      %get3A_450 = tpu.vector_load %arg9[%get3A_448, %get3A_449] {strides = array<i32>} : memref<128x128xf32, #tpu.memory_space<vmem>>, vector<1x16xf32>,
      %get3A_451 = vector.shape_cast %get3A_450 : vector<1x16xf32> to vector<16xf32>
      %get3A_452 = arith.index_cast %scan3A_370 : i32 to index
      %get3A_453 = arith.constant 48 : index
      %get3A_454 = tpu.vector_load %arg10[%get3A_452, %get3A_453] {strides = array<i32>} : memref<128x128xf32, #tpu.memory_space<vmem>>, vector<1x16xf32>,
      %get3A_455 = vector.shape_cast %get3A_454 : vector<1x16xf32> to vector<16xf32>
      %get3A_456 = arith.index_cast %scan3A_370 : i32 to index
      %get3A_457 = arith.constant 48 : index
      %get3A_458 = tpu.vector_load %arg11[%get3A_456, %get3A_457] {strides = array<i32>} : memref<128x64xf32, #tpu.memory_space<vmem>>, vector<1x16xf32>,
      %get3A_459 = vector.shape_cast %get3A_458 : vector<1x16xf32> to vector<16xf32>
      %mul3A_460 = arith.constant 5.000000e-01 : f32
      %mul3A_461 = vector.broadcast %mul3A_460 : f32 to vector<16xf32>
      %mul3A_462 = arith.mulf %mul3A_461, %get3A_451 : vector<16xf32>
      %mul3A_463 = arith.constant 5.000000e-01 : f32
      %mul3A_464 = vector.broadcast %mul3A_463 : f32 to vector<16xf32>
      %mul3A_465 = arith.mulf %mul3A_464, %get3A_455 : vector<16xf32>
      %add3A_466 = arith.addf %mul3A_462, %mul3A_465 : vector<16xf32>
      %mul3A_467 = arith.mulf %add3A_466, %add3A_466 : vector<16xf32>
      %mul3A_468 = arith.constant 2.000000e+00 : f32
      %mul3A_469 = vector.broadcast %mul3A_468 : f32 to vector<16xf32>
      %mul3A_470 = arith.mulf %mul3A_469, %add3A_466 : vector<16xf32>
      %mul3A_471 = arith.mulf %mul3A_470, %get3A_459 : vector<16xf32>
      %sub3A_472 = arith.subf %mul3A_467, %mul3A_471 : vector<16xf32>
      %add3A_473 = arith.addf %add3A_447, %sub3A_472 : vector<16xf32>
      scf.yield %add3A_473 : vector<16xf32>
    }
    %scan3A_366 = arith.constant 128 : i32
    %swap3A = arith.constant 0 : index
    %swap3A_367 = tpu.vector_load %arg12[%swap3A] {strides = array<i32>} : memref<16xf32, #tpu.memory_space<vmem>>, vector<16xf32>,
    %swap3A_368 = vector.shape_cast %swap3A_367 : vector<16xf32> to vector<16xf32>
    %swap3A_369 = vector.shape_cast %scan3A_365 : vector<16xf32> to vector<16xf32>
    tpu.vector_store %arg12[%swap3A], %swap3A_369 {strides = array<i32>} : memref<16xf32, #tpu.memory_space<vmem>>, vector<16xf32>,
    "tpu.region"() ({
      %run_scoped3A = tpu.sem_alloc : memref<!tpu.dma_semaphore, #tpu.memory_space<semaphore_mem>>
      %dma_start3A_370 = arith.constant 0 : i32
      %dma_start3A_371 = tpu.memref_slice %arg6[%add3A, %dma_start3A_370] : memref<32x16xf32, #tpu.memory_space<hbm>> -> memref<1x16xf32, #tpu.memory_space<hbm>>
      %dma_start3A_372 = tpu.memref_squeeze %dma_start3A_371 : memref<1x16xf32, #tpu.memory_space<hbm>> -> memref<16xf32, #tpu.memory_space<hbm>>
      %dma_start3A_373 = arith.constant 0 : i32
      %dma_start3A_374 = tpu.memref_slice %arg6[%add3A, %dma_start3A_373] : memref<32x16xf32, #tpu.memory_space<hbm>> -> memref<1x16xf32, #tpu.memory_space<hbm>>
      %dma_start3A_375 = tpu.memref_squeeze %dma_start3A_374 : memref<1x16xf32, #tpu.memory_space<hbm>> -> memref<16xf32, #tpu.memory_space<hbm>>
      tpu.enqueue_dma source(%arg12 : memref<16xf32, #tpu.memory_space<vmem>>) target(%dma_start3A_375 : memref<16xf32, #tpu.memory_space<hbm>>) target_semaphore(%run_scoped3A : memref<!tpu.dma_semaphore, #tpu.memory_space<semaphore_mem>>)
      %dma_wait3A_376 = arith.constant 0 : i32
      %dma_wait3A_377 = tpu.memref_slice %arg6[%add3A, %dma_wait3A_376] : memref<32x16xf32, #tpu.memory_space<hbm>> -> memref<1x16xf32, #tpu.memory_space<hbm>>
      %dma_wait3A_378 = tpu.memref_squeeze %dma_wait3A_377 : memref<1x16xf32, #tpu.memory_space<hbm>> -> memref<16xf32, #tpu.memory_space<hbm>>
      %dma_wait3A_379 = arith.constant 0 : i32
      %dma_wait3A_380 = tpu.memref_slice %arg6[%add3A, %dma_wait3A_379] : memref<32x16xf32, #tpu.memory_space<hbm>> -> memref<1x16xf32, #tpu.memory_space<hbm>>
      %dma_wait3A_381 = tpu.memref_squeeze %dma_wait3A_380 : memref<1x16xf32, #tpu.memory_space<hbm>> -> memref<16xf32, #tpu.memory_space<hbm>>
      tpu.wait_dma2 semaphore(%run_scoped3A : memref<!tpu.dma_semaphore, #tpu.memory_space<semaphore_mem>>) src(%arg12 : memref<16xf32, #tpu.memory_space<vmem>>) dst(%dma_wait3A_381 : memref<16xf32, #tpu.memory_space<hbm>>)
      tpu.yield
    }) : () -> ()
    return
  }
}

module attributes {stable_mosaic.version = 14 : i64} {
  func.func @_k1_body(%arg0: memref<1024x64xf32, #tpu.memory_space<vmem>>, %arg1: memref<1000x64xf32, #tpu.memory_space<vmem>>, %arg2: memref<1000x1000xf32, #tpu.memory_space<vmem>>, %arg3: memref<1000x1000xf32, #tpu.memory_space<vmem>>, %arg4: memref<1024x1000xf32, #tpu.memory_space<vmem>>, %arg5: memref<1024x1000xf32, #tpu.memory_space<vmem>>) attributes {dimension_semantics = [], scalar_prefetch = 0 : i64, scratch_operands = 0 : i64, tpu.core_type = #tpu.core_type<tc>} {
    %get3A = arith.constant 0 : index
    %get3A_0 = arith.constant 0 : index
    %get3A_1 = vector.load %arg0[%get3A, %get3A_0] : memref<1024x64xf32, #tpu.memory_space<vmem>>, vector<1024x64xf32>
    %get3A_2 = arith.constant 0 : index
    %get3A_3 = arith.constant 0 : index
    %get3A_4 = vector.load %arg1[%get3A_2, %get3A_3] : memref<1000x64xf32, #tpu.memory_space<vmem>>, vector<1000x64xf32>
    %mul3A = arith.mulf %get3A_1, %get3A_1 : vector<1024x64xf32>
    %reduce_sum3A = arith.constant dense<0.000000e+00> : vector<1024xf32>
    %reduce_sum3A_5 = vector.multi_reduction <add>, %mul3A, %reduce_sum3A [1] : vector<1024x64xf32> to vector<1024xf32>
    %broadcast_in_dim3A = vector.shape_cast %reduce_sum3A_5 : vector<1024xf32> to vector<1024x1xf32>
    %mul3A_6 = arith.mulf %get3A_4, %get3A_4 : vector<1000x64xf32>
    %reduce_sum3A_7 = arith.constant dense<0.000000e+00> : vector<1000xf32>
    %reduce_sum3A_8 = vector.multi_reduction <add>, %mul3A_6, %reduce_sum3A_7 [1] : vector<1000x64xf32> to vector<1000xf32>
    %broadcast_in_dim3A_9 = vector.shape_cast %reduce_sum3A_8 : vector<1000xf32> to vector<1x1000xf32>
    %dot_general3A = arith.constant dense<0.000000e+00> : vector<1024x1000xf32>
    %dot_general3A_10 = tpu.matmul %get3A_1, %get3A_4, %dot_general3A {dimension_numbers = #tpu.dot_dimension_numbers<[1], [1], [0], [0], [0, 0, 1, 0], [], []>, transpose_lhs_hint = false} : vector<1024x64xf32>, vector<1000x64xf32>, vector<1024x1000xf32> -> vector<1024x1000xf32>
    %mul3A_11 = arith.constant 2.000000e+00 : f32
    %mul3A_12 = vector.broadcast %mul3A_11 : f32 to vector<1024x1000xf32>
    %mul3A_13 = arith.mulf %mul3A_12, %dot_general3A_10 : vector<1024x1000xf32>
    %sub3A = vector.broadcast %broadcast_in_dim3A : vector<1024x1xf32> to vector<1024x1000xf32>
    %sub3A_14 = arith.subf %sub3A, %mul3A_13 : vector<1024x1000xf32>
    %add3A = vector.broadcast %broadcast_in_dim3A_9 : vector<1x1000xf32> to vector<1024x1000xf32>
    %add3A_15 = arith.addf %sub3A_14, %add3A : vector<1024x1000xf32>
    %iota3A = tpu.iota {dimensions = array<i32: 1>} : vector<1024x1000xi32>
    %reduce_min3A = arith.constant dense<0x7F800000> : vector<1024xf32>
    %reduce_min3A_16 = vector.multi_reduction <minimumf>, %add3A_15, %reduce_min3A [1] : vector<1024x1000xf32> to vector<1024xf32>
    %broadcast_in_dim3A_17 = vector.shape_cast %reduce_min3A_16 : vector<1024xf32> to vector<1024x1xf32>
    %eq3A = vector.broadcast %broadcast_in_dim3A_17 : vector<1024x1xf32> to vector<1024x1000xf32>
    %eq3A_18 = arith.cmpf oeq, %add3A_15, %eq3A : vector<1024x1000xf32>
    %jit3A = arith.constant 1000 : i32
    %broadcast_in_dim3A_19 = vector.broadcast %jit3A : i32 to vector<1024x1000xi32>
    %select_n3A = arith.select %eq3A_18, %iota3A, %broadcast_in_dim3A_19 : vector<1024x1000xi1>, vector<1024x1000xi32>
    %reduce_min3A_20 = arith.constant dense<2147483647> : vector<1024xi32>
    %reduce_min3A_21 = vector.multi_reduction <minsi>, %select_n3A, %reduce_min3A_20 [1] : vector<1024x1000xi32> to vector<1024xi32>
    %broadcast_in_dim3A_22 = vector.shape_cast %reduce_min3A_21 : vector<1024xi32> to vector<1024x1xi32>
    %eq3A_23 = vector.broadcast %broadcast_in_dim3A_22 : vector<1024x1xi32> to vector<1024x1000xi32>
    %eq3A_24 = arith.cmpi eq, %eq3A_23, %iota3A : vector<1024x1000xi32>
    %convert_element_type3A = arith.extui %eq3A_24 : vector<1024x1000xi1> to vector<1024x1000xi32>
    %convert_element_type3A_25 = arith.sitofp %convert_element_type3A : vector<1024x1000xi32> to vector<1024x1000xf32>
    %get3A_26 = arith.constant 0 : index
    %get3A_27 = arith.constant 0 : index
    %get3A_28 = vector.load %arg2[%get3A_26, %get3A_27] : memref<1000x1000xf32, #tpu.memory_space<vmem>>, vector<1000x1000xf32>
    %dot_general3A_29 = arith.constant dense<0.000000e+00> : vector<1024x1000xf32>
    %dot_general3A_30 = tpu.matmul %convert_element_type3A_25, %get3A_28, %dot_general3A_29 {dimension_numbers = #tpu.dot_dimension_numbers<[1], [0], [0], [1], [0, 0, 1, 1], [], []>, precision = #tpu.contract_precision<fp32>, transpose_lhs_hint = false} : vector<1024x1000xf32>, vector<1000x1000xf32>, vector<1024x1000xf32> -> vector<1024x1000xf32>
    %reduce_min3A_31 = arith.constant dense<0x7F800000> : vector<1024xf32>
    %reduce_min3A_32 = vector.multi_reduction <minimumf>, %dot_general3A_30, %reduce_min3A_31 [1] : vector<1024x1000xf32> to vector<1024xf32>
    %broadcast_in_dim3A_33 = vector.shape_cast %reduce_min3A_32 : vector<1024xf32> to vector<1024x1xf32>
    %sub3A_34 = arith.constant 1.000000e+00 : f32
    %sub3A_35 = vector.broadcast %sub3A_34 : f32 to vector<1024x1xf32>
    %sub3A_36 = arith.subf %broadcast_in_dim3A_33, %sub3A_35 : vector<1024x1xf32>
    %reduce_max3A = arith.constant dense<0xFF800000> : vector<1024xf32>
    %reduce_max3A_37 = vector.multi_reduction <maximumf>, %dot_general3A_30, %reduce_max3A [1] : vector<1024x1000xf32> to vector<1024xf32>
    %broadcast_in_dim3A_38 = vector.shape_cast %reduce_max3A_37 : vector<1024xf32> to vector<1024x1xf32>
    %add3A_39 = arith.constant 1.000000e+00 : f32
    %add3A_40 = vector.broadcast %add3A_39 : f32 to vector<1024x1xf32>
    %add3A_41 = arith.addf %broadcast_in_dim3A_38, %add3A_40 : vector<1024x1xf32>
    %scan3A = arith.constant 0 : i32
    %scan3A_42 = arith.constant 36 : i32
    %scan3A_43 = arith.addi %scan3A, %scan3A_42 : i32
    %scan3A_44 = arith.constant 1 : i32
    %scan3A_45:2 = scf.for %scan3A_82 = %scan3A to %scan3A_43 step %scan3A_44 iter_args(%scan3A_83 = %sub3A_36, %scan3A_84 = %add3A_41) -> (vector<1024x1xf32>, vector<1024x1xf32>)  : i32 {
      %add3A_85 = arith.addf %scan3A_83, %scan3A_84 : vector<1024x1xf32>
      %mul3A_86 = arith.constant 5.000000e-01 : f32
      %mul3A_87 = vector.broadcast %mul3A_86 : f32 to vector<1024x1xf32>
      %mul3A_88 = arith.mulf %mul3A_87, %add3A_85 : vector<1024x1xf32>
      %ge3A_89 = vector.broadcast %mul3A_88 : vector<1024x1xf32> to vector<1024x1000xf32>
      %ge3A_90 = arith.cmpf oge, %dot_general3A_30, %ge3A_89 : vector<1024x1000xf32>
      %convert_element_type3A_91 = arith.extui %ge3A_90 : vector<1024x1000xi1> to vector<1024x1000xi32>
      %reduce_sum3A_92 = arith.constant dense<0> : vector<1024xi32>
      %reduce_sum3A_93 = vector.multi_reduction <add>, %convert_element_type3A_91, %reduce_sum3A_92 [1] : vector<1024x1000xi32> to vector<1024xi32>
      %broadcast_in_dim3A_94 = vector.shape_cast %reduce_sum3A_93 : vector<1024xi32> to vector<1024x1xi32>
      %ge3A_95 = arith.constant 64 : i32
      %ge3A_96 = vector.broadcast %ge3A_95 : i32 to vector<1024x1xi32>
      %ge3A_97 = arith.cmpi sge, %broadcast_in_dim3A_94, %ge3A_96 : vector<1024x1xi32>
      %select_n3A_98 = arith.select %ge3A_97, %mul3A_88, %scan3A_83 : vector<1024x1xi1>, vector<1024x1xf32>
      %select_n3A_99 = arith.select %ge3A_97, %scan3A_84, %mul3A_88 : vector<1024x1xi1>, vector<1024x1xf32>
      scf.yield %select_n3A_98, %select_n3A_99 : vector<1024x1xf32>, vector<1024x1xf32>
    }
    %ge3A = vector.broadcast %scan3A_45#0 : vector<1024x1xf32> to vector<1024x1000xf32>
    %ge3A_46 = arith.cmpf oge, %dot_general3A_30, %ge3A : vector<1024x1000xf32>
    %jit3A_47 = arith.constant 0xFF800000 : f32
    %broadcast_in_dim3A_48 = vector.broadcast %jit3A_47 : f32 to vector<1024x1000xf32>
    %select_n3A_49 = arith.select %ge3A_46, %dot_general3A_30, %broadcast_in_dim3A_48 : vector<1024x1000xi1>, vector<1024x1000xf32>
    %swap3A = arith.constant 0 : index
    %swap3A_50 = arith.constant 0 : index
    %swap3A_51 = vector.load %arg4[%swap3A, %swap3A_50] : memref<1024x1000xf32, #tpu.memory_space<vmem>>, vector<1024x1000xf32>
    tpu.vector_store %arg4[%swap3A, %swap3A_50], %select_n3A_49 {strides = array<i32>} : memref<1024x1000xf32, #tpu.memory_space<vmem>>, vector<1024x1000xf32>,
    %get3A_52 = arith.constant 0 : index
    %get3A_53 = arith.constant 0 : index
    %get3A_54 = vector.load %arg3[%get3A_52, %get3A_53] : memref<1000x1000xf32, #tpu.memory_space<vmem>>, vector<1000x1000xf32>
    %dot_general3A_55 = arith.constant dense<0.000000e+00> : vector<1024x1000xf32>
    %dot_general3A_56 = tpu.matmul %convert_element_type3A_25, %get3A_54, %dot_general3A_55 {dimension_numbers = #tpu.dot_dimension_numbers<[1], [0], [0], [1], [0, 0, 1, 1], [], []>, precision = #tpu.contract_precision<fp32>, transpose_lhs_hint = false} : vector<1024x1000xf32>, vector<1000x1000xf32>, vector<1024x1000xf32> -> vector<1024x1000xf32>
    %reduce_min3A_57 = arith.constant dense<0x7F800000> : vector<1024xf32>
    %reduce_min3A_58 = vector.multi_reduction <minimumf>, %dot_general3A_56, %reduce_min3A_57 [1] : vector<1024x1000xf32> to vector<1024xf32>
    %broadcast_in_dim3A_59 = vector.shape_cast %reduce_min3A_58 : vector<1024xf32> to vector<1024x1xf32>
    %sub3A_60 = arith.constant 1.000000e+00 : f32
    %sub3A_61 = vector.broadcast %sub3A_60 : f32 to vector<1024x1xf32>
    %sub3A_62 = arith.subf %broadcast_in_dim3A_59, %sub3A_61 : vector<1024x1xf32>
    %reduce_max3A_63 = arith.constant dense<0xFF800000> : vector<1024xf32>
    %reduce_max3A_64 = vector.multi_reduction <maximumf>, %dot_general3A_56, %reduce_max3A_63 [1] : vector<1024x1000xf32> to vector<1024xf32>
    %broadcast_in_dim3A_65 = vector.shape_cast %reduce_max3A_64 : vector<1024xf32> to vector<1024x1xf32>
    %add3A_66 = arith.constant 1.000000e+00 : f32
    %add3A_67 = vector.broadcast %add3A_66 : f32 to vector<1024x1xf32>
    %add3A_68 = arith.addf %broadcast_in_dim3A_65, %add3A_67 : vector<1024x1xf32>
    %scan3A_69 = arith.constant 0 : i32
    %scan3A_70 = arith.constant 36 : i32
    %scan3A_71 = arith.addi %scan3A_69, %scan3A_70 : i32
    %scan3A_72 = arith.constant 1 : i32
    %scan3A_73:2 = scf.for %scan3A_82 = %scan3A_69 to %scan3A_71 step %scan3A_72 iter_args(%scan3A_83 = %sub3A_62, %scan3A_84 = %add3A_68) -> (vector<1024x1xf32>, vector<1024x1xf32>)  : i32 {
      %add3A_85 = arith.addf %scan3A_83, %scan3A_84 : vector<1024x1xf32>
      %mul3A_86 = arith.constant 5.000000e-01 : f32
      %mul3A_87 = vector.broadcast %mul3A_86 : f32 to vector<1024x1xf32>
      %mul3A_88 = arith.mulf %mul3A_87, %add3A_85 : vector<1024x1xf32>
      %ge3A_89 = vector.broadcast %mul3A_88 : vector<1024x1xf32> to vector<1024x1000xf32>
      %ge3A_90 = arith.cmpf oge, %dot_general3A_56, %ge3A_89 : vector<1024x1000xf32>
      %convert_element_type3A_91 = arith.extui %ge3A_90 : vector<1024x1000xi1> to vector<1024x1000xi32>
      %reduce_sum3A_92 = arith.constant dense<0> : vector<1024xi32>
      %reduce_sum3A_93 = vector.multi_reduction <add>, %convert_element_type3A_91, %reduce_sum3A_92 [1] : vector<1024x1000xi32> to vector<1024xi32>
      %broadcast_in_dim3A_94 = vector.shape_cast %reduce_sum3A_93 : vector<1024xi32> to vector<1024x1xi32>
      %ge3A_95 = arith.constant 64 : i32
      %ge3A_96 = vector.broadcast %ge3A_95 : i32 to vector<1024x1xi32>
      %ge3A_97 = arith.cmpi sge, %broadcast_in_dim3A_94, %ge3A_96 : vector<1024x1xi32>
      %select_n3A_98 = arith.select %ge3A_97, %mul3A_88, %scan3A_83 : vector<1024x1xi1>, vector<1024x1xf32>
      %select_n3A_99 = arith.select %ge3A_97, %scan3A_84, %mul3A_88 : vector<1024x1xi1>, vector<1024x1xf32>
      scf.yield %select_n3A_98, %select_n3A_99 : vector<1024x1xf32>, vector<1024x1xf32>
    }
    %ge3A_74 = vector.broadcast %scan3A_73#0 : vector<1024x1xf32> to vector<1024x1000xf32>
    %ge3A_75 = arith.cmpf oge, %dot_general3A_56, %ge3A_74 : vector<1024x1000xf32>
    %jit3A_76 = arith.constant 0xFF800000 : f32
    %broadcast_in_dim3A_77 = vector.broadcast %jit3A_76 : f32 to vector<1024x1000xf32>
    %select_n3A_78 = arith.select %ge3A_75, %dot_general3A_56, %broadcast_in_dim3A_77 : vector<1024x1000xi1>, vector<1024x1000xf32>
    %swap3A_79 = arith.constant 0 : index
    %swap3A_80 = arith.constant 0 : index
    %swap3A_81 = vector.load %arg5[%swap3A_79, %swap3A_80] : memref<1024x1000xf32, #tpu.memory_space<vmem>>, vector<1024x1000xf32>
    tpu.vector_store %arg5[%swap3A_79, %swap3A_80], %select_n3A_78 {strides = array<i32>} : memref<1024x1000xf32, #tpu.memory_space<vmem>>, vector<1024x1000xf32>,
    return
  }
}

module attributes {stable_mosaic.version = 14 : i64} {
  func.func @_k2_body(%arg0: i32, %arg1: i32, %arg2: memref<1x1024x1000xf32, #tpu.memory_space<vmem>>, %arg3: memref<1x1024x1000xf32, #tpu.memory_space<vmem>>, %arg4: memref<1024x1000xf32, #tpu.memory_space<vmem>>, %arg5: memref<1024x1000xf32, #tpu.memory_space<vmem>>, %arg6: memref<1x1x1024xi32, #tpu.memory_space<vmem>>, %arg7: memref<1x1x1024xi32, #tpu.memory_space<vmem>>) attributes {dimension_semantics = [#tpu.dimension_semantics<arbitrary>, #tpu.dimension_semantics<arbitrary>], iteration_bounds = array<i64: 1, 32>, scalar_prefetch = 0 : i64, scratch_operands = 0 : i64, tpu.core_type = #tpu.core_type<tc>, window_params = [{transform_indices = @transform_0, window_bounds = array<i64: 1, 1024, 1000>}, {transform_indices = @transform_1, window_bounds = array<i64: 1, 1024, 1000>}, {transform_indices = @transform_2, window_bounds = array<i64: 1024, 1000>}, {transform_indices = @transform_3, window_bounds = array<i64: 1024, 1000>}, {transform_indices = @transform_4, window_bounds = array<i64: 1, 1, 1024>}, {transform_indices = @transform_5, window_bounds = array<i64: 1, 1, 1024>}]} {
    %iota3A = tpu.iota {dimensions = array<i32: 1>} : vector<1024x1000xi32>
    %get3A = arith.constant 0 : index
    %get3A_0 = arith.constant 0 : index
    %get3A_1 = arith.constant 0 : index
    %get3A_2 = vector.load %arg2[%get3A, %get3A_0, %get3A_1] : memref<1x1024x1000xf32, #tpu.memory_space<vmem>>, vector<1x1024x1000xf32>
    %get3A_3 = vector.shape_cast %get3A_2 : vector<1x1024x1000xf32> to vector<1024x1000xf32>
    %add3A = arith.constant 9.99999971E-10 : f32
    %add3A_4 = vector.broadcast %add3A : f32 to vector<1024x1000xf32>
    %add3A_5 = arith.addf %get3A_3, %add3A_4 : vector<1024x1000xf32>
    %log3A = math.log %add3A_5 : vector<1024x1000xf32>
    %neg3A = arith.constant 0.000000e+00 : f32
    %neg3A_6 = vector.broadcast %neg3A : f32 to vector<1024x1000xf32>
    %neg3A_7 = arith.subf %neg3A_6, %log3A : vector<1024x1000xf32>
    %add3A_8 = arith.constant 9.99999971E-10 : f32
    %add3A_9 = vector.broadcast %add3A_8 : f32 to vector<1024x1000xf32>
    %add3A_10 = arith.addf %neg3A_7, %add3A_9 : vector<1024x1000xf32>
    %log3A_11 = math.log %add3A_10 : vector<1024x1000xf32>
    %neg3A_12 = arith.constant 0.000000e+00 : f32
    %neg3A_13 = vector.broadcast %neg3A_12 : f32 to vector<1024x1000xf32>
    %neg3A_14 = arith.subf %neg3A_13, %log3A_11 : vector<1024x1000xf32>
    %get3A_15 = arith.constant 0 : index
    %get3A_16 = arith.constant 0 : index
    %get3A_17 = vector.load %arg4[%get3A_15, %get3A_16] : memref<1024x1000xf32, #tpu.memory_space<vmem>>, vector<1024x1000xf32>
    %add3A_18 = arith.addf %get3A_17, %neg3A_14 : vector<1024x1000xf32>
    %reduce_max3A = arith.constant dense<0xFF800000> : vector<1024xf32>
    %reduce_max3A_19 = vector.multi_reduction <maximumf>, %add3A_18, %reduce_max3A [1] : vector<1024x1000xf32> to vector<1024xf32>
    %broadcast_in_dim3A = vector.shape_cast %reduce_max3A_19 : vector<1024xf32> to vector<1024x1xf32>
    %eq3A = vector.broadcast %broadcast_in_dim3A : vector<1024x1xf32> to vector<1024x1000xf32>
    %eq3A_20 = arith.cmpf oeq, %add3A_18, %eq3A : vector<1024x1000xf32>
    %jit3A = arith.constant 1000 : i32
    %broadcast_in_dim3A_21 = vector.broadcast %jit3A : i32 to vector<1024x1000xi32>
    %select_n3A = arith.select %eq3A_20, %iota3A, %broadcast_in_dim3A_21 : vector<1024x1000xi1>, vector<1024x1000xi32>
    %reduce_min3A = arith.constant dense<2147483647> : vector<1024xi32>
    %reduce_min3A_22 = vector.multi_reduction <minsi>, %select_n3A, %reduce_min3A [1] : vector<1024x1000xi32> to vector<1024xi32>
    %swap3A = arith.constant 0 : index
    %swap3A_23 = arith.constant 0 : index
    %swap3A_24 = arith.constant 0 : index
    %swap3A_25 = vector.load %arg6[%swap3A, %swap3A_23, %swap3A_24] : memref<1x1x1024xi32, #tpu.memory_space<vmem>>, vector<1x1x1024xi32>
    %swap3A_26 = vector.shape_cast %swap3A_25 : vector<1x1x1024xi32> to vector<1024xi32>
    %swap3A_27 = vector.shape_cast %reduce_min3A_22 : vector<1024xi32> to vector<1x1x1024xi32>
    tpu.vector_store %arg6[%swap3A, %swap3A_23, %swap3A_24], %swap3A_27 {strides = array<i32>} : memref<1x1x1024xi32, #tpu.memory_space<vmem>>, vector<1x1x1024xi32>,
    %get3A_28 = arith.constant 0 : index
    %get3A_29 = arith.constant 0 : index
    %get3A_30 = arith.constant 0 : index
    %get3A_31 = vector.load %arg3[%get3A_28, %get3A_29, %get3A_30] : memref<1x1024x1000xf32, #tpu.memory_space<vmem>>, vector<1x1024x1000xf32>
    %get3A_32 = vector.shape_cast %get3A_31 : vector<1x1024x1000xf32> to vector<1024x1000xf32>
    %add3A_33 = arith.constant 9.99999971E-10 : f32
    %add3A_34 = vector.broadcast %add3A_33 : f32 to vector<1024x1000xf32>
    %add3A_35 = arith.addf %get3A_32, %add3A_34 : vector<1024x1000xf32>
    %log3A_36 = math.log %add3A_35 : vector<1024x1000xf32>
    %neg3A_37 = arith.constant 0.000000e+00 : f32
    %neg3A_38 = vector.broadcast %neg3A_37 : f32 to vector<1024x1000xf32>
    %neg3A_39 = arith.subf %neg3A_38, %log3A_36 : vector<1024x1000xf32>
    %add3A_40 = arith.constant 9.99999971E-10 : f32
    %add3A_41 = vector.broadcast %add3A_40 : f32 to vector<1024x1000xf32>
    %add3A_42 = arith.addf %neg3A_39, %add3A_41 : vector<1024x1000xf32>
    %log3A_43 = math.log %add3A_42 : vector<1024x1000xf32>
    %neg3A_44 = arith.constant 0.000000e+00 : f32
    %neg3A_45 = vector.broadcast %neg3A_44 : f32 to vector<1024x1000xf32>
    %neg3A_46 = arith.subf %neg3A_45, %log3A_43 : vector<1024x1000xf32>
    %get3A_47 = arith.constant 0 : index
    %get3A_48 = arith.constant 0 : index
    %get3A_49 = vector.load %arg5[%get3A_47, %get3A_48] : memref<1024x1000xf32, #tpu.memory_space<vmem>>, vector<1024x1000xf32>
    %add3A_50 = arith.addf %get3A_49, %neg3A_46 : vector<1024x1000xf32>
    %reduce_max3A_51 = arith.constant dense<0xFF800000> : vector<1024xf32>
    %reduce_max3A_52 = vector.multi_reduction <maximumf>, %add3A_50, %reduce_max3A_51 [1] : vector<1024x1000xf32> to vector<1024xf32>
    %broadcast_in_dim3A_53 = vector.shape_cast %reduce_max3A_52 : vector<1024xf32> to vector<1024x1xf32>
    %eq3A_54 = vector.broadcast %broadcast_in_dim3A_53 : vector<1024x1xf32> to vector<1024x1000xf32>
    %eq3A_55 = arith.cmpf oeq, %add3A_50, %eq3A_54 : vector<1024x1000xf32>
    %jit3A_56 = arith.constant 1000 : i32
    %broadcast_in_dim3A_57 = vector.broadcast %jit3A_56 : i32 to vector<1024x1000xi32>
    %select_n3A_58 = arith.select %eq3A_55, %iota3A, %broadcast_in_dim3A_57 : vector<1024x1000xi1>, vector<1024x1000xi32>
    %reduce_min3A_59 = arith.constant dense<2147483647> : vector<1024xi32>
    %reduce_min3A_60 = vector.multi_reduction <minsi>, %select_n3A_58, %reduce_min3A_59 [1] : vector<1024x1000xi32> to vector<1024xi32>
    %swap3A_61 = arith.constant 0 : index
    %swap3A_62 = arith.constant 0 : index
    %swap3A_63 = arith.constant 0 : index
    %swap3A_64 = vector.load %arg7[%swap3A_61, %swap3A_62, %swap3A_63] : memref<1x1x1024xi32, #tpu.memory_space<vmem>>, vector<1x1x1024xi32>
    %swap3A_65 = vector.shape_cast %swap3A_64 : vector<1x1x1024xi32> to vector<1024xi32>
    %swap3A_66 = vector.shape_cast %reduce_min3A_60 : vector<1024xi32> to vector<1x1x1024xi32>
    tpu.vector_store %arg7[%swap3A_61, %swap3A_62, %swap3A_63], %swap3A_66 {strides = array<i32>} : memref<1x1x1024xi32, #tpu.memory_space<vmem>>, vector<1x1x1024xi32>,
    return
  }
  func.func @transform_0(%arg0: i32, %arg1: i32) -> (i32, i32, i32) {
    %c0_i32 = arith.constant 0 : i32
    %c0_i32_0 = arith.constant 0 : i32
    return %arg1, %arg0, %c0_i32 : i32, i32, i32
  }
  func.func @transform_1(%arg0: i32, %arg1: i32) -> (i32, i32, i32) {
    %c0_i32 = arith.constant 0 : i32
    %c0_i32_0 = arith.constant 0 : i32
    return %arg1, %arg0, %c0_i32 : i32, i32, i32
  }
  func.func @transform_2(%arg0: i32, %arg1: i32) -> (i32, i32) {
    %c0_i32 = arith.constant 0 : i32
    %c0_i32_0 = arith.constant 0 : i32
    return %arg0, %c0_i32 : i32, i32
  }
  func.func @transform_3(%arg0: i32, %arg1: i32) -> (i32, i32) {
    %c0_i32 = arith.constant 0 : i32
    %c0_i32_0 = arith.constant 0 : i32
    return %arg0, %c0_i32 : i32, i32
  }
  func.func @transform_4(%arg0: i32, %arg1: i32) -> (i32, i32, i32) {
    %c0_i32 = arith.constant 0 : i32
    %c0_i32_0 = arith.constant 0 : i32
    return %arg1, %c0_i32, %arg0 : i32, i32, i32
  }
  func.func @transform_5(%arg0: i32, %arg1: i32) -> (i32, i32, i32) {
    %c0_i32 = arith.constant 0 : i32
    %c0_i32_0 = arith.constant 0 : i32
    return %arg1, %c0_i32, %arg0 : i32, i32, i32
  }
}

module attributes {stable_mosaic.version = 14 : i64} {
  func.func @_k4_body(%arg0: memref<32x16xf32, #tpu.memory_space<vmem>>, %arg1: memref<32x1x1024xi32, #tpu.memory_space<vmem>>, %arg2: memref<32x1x1024xi32, #tpu.memory_space<vmem>>, %arg3: memref<1000x64xf32, #tpu.memory_space<vmem>>, %arg4: memref<2x1024x64xf32, #tpu.memory_space<vmem>>) attributes {dimension_semantics = [], scalar_prefetch = 0 : i64, scratch_operands = 0 : i64, tpu.core_type = #tpu.core_type<tc>} {
    %get3A = arith.constant 0 : index
    %get3A_0 = arith.constant 0 : index
    %get3A_1 = vector.load %arg0[%get3A, %get3A_0] : memref<32x16xf32, #tpu.memory_space<vmem>>, vector<32x16xf32>
    %reduce_sum3A = arith.constant dense<0.000000e+00> : vector<32xf32>
    %reduce_sum3A_2 = vector.multi_reduction <add>, %get3A_1, %reduce_sum3A [1] : vector<32x16xf32> to vector<32xf32>
    %iota3A = tpu.iota {dimensions = array<i32: 1>} : vector<1x32xi32>
    %broadcast_in_dim3A = vector.shape_cast %reduce_sum3A_2 : vector<32xf32> to vector<1x32xf32>
    %reduce_min3A = arith.constant dense<0x7F800000> : vector<1xf32>
    %reduce_min3A_3 = vector.multi_reduction <minimumf>, %broadcast_in_dim3A, %reduce_min3A [1] : vector<1x32xf32> to vector<1xf32>
    %broadcast_in_dim3A_4 = vector.shape_cast %reduce_min3A_3 : vector<1xf32> to vector<1x1xf32>
    %eq3A = vector.broadcast %broadcast_in_dim3A_4 : vector<1x1xf32> to vector<1x32xf32>
    %eq3A_5 = arith.cmpf oeq, %broadcast_in_dim3A, %eq3A : vector<1x32xf32>
    %jit3A = arith.constant 32 : i32
    %broadcast_in_dim3A_6 = vector.broadcast %jit3A : i32 to vector<1x32xi32>
    %select_n3A = arith.select %eq3A_5, %iota3A, %broadcast_in_dim3A_6 : vector<1x32xi1>, vector<1x32xi32>
    %reduce_min3A_7 = arith.constant dense<2147483647> : vector<1xi32>
    %reduce_min3A_8 = vector.multi_reduction <minsi>, %select_n3A, %reduce_min3A_7 [1] : vector<1x32xi32> to vector<1xi32>
    %squeeze3A = vector.extract %reduce_min3A_8[0] : i32 from vector<1xi32>
    %eq3A_9 = vector.broadcast %squeeze3A : i32 to vector<1x32xi32>
    %eq3A_10 = arith.cmpi eq, %iota3A, %eq3A_9 : vector<1x32xi32>
    %convert_element_type3A = arith.extui %eq3A_10 : vector<1x32xi1> to vector<1x32xi32>
    %squeeze3A_11 = vector.shape_cast %convert_element_type3A : vector<1x32xi32> to vector<32xi32>
    %broadcast_in_dim3A_12 = vector.shape_cast %squeeze3A_11 : vector<32xi32> to vector<32x1xi32>
    %get3A_13 = arith.constant 0 : index
    %get3A_14 = arith.constant 0 : index
    %get3A_15 = vector.load %arg3[%get3A_13, %get3A_14] : memref<1000x64xf32, #tpu.memory_space<vmem>>, vector<1000x64xf32>
    %iota3A_16 = tpu.iota {dimensions = array<i32: 1>} : vector<1024x1000xi32>
    %get3A_17 = arith.constant 0 : index
    %get3A_18 = arith.constant 0 : index
    %get3A_19 = arith.constant 0 : index
    %get3A_20 = vector.load %arg1[%get3A_17, %get3A_18, %get3A_19] : memref<32x1x1024xi32, #tpu.memory_space<vmem>>, vector<32x1x1024xi32>
    %get3A_21 = vector.shape_cast %get3A_20 : vector<32x1x1024xi32> to vector<32x1024xi32>
    %mul3A = vector.broadcast %broadcast_in_dim3A_12 : vector<32x1xi32> to vector<32x1024xi32>
    %mul3A_22 = arith.muli %get3A_21, %mul3A : vector<32x1024xi32>
    %reduce_sum3A_23 = arith.constant dense<0> : vector<1024xi32>
    %reduce_sum3A_24 = vector.multi_reduction <add>, %mul3A_22, %reduce_sum3A_23 [0] : vector<32x1024xi32> to vector<1024xi32>
    %broadcast_in_dim3A_25 = vector.shape_cast %reduce_sum3A_24 : vector<1024xi32> to vector<1024x1xi32>
    %eq3A_26 = vector.broadcast %broadcast_in_dim3A_25 : vector<1024x1xi32> to vector<1024x1000xi32>
    %eq3A_27 = arith.cmpi eq, %eq3A_26, %iota3A_16 : vector<1024x1000xi32>
    %convert_element_type3A_28 = arith.extui %eq3A_27 : vector<1024x1000xi1> to vector<1024x1000xi32>
    %convert_element_type3A_29 = arith.sitofp %convert_element_type3A_28 : vector<1024x1000xi32> to vector<1024x1000xf32>
    %dot_general3A = arith.constant dense<0.000000e+00> : vector<1024x64xf32>
    %dot_general3A_30 = tpu.matmul %convert_element_type3A_29, %get3A_15, %dot_general3A {dimension_numbers = #tpu.dot_dimension_numbers<[1], [0], [0], [1], [0, 0, 1, 1], [], []>, precision = #tpu.contract_precision<fp32>, transpose_lhs_hint = false} : vector<1024x1000xf32>, vector<1000x64xf32>, vector<1024x64xf32> -> vector<1024x64xf32>
    %swap3A = arith.constant 0 : index
    %swap3A_31 = arith.constant 0 : index
    %swap3A_32 = arith.constant 0 : index
    %swap3A_33 = vector.load %arg4[%swap3A, %swap3A_31, %swap3A_32] : memref<2x1024x64xf32, #tpu.memory_space<vmem>>, vector<1x1024x64xf32>
    %swap3A_34 = vector.shape_cast %swap3A_33 : vector<1x1024x64xf32> to vector<1024x64xf32>
    %swap3A_35 = vector.shape_cast %dot_general3A_30 : vector<1024x64xf32> to vector<1x1024x64xf32>
    tpu.vector_store %arg4[%swap3A, %swap3A_31, %swap3A_32], %swap3A_35 {strides = array<i32>} : memref<2x1024x64xf32, #tpu.memory_space<vmem>>, vector<1x1024x64xf32>,
    %get3A_36 = arith.constant 0 : index
    %get3A_37 = arith.constant 0 : index
    %get3A_38 = arith.constant 0 : index
    %get3A_39 = vector.load %arg2[%get3A_36, %get3A_37, %get3A_38] : memref<32x1x1024xi32, #tpu.memory_space<vmem>>, vector<32x1x1024xi32>
    %get3A_40 = vector.shape_cast %get3A_39 : vector<32x1x1024xi32> to vector<32x1024xi32>
    %mul3A_41 = vector.broadcast %broadcast_in_dim3A_12 : vector<32x1xi32> to vector<32x1024xi32>
    %mul3A_42 = arith.muli %get3A_40, %mul3A_41 : vector<32x1024xi32>
    %reduce_sum3A_43 = arith.constant dense<0> : vector<1024xi32>
    %reduce_sum3A_44 = vector.multi_reduction <add>, %mul3A_42, %reduce_sum3A_43 [0] : vector<32x1024xi32> to vector<1024xi32>
    %broadcast_in_dim3A_45 = vector.shape_cast %reduce_sum3A_44 : vector<1024xi32> to vector<1024x1xi32>
    %eq3A_46 = vector.broadcast %broadcast_in_dim3A_45 : vector<1024x1xi32> to vector<1024x1000xi32>
    %eq3A_47 = arith.cmpi eq, %eq3A_46, %iota3A_16 : vector<1024x1000xi32>
    %convert_element_type3A_48 = arith.extui %eq3A_47 : vector<1024x1000xi1> to vector<1024x1000xi32>
    %convert_element_type3A_49 = arith.sitofp %convert_element_type3A_48 : vector<1024x1000xi32> to vector<1024x1000xf32>
    %dot_general3A_50 = arith.constant dense<0.000000e+00> : vector<1024x64xf32>
    %dot_general3A_51 = tpu.matmul %convert_element_type3A_49, %get3A_15, %dot_general3A_50 {dimension_numbers = #tpu.dot_dimension_numbers<[1], [0], [0], [1], [0, 0, 1, 1], [], []>, precision = #tpu.contract_precision<fp32>, transpose_lhs_hint = false} : vector<1024x1000xf32>, vector<1000x64xf32>, vector<1024x64xf32> -> vector<1024x64xf32>
    %swap3A_52 = arith.constant 1 : index
    %swap3A_53 = arith.constant 0 : index
    %swap3A_54 = arith.constant 0 : index
    %swap3A_55 = vector.load %arg4[%swap3A_52, %swap3A_53, %swap3A_54] : memref<2x1024x64xf32, #tpu.memory_space<vmem>>, vector<1x1024x64xf32>
    %swap3A_56 = vector.shape_cast %swap3A_55 : vector<1x1024x64xf32> to vector<1024x64xf32>
    %swap3A_57 = vector.shape_cast %dot_general3A_51 : vector<1024x64xf32> to vector<1x1024x64xf32>
    tpu.vector_store %arg4[%swap3A_52, %swap3A_53, %swap3A_54], %swap3A_57 {strides = array<i32>} : memref<2x1024x64xf32, #tpu.memory_space<vmem>>, vector<1x1024x64xf32>,
    return
  }
}

</mosaic_0001>

<sc_bundles>
// kernel: kernel.6.cloned.1.call-start
scs
__scs_entry_jumppad:
0x0: {  	(pc) =	sbr.rel $0x88, $3  }
0x1: {  	(tag) =	ssettag $0x0;
	lr =	simm.s32 $0x1  }
0x2: {  	[smem:$0x3F9B] =	sst lr;
	_ =	strace $0xD0000000  }
0x3: {  	_ = 	snop  }
0x4: {  	_ = 	snop  }
0x5: {  	_ = 	snop  }
0x6: {  	_ = 	snop  }
0x7: {  	_ = 	snop  }
__scs_overlays_trampoline_lowered:
0x8: {  	[smem:$0x3FAA] =	sst s0  }
0x9: {  	[smem:$0x3FAB] =	sst s1  }
0xa: {  	[smem:$0x3FAC] =	sst s2  }
0xb: {  	[smem:$0x3FAD] =	sst s3  }
0xc: {  	[smem:$0x3FAE] =	sst s4  }
0xd: {  	[smem:$0x3FAF] =	sst s5  }
0xe: {  	[smem:$0x3FB0] =	sst s6  }
0xf: {  	[smem:$0x3FB1] =	sst s7  }
0x10: {  	[smem:$0x3FB2] =	sst s8  }
0x11: {  	[smem:$0x3FB3] =	sst s9;
	s0 =	simm.s32 @!p0 $0x0  }
0x12: {  	s1 =	sld [smem:$0x3F99];
	s0 =	simm.s32 @p0 $0x1  }
0x13: {  	[smem:$0x3FB4] =	sst s0;
	s0 =	simm.s32 @!p1 $0x0  }
0x14: {  	s2 =	sld [smem:$0x3F98];
	s0 =	simm.s32 @p1 $0x1  }
0x15: {  	[smem:$0x3FB5] =	sst s0;
	s0 =	simm.s32 @!p2 $0x0  }
0x16: {  	s3 =	sld [smem:$0x3FDB];
	s0 =	simm.s32 @p2 $0x1  }
0x17: {  	s4 =	simm.s32 $0x1BF5;
	[smem:$0x3FB7] =	sst s0  }
0x18: {  	s0 =	sld [smem:$0x3F9A];
	_ =	swait.ge [sflag:s4], $0x0  }
0x19: {  	s7 =	sld [smem:$0x3F9B]  }
0x1a: {  	s8 =	sadd.s32 $0xFFFFE003, lr  }
0x1b: {  	s9 =	sadd.s32 $0xFFFFFEF7, lr;
	s5 =	simm.s32 $0xFFFFFFFF;
	p2 =	slt.u32 s8, $0xFFFFF086  }
0x1c: {  	p1 =	slt.u32 s9, $0xF7A;
	s5 =	simm.s32 @!p2 $0x0  }
0x1d: {  	s5 =	simm.s32 @p1 $0x1;
	p0 =	seq.s32 s7, s2  }
0x1e: {  	s7 =	smul.u32 @!p0 $0xF7A, s2;
	p2 =	seq.s32 @!p0 s5, $0x0  }
0x1f: {  	s9 =	smul.u32 $0xF7A, s1;
	s8 =	simm.s32 @!p0 $0x1BF5;
	p2 =	por !p2, p0  }
0x20: {  	[sflag:s8] =	ssyncset.s32 @!p0 $0xFFFFF086;
	s6 =	sadd.s32 @!p0 s3, s7;
	s7 =	simm.s32 @!p0 $0x108  }
0x21: {  	s3 =	sadd.s32 s3, s9;
	s6 =	sadd.s32 @!p0 $0x88, s6;
	s7 =	simm.s32 @p2 $0x1082  }
0x22: {  	[simem:s7], [sflag:s8] =	dma.local @!p0 [hbm:s6], $0xF7A  }
0x23: {  	s9 =	sor.u32 $0xD0000000, s2;
	s6 =	simm.s32 $0x108;
	_ =	swait.ge @!p0 [sflag:s8], $0x0  }
0x24: {  	s3 =	sadd.s32 $0x88, s3;
	s6 =	simm.s32 @!p1 $0x1082;
	[sflag:s4] =	ssyncset.s32 $0xFFFFF086  }
0x25: {  	[simem:s6], [sflag:s4] =	dma.local [hbm:s3], $0xF7A  }
0x26: {  	[smem:$0x3F9B] =	sst s1;
	(tag) =	ssettag s2;
	_ =	strace s9  }
0x27: {  	s1 =	sld [smem:$0x3FAB]  }
0x28: {  	s2 =	sld [smem:$0x3FAC]  }
0x29: {  	s4 =	sld [smem:$0x3FAE]  }
0x2a: {  	p0 =	seq.s32 s5, $0x0;
	s5 =	sld [smem:$0x3FAF]  }
0x2b: {  	s6 =	sld [smem:$0x3FB0]  }
0x2c: {  	s7 =	sld [smem:$0x3FB1]  }
0x2d: {  	s3 =	simm.s32 $0x108;
	s8 =	sld [smem:$0x3FB2]  }
0x2e: {  	s3 =	simm.s32 @!p0 $0x1082;
	s9 =	sld [smem:$0x3FB3]  }
0x2f: {  	lr =	sadd.s32 s0, s3;
	s0 =	sld [smem:$0x3FAA]  }
0x30: {  	s3 =	sld [smem:$0x3FAD]  }
0x31: {  	[smem:$0x3FB6] =	sst s10  }
0x32: {  	s10 =	sld [smem:$0x3FB4];
	_ =	sdelay $0x3  }
0x33: {  	p0 =	seq.s32 s10, $0x1;
	s10 =	sld [smem:$0x3FB6];
	_ =	sdelay $0x3  }
0x34: {  	[smem:$0x3FB6] =	sst s10  }
0x35: {  	s10 =	sld [smem:$0x3FB5];
	_ =	sdelay $0x3  }
0x36: {  	p1 =	seq.s32 s10, $0x1;
	s10 =	sld [smem:$0x3FB6];
	_ =	sdelay $0x3  }
0x37: {  	[smem:$0x3FB6] =	sst s10  }
0x38: {  	s10 =	sld [smem:$0x3FB7]  }
0x39: {  	_ = 	snop;
	(pc) =	sbr.ind lr, $3  }
0x3a: {  	_ = 	snop  }
0x3b: {  	_ = 	snop  }
0x3c: {  	p2 =	seq.s32 s10, $0x1;
	s10 =	sld [smem:$0x3FB6]  }
0x3d: {  	_ =	shalt  }
0x3e: {  	_ =	shalt  }
0x3f: {  	_ =	shalt  }
0x40: {  	_ =	shalt  }
0x41: {  	_ =	shalt  }
0x42: {  	_ =	shalt  }
0x43: {  	_ =	shalt  }
0x44: {  	_ =	shalt  }
0x45: {  	_ =	shalt  }
0x46: {  	_ =	shalt  }
0x47: {  	_ =	shalt  }
0x48: {  	_ =	shalt  }
0x49: {  	_ =	shalt  }
0x4a: {  	_ =	shalt  }
0x4b: {  	_ =	shalt  }
0x4c: {  	_ =	shalt  }
0x4d: {  	_ =	shalt  }
0x4e: {  	_ =	shalt  }
0x4f: {  	_ =	shalt  }
0x50: {  	_ =	shalt  }
0x51: {  	_ =	shalt  }
0x52: {  	_ =	shalt  }
0x53: {  	_ =	shalt  }
0x54: {  	_ =	shalt  }
0x55: {  	_ =	shalt  }
0x56: {  	_ =	shalt  }
0x57: {  	_ =	shalt  }
0x58: {  	_ =	shalt  }
0x59: {  	_ =	shalt  }
0x5a: {  	_ =	shalt  }
0x5b: {  	_ =	shalt  }
0x5c: {  	_ =	shalt  }
0x5d: {  	_ =	shalt  }
0x5e: {  	_ =	shalt  }
0x5f: {  	_ =	shalt  }
0x60: {  	_ =	shalt  }
0x61: {  	_ =	shalt  }
0x62: {  	_ =	shalt  }
0x63: {  	_ =	shalt  }
0x64: {  	_ =	shalt  }
0x65: {  	_ =	shalt  }
0x66: {  	_ =	shalt  }
0x67: {  	_ =	shalt  }
0x68: {  	_ =	shalt  }
0x69: {  	_ =	shalt  }
0x6a: {  	_ =	shalt  }
0x6b: {  	_ =	shalt  }
0x6c: {  	_ =	shalt  }
0x6d: {  	_ =	shalt  }
0x6e: {  	_ =	shalt  }
0x6f: {  	_ =	shalt  }
0x70: {  	_ =	shalt  }
0x71: {  	_ =	shalt  }
0x72: {  	_ =	shalt  }
0x73: {  	_ =	shalt  }
0x74: {  	_ =	shalt  }
0x75: {  	_ =	shalt  }
0x76: {  	_ =	shalt  }
0x77: {  	_ =	shalt  }
0x78: {  	_ =	shalt  }
0x79: {  	_ =	shalt  }
0x7a: {  	_ =	shalt  }
0x7b: {  	_ =	shalt  }
0x7c: {  	_ =	shalt  }
0x7d: {  	_ =	shalt  }
0x7e: {  	_ =	shalt  }
0x7f: {  	_ =	shalt  }
0x80: {  	_ =	shalt  }
0x81: {  	_ =	shalt  }
0x82: {  	_ =	shalt  }
0x83: {  	_ =	shalt  }
0x84: {  	_ =	shalt  }
0x85: {  	_ =	shalt  }
0x86: {  	_ =	shalt  }
0x87: {  	_ =	shalt  }
.Lfunc_end0:
.L_simem_size_0:
called_computation_lowered:
.L_overlay_start_0:
0x88: {  	s2 =	sld [smem:$0x3FD9]  }
0x89: {  	s3 =	sld [smem:$0x3FFE];
	_ =	sdelay $0x1  }
0x8a: {  	s1 =	srdreg.scid  }
0x8b: {  	s0 =	sand.u32 $0x1, s1  }
0x8c: {  	s17 =	sshll.u32 s0, $0xA;
	s2 =	sadd.s32 s3, s2  }
0x8d: {  	s2 =	sadd.s32 s2, s17  }
0x8e: {  	[smem:$0x3FC2] =	sst s2  }
0x8f: {  	_ = 	snop  }
0x90: {  	s2 =	sld [smem:$0x3FD0];
	(tm) =	ssettm $0x1  }
0x91: {  	s18 =	sld [smem:$0x3FFB];
	_ =	sdelay $0x3  }
0x92: {  	_ =	strace s18  }
0x93: {  	s3 =	sld [smem:$0x3FFC];
	_ =	sdelay $0x3  }
0x94: {  	_ =	strace s3  }
0x95: {  	s3 =	sld [smem:$0x3FFD];
	_ =	sdelay $0x3  }
0x96: {  	_ =	strace s3  }
0x97: {  	_ =	strace $0x8FFFFFFF  }
0x98: {  	s19 =	sld [smem:$0x3FDB];
	_ =	sdelay $0x1  }
0x99: {  	s4 =	simm.s32 $_scs_section_size  }
0x9a: {  	s5 =	simm.s32 $_size__tile_overlayer_lowered;
	s6 =	simm.s32 $_tile_overlayer_lowered  }
0x9b: {  	s22 =	simm.s32 $0x1BFF;
	s21 =	sshll.u32 s6, $0x1;
	s3 =	sadd.s32 s4, s19  }
0x9c: {  	s7 =	simm.s32 $0x0;
	s20 =	sshll.u32 s5, $0x1;
	s5 =	sadd.s32 s21, s3  }
0x9d: {  	[timem:s7], [sflag:s22] =	dma.local [hbm:s5], s20  }
0x9e: {  	_ =	swait.ge [sflag:s22], s20  }
0x9f: {  	s4 =	ssub.s32 $0x0, s20;
	[sflag:s22] =	ssyncset.done $0x0  }
0xa0: {  	[sflag:s22] =	ssyncadd.s32 s4;
	_ =	sdelay $0x1  }
0xa1: {  	s23 =	simm.s32 $0x1B8B  }
0xa2: {  	_ =	swait.ge [sflag:s23], $0x1  }
0xa3: {  	[sflag:s23] =	ssyncset.done $0x0  }
0xa4: {  	s25 =	simm.s32 $0x1B8E;
	s24 =	sld [smem:$0x3FFE];
	[sflag:s23] =	ssyncadd.s32 $0xFFFFFFFF  }
0xa5: {  	s26 =	simm.s32 $execute0_lowered;
	[smem:$0x3FD2] =	sst s25  }
0xa6: {  	s5 =	sshll.u32 s26, $0x1;
	_ =	strace $0x80000046;
	[dreg:$0x1] =	wrdreg $0xFFFFFFFF  }
0xa7: {  	s28 =	simm.s32 $_size_execute0_lowered;
	s3 =	sadd.s32 s3, s5;
	[dreg:$0x0] =	wrdreg $0x0  }
0xa8: {  	s5 =	sshll.u32 s28, $0x1;
	[dreg:$0x2] =	wrdreg s3  }
0xa9: {  	[dreg:$0x3] =	wrdreg s5  }
0xaa: {  	[dreg:$0x4] =	wrdreg $0xC0  }
0xab: {  	_ =	task [dreg:s7], $0x5FFFF  }
0xac: {  	[dreg:$0x1] =	wrdreg $0xFFFFFFFF  }
0xad: {  	[dreg:$0x0] =	wrdreg $0x60  }
0xae: {  	[dreg:$0x2] =	wrdreg s24  }
0xaf: {  	[dreg:$0x3] =	wrdreg s2  }
0xb0: {  	[dreg:$0x4] =	wrdreg $0x9  }
0xb1: {  	_ =	task.clear_ibuf [dreg:s7], $0x5FFFF;
	_ =	strace $0x90000046  }
0xb2: {  	s29 =	simm.s32 $0x9;
	_ =	strace $0x80000048  }
0xb3: {  	_ =	swait.ge [sflag:s29], $0x1  }
0xb4: {  	[sflag:s29] =	ssyncadd.s32 $0xFFFFFFFF  }
0xb5: {  	_ =	strace $0x90000048  }
0xb6: {  	_ =	sfence  }
0xb7: {  	s30 =	sld [smem:$0x0];
	_ =	sdelay $0x2  }
0xb8: {  	s31 =	sshll.u32 s1, $0xD;
	s1 =	sshrl.u32 s1, $0x2  }
0xb9: {  	s3 =	sand.u32 $0x4000, s31;
	s1 =	sadd.s32 s1, s30  }
0xba: {  	s0 =	sor.u32 s3, s0;
	s1 =	sshll.u32 s1, $0x11  }
0xbb: {  	s0 =	sor.u32 s1, s0  }
0xbc: {  	s0 =	sadd.s32 $0x8F2B, s0  }
0xbd: {  	[sflag:s0] =	ssyncadd.remote.s32 $0x1  }
0xbe: {  	_ =	sfence.sel $0xFFFF  }
0xbf: {  	[dreg:$0x0] =	wrdreg $0xFFFFFFFF;
	(pc) =	sbr.abs _section_cstart, $3  }
0xc0: {  	[dreg:$0x1] =	wrdreg $0xFFFFFFFF  }
0xc1: {  	_ =	task.clear_ibuf [dreg:s7], $0x2FFFF;
	_ =	strace $0x9FFFFFFF  }
0xc2: {  	(tm) =	ssettm $0x7FFFFFFF  }
0xc3: {  	_ =	shalt  }
tec
execute0_lowered:
.L_overlay_start_1:
0x0: {  	(tag) =	ssettag $0x1  }
0x1: {  	s0 =	rddreg [dreg:$0x0]  }
0x2: {  	s2 =	rddreg [dreg:$0x1];
	s1 =	srdreg.scid;
	s3 =	simm.s32 $0x0  }
0x3: {  	s5 =	stileid.u32;
	s16 =	simm.s32 $0x2;
	s17 =	simm.s32 $0x400  }
0x4: {  	s18 =	simm.s32 $0x80;
	s19 =	simm.s32 $0x800;
	s20 =	simm.s32 $0x4800  }
0x5: {  	s21 =	simm.s32 $0x8800;
	s22 =	simm.s32 $0x1;
	s23 =	simm.s32 $0x700  }
0x6: {  	s24 =	simm.s32 $0x380;
	s25 =	simm.s32 $0x780;
	s26 =	simm.s32 $0xC800  }
0x7: {  	s28 =	simm.s32 $0x0;
	s1 =	sand.u32 $0x1, s1;
	[smem:$0x7FF] =	sst s3  }
0x8: {  	s5 =	sshll.u32 s5, $0x7;
	s8 =	sadd.s32 $0x1000, s2;
	s9 =	sadd.s32 $0x1800, s2  }
0x9: {  	s10 =	sadd.s32 $0x2000, s2;
	s11 =	sadd.s32 $0x2800, s2;
	s12 =	sadd.s32 $0x3000, s2  }
0xa: {  	s13 =	sadd.s32 $0x3800, s2;
	s4 =	sshll.u32 s1, $0xB;
	s1 =	ssub.s32 $0x2, s1  }
0xb: {  	_ =	strace $0x80000047;
	s4 =	sor.u32 s5, s4;
	s7 =	sshrl.u32 s1, $0x1  }
0xc: {  	s6 =	sadd.s32 s4, s0;
	s5 =	sshrl.u32 s4, $0x3;
	s4 =	sadd.s32 $0x801800, s0  }
0xd: {  	s1 =	ssub.s32 s1, s7;
	s7 =	sadd.s32 $0x800, s2;
	s0 =	sadd.s32 s5, s0  }
0xe: {  	s5 =	sadd.s32 $0x1800, s6;
	s6 =	sadd.s32 $0x2800, s6;
	s15 =	smax.u32 s1, $0x1  }
0xf: {  	s1 =	simm.s32 $0x300;
	s14 =	sadd.s32 $0x3800, s0;
	s0 =	simm.s32 $0x680  }
.LBB2_1:
0x10: {  	[tilespmem:s3], [sflag:$0x2] =	stream.linear.gather [hbm4b:s5+s3], $0x400, $0x38;
	[tilespmem:$0xC880] =	vst v63  }
0x11: {  	_ =	swait.ge [sflag:s16], $0x400  }
0x12: {  	[sflag:s16] =	ssyncset.done $0x0  }
0x13: {  	[sflag:s16] =	ssyncadd.s32 $0xFFFFFC00  }
0x14: {  	[tilespmem:s17], [sflag:$0x2] =	stream.linear.gather [hbm4b:s6+s3], $0x400, $0x38;
	[tilespmem:$0xC880] =	vst v63  }
0x15: {  	_ =	swait.ge [sflag:s16], $0x400  }
0x16: {  	[sflag:s16] =	ssyncset.done $0x0  }
0x17: {  	[sflag:s16] =	ssyncadd.s32 $0xFFFFFC00  }
0x18: {  	[tilespmem:s19], [sflag:$0x1] =	stream.indirect.gather [hbm4b:s4+s18], $0x80, s3, s18, $0xb8;
	[tilespmem:$0xC880] =	vst v63  }
0x19: {  	_ = 	snop  }
0x1a: {  	[tilespmem:s20], [sflag:$0x1] =	stream.indirect.gather [hbm4b:s4+s18], $0x80, s17, s18, $0xb8;
	[tilespmem:$0xC880] =	vst v63  }
0x1b: {  	_ = 	snop  }
0x1c: {  	[tilespmem:s21], [sflag:$0x1] =	stream.linear.gather [hbm4b:s2+s3], $0x4000, $0x38;
	[tilespmem:$0xC880] =	vst v63  }
0x1d: {  	_ =	swait.ge [sflag:s22], $0x4000  }
0x1e: {  	[sflag:s22] =	ssyncset.done $0x0  }
0x1f: {  	[sflag:s22] =	ssyncadd.s32 $0xFFFFC000  }
0x20: {  	_ =	swait.ge [sflag:s22], $0x4000  }
0x21: {  	[sflag:s22] =	ssyncset.done $0x0  }
0x22: {  	[sflag:s22] =	ssyncadd.s32 $0xFFFFC000  }
0x23: {  	_ =	swait.ge [sflag:s22], $0x4000  }
0x24: {  	[sflag:s22] =	ssyncset.done $0x0  }
0x25: {  	s30 =	simm.s32 $0x0;
	[sflag:s22] =	ssyncadd.s32 $0xFFFFC000  }
0x26: {  	v0 =	vld [tilespmem:s30+$0x800]  }
0x27: {  	v1 =	vld [tilespmem:s30+$0x4800]  }
0x28: {  	v2 =	vld [tilespmem:s30+$0x810]  }
0x29: {  	v3 =	vld [tilespmem:s30+$0x4810]  }
0x2a: {  	v5 =	vld [tilespmem:s30+$0x820]  }
0x2b: {  	v6 =	vld [tilespmem:s30+$0x4820]  }
0x2c: {  	v8 =	vld [tilespmem:s30+$0x830]  }
0x2d: {  	v9 =	vld [tilespmem:s30+$0x4830];
	v0 =	vmul.f32 $5.000000000e-01, v0;
	v1 =	vmul.f32 $5.000000000e-01, v1  }
0x2e: {  	v11 =	vld [tilespmem:s30+$0x8800]  }
0x2f: {  	v4 =	vld [tilespmem:s30+$0x8810];
	v3 =	vmul.f32 $5.000000000e-01, v3;
	v10 =	vadd.f32 v1, v0;
	v1 =	vmul.f32 $5.000000000e-01, v2  }
0x30: {  	s29 =	simm.s32 $0x80;
	v5 =	vmul.f32 $5.000000000e-01, v5;
	v6 =	vmul.f32 $5.000000000e-01, v6;
	v0 =	vld [tilespmem:s30+$0x8830]  }
0x31: {  	v8 =	vmul.f32 $5.000000000e-01, v8;
	v7 =	vadd.f32 v3, v1;
	v1 =	vld [tilespmem:s29+$0x800];
	v12 =	vadd.f32 v10, v10  }
0x32: {  	v9 =	vmul.f32 $5.000000000e-01, v9;
	v2 =	vimm.f32 $0.0e+00;
	v6 =	vadd.f32 v6, v5;
	v3 =	vld [tilespmem:s30+$0x8820]  }
0x33: {  	v5 =	vld [tilespmem:s29+$0x4800];
	s30 =	simm.s32 $0x400;
	v10 =	vmul.f32 v10, v10;
	v12 =	vmul.f32 v12, v11;
	v11 =	vadd.f32 v7, v7  }
.LBB2_2:
0x34: {  	p0 =	sne.s32 s30, $0xFE00;
	v13 =	vld [tilespmem:s29+$0x810];
	v7 =	vmul.f32 v7, v7;
	v8 =	vadd.f32 v9, v8  }
0x35: {  	v9 =	vld [tilespmem:s29+$0x4810];
	v10 =	vsub.f32 v10, v12;
	v4 =	vmul.f32 v11, v4;
	v11 =	vadd.f32 v6, v6  }
0x36: {  	v6 =	vmul.f32 v6, v6;
	v1 =	vmul.f32 $5.000000000e-01, v1;
	v12 =	vld [tilespmem:s29+$0x820];
	v14 =	vadd.f32 v8, v8  }
0x37: {  	v15 =	vld [tilespmem:s29+$0x4820];
	v2 =	vadd.f32 v10, v2;
	v4 =	vsub.f32 v7, v4;
	v3 =	vmul.f32 v11, v3  }
0x38: {  	v7 =	vmul.f32 v8, v8;
	v5 =	vmul.f32 $5.000000000e-01, v5;
	v10 =	vld [tilespmem:s29+$0x830]  }
0x39: {  	v11 =	vld [tilespmem:s29+$0x4830];
	v2 =	vadd.f32 v4, v2;
	v3 =	vsub.f32 v6, v3;
	v4 =	vmul.f32 v14, v0  }
0x3a: {  	v14 =	vld [tilespmem:s29+$0x8800];
	v16 =	vadd.f32 v5, v1;
	v1 =	vmul.f32 $5.000000000e-01, v13;
	v5 =	vmul.f32 $5.000000000e-01, v9  }
.Ltmp0:
0x3b: {  	v0 =	vld [tilespmem:s29+$0x8830];
	v2 =	vadd.f32 v3, v2;
	v3 =	vsub.f32 v7, v4;
	(pc) =	sbr.rel @p0 .LBB2_2-.Ltmp0, $4  }
0x3c: {  	s31 =	sshra.s32 s30, $0x2;
	v4 =	vld [tilespmem:s29+$0x8810];
	v7 =	vadd.f32 v5, v1;
	v5 =	vmul.f32 $5.000000000e-01, v12;
	v6 =	vmul.f32 $5.000000000e-01, v15  }
0x3d: {  	v12 =	vadd.f32 v16, v16;
	v1 =	vld [tilespmem:s31+$0x800];
	v2 =	vadd.f32 v3, v2  }
0x3e: {  	v8 =	vmul.f32 $5.000000000e-01, v10;
	v3 =	vld [tilespmem:s29+$0x8820];
	v6 =	vadd.f32 v6, v5;
	v9 =	vmul.f32 $5.000000000e-01, v11;
	s29 =	smov.u32 s31  }
0x3f: {  	s30 =	sadd.s32 $0x200, s30;
	v10 =	vmul.f32 v16, v16;
	v11 =	vadd.f32 v7, v7;
	v5 =	vld [tilespmem:s29+$0x4800];
	v12 =	vmul.f32 v12, v14  }
0x40: {  	v13 =	vld [tilespmem:s29+$0x810]  }
0x41: {  	v14 =	vld [tilespmem:s29+$0x4810]  }
0x42: {  	v15 =	vld [tilespmem:s29+$0x820]  }
0x43: {  	v16 =	vld [tilespmem:s29+$0x4820]  }
0x44: {  	v17 =	vld [tilespmem:s29+$0x830]  }
0x45: {  	v18 =	vld [tilespmem:s29+$0x4830]  }
0x46: {  	v19 =	vld [tilespmem:s29+$0x8800]  }
0x47: {  	v20 =	vld [tilespmem:s29+$0x8830]  }
0x48: {  	v21 =	vld [tilespmem:s29+$0x8810]  }
0x49: {  	v22 =	vld [tilespmem:s29+$0x8820];
	[tilespmem:s19], [sflag:$0x1] =	stream.indirect.gather [hbm4b:s4+s18], $0x80, s18, s18, $0xb8  }
0x4a: {  	s29 =	simm.s32 $0x480  }
0x4b: {  	[tilespmem:s20], [sflag:$0x1] =	stream.indirect.gather [hbm4b:s4+s18], $0x80, s29, s18, $0xb8;
	[tilespmem:$0xC880] =	vst v63  }
0x4c: {  	v7 =	vmul.f32 v7, v7;
	v10 =	vsub.f32 v10, v12;
	s29 =	simm.s32 $0x0  }
0x4d: {  	v8 =	vadd.f32 v9, v8;
	v4 =	vmul.f32 v11, v4;
	v11 =	vadd.f32 v6, v6;
	[tilespmem:s21], [sflag:$0x1] =	stream.linear.gather [hbm4b:s7+s29], $0x4000, $0x38;
	[tilespmem:$0xC880] =	vst v63  }
0x4e: {  	v6 =	vmul.f32 v6, v6;
	v2 =	vadd.f32 v10, v2;
	_ =	swait.ge [sflag:s22], $0x4000  }
0x4f: {  	v4 =	vsub.f32 v7, v4;
	v3 =	vmul.f32 v11, v3;
	v7 =	vadd.f32 v8, v8;
	[sflag:s22] =	ssyncset.done $0x0  }
0x50: {  	v1 =	vmul.f32 $5.000000000e-01, v1;
	v5 =	vmul.f32 $5.000000000e-01, v5;
	[sflag:s22] =	ssyncadd.s32 $0xFFFFC000  }
0x51: {  	v2 =	vadd.f32 v4, v2;
	v3 =	vsub.f32 v6, v3;
	v0 =	vmul.f32 v7, v0;
	_ =	swait.ge [sflag:s22], $0x4000  }
0x52: {  	v4 =	vmul.f32 v8, v8;
	v6 =	vmul.f32 $5.000000000e-01, v14;
	[sflag:s22] =	ssyncset.done $0x0  }
0x53: {  	v1 =	vadd.f32 v5, v1;
	v5 =	vmul.f32 $5.000000000e-01, v13;
	v2 =	vadd.f32 v3, v2;
	[sflag:s22] =	ssyncadd.s32 $0xFFFFC000  }
0x54: {  	v0 =	vsub.f32 v4, v0;
	v3 =	vmul.f32 $5.000000000e-01, v15;
	v4 =	vmul.f32 $5.000000000e-01, v16;
	_ =	swait.ge [sflag:s22], $0x4000  }
0x55: {  	v5 =	vadd.f32 v6, v5;
	v6 =	vadd.f32 v1, v1;
	[sflag:s22] =	ssyncset.done $0x0  }
0x56: {  	s30 =	simm.s32 $0x0;
	v7 =	vmul.f32 $5.000000000e-01, v18;
	v3 =	vadd.f32 v4, v3;
	v4 =	vmul.f32 $5.000000000e-01, v17;
	[sflag:s22] =	ssyncadd.s32 $0xFFFFC000  }
0x57: {  	v1 =	vmul.f32 v1, v1;
	v6 =	vmul.f32 v6, v19;
	v8 =	vadd.f32 v5, v5;
	v9 =	vld [tilespmem:s30+$0x800]  }
0x58: {  	v0 =	vadd.f32 v0, v2;
	v2 =	vmul.f32 v5, v5;
	v4 =	vadd.f32 v7, v4;
	v5 =	vld [tilespmem:s30+$0x4800]  }
0x59: {  	v7 =	vadd.f32 v3, v3;
	v1 =	vsub.f32 v1, v6;
	v6 =	vmul.f32 v8, v21;
	v8 =	vld [tilespmem:s30+$0x810]  }
0x5a: {  	v3 =	vmul.f32 v3, v3;
	v10 =	vadd.f32 v4, v4;
	v11 =	vld [tilespmem:s30+$0x4810]  }
0x5b: {  	v0 =	vadd.f32 v1, v0;
	v1 =	vsub.f32 v2, v6;
	v2 =	vmul.f32 v7, v22;
	v6 =	vld [tilespmem:s30+$0x820]  }
0x5c: {  	v4 =	vmul.f32 v4, v4;
	v7 =	vld [tilespmem:s30+$0x4820]  }
0x5d: {  	v0 =	vadd.f32 v1, v0;
	v1 =	vsub.f32 v3, v2;
	v2 =	vmul.f32 v10, v20;
	v10 =	vld [tilespmem:s30+$0x830]  }
0x5e: {  	v3 =	vmul.f32 $5.000000000e-01, v9;
	v5 =	vmul.f32 $5.000000000e-01, v5;
	v9 =	vld [tilespmem:s30+$0x4830]  }
0x5f: {  	v12 =	vld [tilespmem:s30+$0x8800];
	v1 =	vadd.f32 v1, v0;
	v2 =	vsub.f32 v4, v2  }
0x60: {  	v0 =	vld [tilespmem:s30+$0x8830];
	v13 =	vadd.f32 v5, v3;
	v3 =	vmul.f32 $5.000000000e-01, v8;
	v5 =	vmul.f32 $5.000000000e-01, v11  }
0x61: {  	s29 =	simm.s32 $0x80;
	v4 =	vld [tilespmem:s30+$0x8810];
	v6 =	vmul.f32 $5.000000000e-01, v6;
	v1 =	vadd.f32 v2, v1;
	v8 =	vmul.f32 $5.000000000e-01, v7  }
0x62: {  	v2 =	vld [tilespmem:s29+$0x800];
	v7 =	vadd.f32 v5, v3;
	v11 =	vadd.f32 v13, v13  }
0x63: {  	v3 =	vld [tilespmem:s30+$0x8820];
	v6 =	vadd.f32 v8, v6;
	v8 =	vmul.f32 $5.000000000e-01, v10;
	v9 =	vmul.f32 $5.000000000e-01, v9  }
0x64: {  	v5 =	vld [tilespmem:s29+$0x4800];
	s30 =	simm.s32 $0x400;
	v10 =	vmul.f32 v13, v13;
	v12 =	vmul.f32 v11, v12;
	v11 =	vadd.f32 v7, v7  }
.LBB2_4:
0x65: {  	p0 =	sne.s32 s30, $0xFE00;
	v13 =	vld [tilespmem:s29+$0x810];
	v7 =	vmul.f32 v7, v7;
	v8 =	vadd.f32 v9, v8  }
0x66: {  	v9 =	vld [tilespmem:s29+$0x4810];
	v10 =	vsub.f32 v10, v12;
	v4 =	vmul.f32 v11, v4;
	v11 =	vadd.f32 v6, v6  }
0x67: {  	v6 =	vmul.f32 v6, v6;
	v2 =	vmul.f32 $5.000000000e-01, v2;
	v12 =	vld [tilespmem:s29+$0x820];
	v14 =	vadd.f32 v8, v8  }
0x68: {  	v15 =	vld [tilespmem:s29+$0x4820];
	v1 =	vadd.f32 v10, v1;
	v4 =	vsub.f32 v7, v4;
	v3 =	vmul.f32 v11, v3  }
0x69: {  	v7 =	vmul.f32 v8, v8;
	v5 =	vmul.f32 $5.000000000e-01, v5;
	v10 =	vld [tilespmem:s29+$0x830]  }
0x6a: {  	v11 =	vld [tilespmem:s29+$0x4830];
	v1 =	vadd.f32 v4, v1;
	v3 =	vsub.f32 v6, v3;
	v4 =	vmul.f32 v14, v0  }
0x6b: {  	v14 =	vld [tilespmem:s29+$0x8800];
	v16 =	vadd.f32 v5, v2;
	v2 =	vmul.f32 $5.000000000e-01, v13;
	v5 =	vmul.f32 $5.000000000e-01, v9  }
.Ltmp1:
0x6c: {  	v0 =	vld [tilespmem:s29+$0x8830];
	v1 =	vadd.f32 v3, v1;
	v3 =	vsub.f32 v7, v4;
	(pc) =	sbr.rel @p0 .LBB2_4-.Ltmp1, $4  }
0x6d: {  	s31 =	sshra.s32 s30, $0x2;
	v4 =	vld [tilespmem:s29+$0x8810];
	v7 =	vadd.f32 v5, v2;
	v5 =	vmul.f32 $5.000000000e-01, v12;
	v6 =	vmul.f32 $5.000000000e-01, v15  }
0x6e: {  	v12 =	vadd.f32 v16, v16;
	v2 =	vld [tilespmem:s31+$0x800];
	v1 =	vadd.f32 v3, v1  }
0x6f: {  	v8 =	vmul.f32 $5.000000000e-01, v10;
	v3 =	vld [tilespmem:s29+$0x8820];
	v6 =	vadd.f32 v6, v5;
	v9 =	vmul.f32 $5.000000000e-01, v11;
	s29 =	smov.u32 s31  }
0x70: {  	s30 =	sadd.s32 $0x200, s30;
	v10 =	vmul.f32 v16, v16;
	v11 =	vadd.f32 v7, v7;
	v5 =	vld [tilespmem:s29+$0x4800];
	v12 =	vmul.f32 v12, v14  }
0x71: {  	v13 =	vld [tilespmem:s29+$0x810]  }
0x72: {  	v14 =	vld [tilespmem:s29+$0x4810]  }
0x73: {  	v15 =	vld [tilespmem:s29+$0x820]  }
0x74: {  	v16 =	vld [tilespmem:s29+$0x4820]  }
0x75: {  	v17 =	vld [tilespmem:s29+$0x830]  }
0x76: {  	v18 =	vld [tilespmem:s29+$0x4830]  }
0x77: {  	v19 =	vld [tilespmem:s29+$0x8800]  }
0x78: {  	v20 =	vld [tilespmem:s29+$0x8830]  }
0x79: {  	v21 =	vld [tilespmem:s29+$0x8810]  }
0x7a: {  	v22 =	vld [tilespmem:s29+$0x8820];
	s29 =	simm.s32 $0x100  }
0x7b: {  	[tilespmem:s19], [sflag:$0x1] =	stream.indirect.gather [hbm4b:s4+s18], $0x80, s29, s18, $0xb8;
	[tilespmem:$0xC880] =	vst v63  }
0x7c: {  	s29 =	simm.s32 $0x500  }
0x7d: {  	[tilespmem:s20], [sflag:$0x1] =	stream.indirect.gather [hbm4b:s4+s18], $0x80, s29, s18, $0xb8;
	[tilespmem:$0xC880] =	vst v63  }
0x7e: {  	v7 =	vmul.f32 v7, v7;
	v10 =	vsub.f32 v10, v12;
	s29 =	simm.s32 $0x0  }
0x7f: {  	v8 =	vadd.f32 v9, v8;
	v4 =	vmul.f32 v11, v4;
	v11 =	vadd.f32 v6, v6;
	[tilespmem:s21], [sflag:$0x1] =	stream.linear.gather [hbm4b:s8+s29], $0x4000, $0x38;
	[tilespmem:$0xC880] =	vst v63  }
0x80: {  	v6 =	vmul.f32 v6, v6;
	v1 =	vadd.f32 v10, v1;
	_ =	swait.ge [sflag:s22], $0x4000  }
0x81: {  	v4 =	vsub.f32 v7, v4;
	v3 =	vmul.f32 v11, v3;
	v7 =	vadd.f32 v8, v8;
	[sflag:s22] =	ssyncset.done $0x0  }
0x82: {  	v2 =	vmul.f32 $5.000000000e-01, v2;
	v5 =	vmul.f32 $5.000000000e-01, v5;
	[sflag:s22] =	ssyncadd.s32 $0xFFFFC000  }
0x83: {  	v1 =	vadd.f32 v4, v1;
	v3 =	vsub.f32 v6, v3;
	v0 =	vmul.f32 v7, v0;
	_ =	swait.ge [sflag:s22], $0x4000  }
0x84: {  	v4 =	vmul.f32 v8, v8;
	v6 =	vmul.f32 $5.000000000e-01, v14;
	[sflag:s22] =	ssyncset.done $0x0  }
0x85: {  	v2 =	vadd.f32 v5, v2;
	v5 =	vmul.f32 $5.000000000e-01, v13;
	v1 =	vadd.f32 v3, v1;
	[sflag:s22] =	ssyncadd.s32 $0xFFFFC000  }
0x86: {  	v0 =	vsub.f32 v4, v0;
	v3 =	vmul.f32 $5.000000000e-01, v15;
	v4 =	vmul.f32 $5.000000000e-01, v16;
	_ =	swait.ge [sflag:s22], $0x4000  }
0x87: {  	v5 =	vadd.f32 v6, v5;
	v6 =	vadd.f32 v2, v2;
	[sflag:s22] =	ssyncset.done $0x0  }
0x88: {  	s30 =	simm.s32 $0x0;
	v7 =	vmul.f32 $5.000000000e-01, v18;
	v3 =	vadd.f32 v4, v3;
	v4 =	vmul.f32 $5.000000000e-01, v17;
	[sflag:s22] =	ssyncadd.s32 $0xFFFFC000  }
0x89: {  	v2 =	vmul.f32 v2, v2;
	v6 =	vmul.f32 v6, v19;
	v8 =	vadd.f32 v5, v5;
	v9 =	vld [tilespmem:s30+$0x800]  }
0x8a: {  	v0 =	vadd.f32 v0, v1;
	v1 =	vmul.f32 v5, v5;
	v4 =	vadd.f32 v7, v4;
	v5 =	vld [tilespmem:s30+$0x4800]  }
0x8b: {  	v7 =	vadd.f32 v3, v3;
	v2 =	vsub.f32 v2, v6;
	v6 =	vmul.f32 v8, v21;
	v8 =	vld [tilespmem:s30+$0x810]  }
0x8c: {  	v3 =	vmul.f32 v3, v3;
	v10 =	vadd.f32 v4, v4;
	v11 =	vld [tilespmem:s30+$0x4810]  }
0x8d: {  	v0 =	vadd.f32 v2, v0;
	v1 =	vsub.f32 v1, v6;
	v2 =	vmul.f32 v7, v22;
	v6 =	vld [tilespmem:s30+$0x820]  }
0x8e: {  	v4 =	vmul.f32 v4, v4;
	v7 =	vld [tilespmem:s30+$0x4820]  }
0x8f: {  	v0 =	vadd.f32 v1, v0;
	v1 =	vsub.f32 v3, v2;
	v2 =	vmul.f32 v10, v20;
	v10 =	vld [tilespmem:s30+$0x830]  }
0x90: {  	v3 =	vmul.f32 $5.000000000e-01, v9;
	v5 =	vmul.f32 $5.000000000e-01, v5;
	v9 =	vld [tilespmem:s30+$0x4830]  }
0x91: {  	v12 =	vld [tilespmem:s30+$0x8800];
	v1 =	vadd.f32 v1, v0;
	v2 =	vsub.f32 v4, v2  }
0x92: {  	v0 =	vld [tilespmem:s30+$0x8830];
	v13 =	vadd.f32 v5, v3;
	v3 =	vmul.f32 $5.000000000e-01, v8;
	v5 =	vmul.f32 $5.000000000e-01, v11  }
0x93: {  	s29 =	simm.s32 $0x80;
	v4 =	vld [tilespmem:s30+$0x8810];
	v1 =	vadd.f32 v2, v1;
	v6 =	vmul.f32 $5.000000000e-01, v6;
	v8 =	vmul.f32 $5.000000000e-01, v7  }
0x94: {  	v2 =	vld [tilespmem:s29+$0x800];
	v7 =	vadd.f32 v5, v3;
	v11 =	vadd.f32 v13, v13  }
0x95: {  	v3 =	vld [tilespmem:s30+$0x8820];
	v6 =	vadd.f32 v8, v6;
	v8 =	vmul.f32 $5.000000000e-01, v10;
	v9 =	vmul.f32 $5.000000000e-01, v9  }
0x96: {  	v5 =	vld [tilespmem:s29+$0x4800];
	s30 =	simm.s32 $0x400;
	v10 =	vmul.f32 v13, v13;
	v12 =	vmul.f32 v11, v12;
	v11 =	vadd.f32 v7, v7  }
.LBB2_6:
0x97: {  	p0 =	sne.s32 s30, $0xFE00;
	v13 =	vld [tilespmem:s29+$0x810];
	v7 =	vmul.f32 v7, v7;
	v8 =	vadd.f32 v9, v8  }
0x98: {  	v9 =	vld [tilespmem:s29+$0x4810];
	v10 =	vsub.f32 v10, v12;
	v4 =	vmul.f32 v11, v4;
	v11 =	vadd.f32 v6, v6  }
0x99: {  	v6 =	vmul.f32 v6, v6;
	v2 =	vmul.f32 $5.000000000e-01, v2;
	v12 =	vld [tilespmem:s29+$0x820];
	v14 =	vadd.f32 v8, v8  }
0x9a: {  	v15 =	vld [tilespmem:s29+$0x4820];
	v1 =	vadd.f32 v10, v1;
	v4 =	vsub.f32 v7, v4;
	v3 =	vmul.f32 v11, v3  }
0x9b: {  	v7 =	vmul.f32 v8, v8;
	v5 =	vmul.f32 $5.000000000e-01, v5;
	v10 =	vld [tilespmem:s29+$0x830]  }
0x9c: {  	v11 =	vld [tilespmem:s29+$0x4830];
	v1 =	vadd.f32 v4, v1;
	v3 =	vsub.f32 v6, v3;
	v4 =	vmul.f32 v14, v0  }
0x9d: {  	v14 =	vld [tilespmem:s29+$0x8800];
	v16 =	vadd.f32 v5, v2;
	v2 =	vmul.f32 $5.000000000e-01, v13;
	v5 =	vmul.f32 $5.000000000e-01, v9  }
.Ltmp2:
0x9e: {  	v0 =	vld [tilespmem:s29+$0x8830];
	v1 =	vadd.f32 v3, v1;
	v3 =	vsub.f32 v7, v4;
	(pc) =	sbr.rel @p0 .LBB2_6-.Ltmp2, $4  }
0x9f: {  	s31 =	sshra.s32 s30, $0x2;
	v4 =	vld [tilespmem:s29+$0x8810];
	v7 =	vadd.f32 v5, v2;
	v5 =	vmul.f32 $5.000000000e-01, v12;
	v6 =	vmul.f32 $5.000000000e-01, v15  }
0xa0: {  	v12 =	vadd.f32 v16, v16;
	v2 =	vld [tilespmem:s31+$0x800];
	v1 =	vadd.f32 v3, v1  }
0xa1: {  	v8 =	vmul.f32 $5.000000000e-01, v10;
	v3 =	vld [tilespmem:s29+$0x8820];
	v6 =	vadd.f32 v6, v5;
	v9 =	vmul.f32 $5.000000000e-01, v11;
	s29 =	smov.u32 s31  }
0xa2: {  	s30 =	sadd.s32 $0x200, s30;
	v10 =	vmul.f32 v16, v16;
	v11 =	vadd.f32 v7, v7;
	v5 =	vld [tilespmem:s29+$0x4800];
	v12 =	vmul.f32 v12, v14  }
0xa3: {  	v13 =	vld [tilespmem:s29+$0x810]  }
0xa4: {  	v14 =	vld [tilespmem:s29+$0x4810]  }
0xa5: {  	v15 =	vld [tilespmem:s29+$0x820]  }
0xa6: {  	v16 =	vld [tilespmem:s29+$0x4820]  }
0xa7: {  	v17 =	vld [tilespmem:s29+$0x830]  }
0xa8: {  	v18 =	vld [tilespmem:s29+$0x4830]  }
0xa9: {  	v19 =	vld [tilespmem:s29+$0x8800]  }
0xaa: {  	v20 =	vld [tilespmem:s29+$0x8830]  }
0xab: {  	v21 =	vld [tilespmem:s29+$0x8810]  }
0xac: {  	v22 =	vld [tilespmem:s29+$0x8820];
	s29 =	simm.s32 $0x180  }
0xad: {  	[tilespmem:s19], [sflag:$0x1] =	stream.indirect.gather [hbm4b:s4+s18], $0x80, s29, s18, $0xb8;
	[tilespmem:$0xC880] =	vst v63  }
0xae: {  	s29 =	simm.s32 $0x580  }
0xaf: {  	[tilespmem:s20], [sflag:$0x1] =	stream.indirect.gather [hbm4b:s4+s18], $0x80, s29, s18, $0xb8;
	[tilespmem:$0xC880] =	vst v63  }
0xb0: {  	v7 =	vmul.f32 v7, v7;
	v10 =	vsub.f32 v10, v12;
	s29 =	simm.s32 $0x0  }
0xb1: {  	v8 =	vadd.f32 v9, v8;
	v4 =	vmul.f32 v11, v4;
	v11 =	vadd.f32 v6, v6;
	[tilespmem:s21], [sflag:$0x1] =	stream.linear.gather [hbm4b:s9+s29], $0x4000, $0x38;
	[tilespmem:$0xC880] =	vst v63  }
0xb2: {  	v6 =	vmul.f32 v6, v6;
	v1 =	vadd.f32 v10, v1;
	_ =	swait.ge [sflag:s22], $0x4000  }
0xb3: {  	v4 =	vsub.f32 v7, v4;
	v3 =	vmul.f32 v11, v3;
	v7 =	vadd.f32 v8, v8;
	[sflag:s22] =	ssyncset.done $0x0  }
0xb4: {  	v2 =	vmul.f32 $5.000000000e-01, v2;
	v5 =	vmul.f32 $5.000000000e-01, v5;
	[sflag:s22] =	ssyncadd.s32 $0xFFFFC000  }
0xb5: {  	v1 =	vadd.f32 v4, v1;
	v3 =	vsub.f32 v6, v3;
	v0 =	vmul.f32 v7, v0;
	_ =	swait.ge [sflag:s22], $0x4000  }
0xb6: {  	v4 =	vmul.f32 v8, v8;
	v6 =	vmul.f32 $5.000000000e-01, v14;
	[sflag:s22] =	ssyncset.done $0x0  }
0xb7: {  	v2 =	vadd.f32 v5, v2;
	v5 =	vmul.f32 $5.000000000e-01, v13;
	v1 =	vadd.f32 v3, v1;
	[sflag:s22] =	ssyncadd.s32 $0xFFFFC000  }
0xb8: {  	v0 =	vsub.f32 v4, v0;
	v3 =	vmul.f32 $5.000000000e-01, v15;
	v4 =	vmul.f32 $5.000000000e-01, v16;
	_ =	swait.ge [sflag:s22], $0x4000  }
0xb9: {  	v5 =	vadd.f32 v6, v5;
	v6 =	vadd.f32 v2, v2;
	[sflag:s22] =	ssyncset.done $0x0  }
0xba: {  	s30 =	simm.s32 $0x0;
	v7 =	vmul.f32 $5.000000000e-01, v18;
	v3 =	vadd.f32 v4, v3;
	v4 =	vmul.f32 $5.000000000e-01, v17;
	[sflag:s22] =	ssyncadd.s32 $0xFFFFC000  }
0xbb: {  	v2 =	vmul.f32 v2, v2;
	v6 =	vmul.f32 v6, v19;
	v8 =	vadd.f32 v5, v5;
	v9 =	vld [tilespmem:s30+$0x800]  }
0xbc: {  	v0 =	vadd.f32 v0, v1;
	v1 =	vmul.f32 v5, v5;
	v4 =	vadd.f32 v7, v4;
	v5 =	vld [tilespmem:s30+$0x4800]  }
0xbd: {  	v7 =	vadd.f32 v3, v3;
	v2 =	vsub.f32 v2, v6;
	v6 =	vmul.f32 v8, v21;
	v8 =	vld [tilespmem:s30+$0x810]  }
0xbe: {  	v3 =	vmul.f32 v3, v3;
	v10 =	vadd.f32 v4, v4;
	v11 =	vld [tilespmem:s30+$0x4810]  }
0xbf: {  	v0 =	vadd.f32 v2, v0;
	v1 =	vsub.f32 v1, v6;
	v2 =	vmul.f32 v7, v22;
	v6 =	vld [tilespmem:s30+$0x820]  }
0xc0: {  	v4 =	vmul.f32 v4, v4;
	v7 =	vld [tilespmem:s30+$0x4820]  }
0xc1: {  	v0 =	vadd.f32 v1, v0;
	v1 =	vsub.f32 v3, v2;
	v2 =	vmul.f32 v10, v20;
	v10 =	vld [tilespmem:s30+$0x830]  }
0xc2: {  	v3 =	vmul.f32 $5.000000000e-01, v9;
	v5 =	vmul.f32 $5.000000000e-01, v5;
	v9 =	vld [tilespmem:s30+$0x4830]  }
0xc3: {  	v12 =	vld [tilespmem:s30+$0x8800];
	v1 =	vadd.f32 v1, v0;
	v2 =	vsub.f32 v4, v2  }
0xc4: {  	v0 =	vld [tilespmem:s30+$0x8830];
	v13 =	vadd.f32 v5, v3;
	v3 =	vmul.f32 $5.000000000e-01, v8;
	v5 =	vmul.f32 $5.000000000e-01, v11  }
0xc5: {  	s29 =	simm.s32 $0x80;
	v4 =	vld [tilespmem:s30+$0x8810];
	v1 =	vadd.f32 v2, v1;
	v6 =	vmul.f32 $5.000000000e-01, v6;
	v8 =	vmul.f32 $5.000000000e-01, v7  }
0xc6: {  	v2 =	vld [tilespmem:s29+$0x800];
	v7 =	vadd.f32 v5, v3;
	v11 =	vadd.f32 v13, v13  }
0xc7: {  	v3 =	vld [tilespmem:s30+$0x8820];
	v6 =	vadd.f32 v8, v6;
	v8 =	vmul.f32 $5.000000000e-01, v10;
	v9 =	vmul.f32 $5.000000000e-01, v9  }
0xc8: {  	v5 =	vld [tilespmem:s29+$0x4800];
	s30 =	simm.s32 $0x400;
	v10 =	vmul.f32 v13, v13;
	v12 =	vmul.f32 v11, v12;
	v11 =	vadd.f32 v7, v7  }
.LBB2_8:
0xc9: {  	p0 =	sne.s32 s30, $0xFE00;
	v13 =	vld [tilespmem:s29+$0x810];
	v7 =	vmul.f32 v7, v7;
	v8 =	vadd.f32 v9, v8  }
0xca: {  	v9 =	vld [tilespmem:s29+$0x4810];
	v10 =	vsub.f32 v10, v12;
	v4 =	vmul.f32 v11, v4;
	v11 =	vadd.f32 v6, v6  }
0xcb: {  	v6 =	vmul.f32 v6, v6;
	v2 =	vmul.f32 $5.000000000e-01, v2;
	v12 =	vld [tilespmem:s29+$0x820];
	v14 =	vadd.f32 v8, v8  }
0xcc: {  	v15 =	vld [tilespmem:s29+$0x4820];
	v1 =	vadd.f32 v10, v1;
	v4 =	vsub.f32 v7, v4;
	v3 =	vmul.f32 v11, v3  }
0xcd: {  	v7 =	vmul.f32 v8, v8;
	v5 =	vmul.f32 $5.000000000e-01, v5;
	v10 =	vld [tilespmem:s29+$0x830]  }
0xce: {  	v11 =	vld [tilespmem:s29+$0x4830];
	v1 =	vadd.f32 v4, v1;
	v3 =	vsub.f32 v6, v3;
	v4 =	vmul.f32 v14, v0  }
0xcf: {  	v14 =	vld [tilespmem:s29+$0x8800];
	v16 =	vadd.f32 v5, v2;
	v2 =	vmul.f32 $5.000000000e-01, v13;
	v5 =	vmul.f32 $5.000000000e-01, v9  }
.Ltmp3:
0xd0: {  	v0 =	vld [tilespmem:s29+$0x8830];
	v1 =	vadd.f32 v3, v1;
	v3 =	vsub.f32 v7, v4;
	(pc) =	sbr.rel @p0 .LBB2_8-.Ltmp3, $4  }
0xd1: {  	s31 =	sshra.s32 s30, $0x2;
	v4 =	vld [tilespmem:s29+$0x8810];
	v7 =	vadd.f32 v5, v2;
	v5 =	vmul.f32 $5.000000000e-01, v12;
	v6 =	vmul.f32 $5.000000000e-01, v15  }
0xd2: {  	v12 =	vadd.f32 v16, v16;
	v2 =	vld [tilespmem:s31+$0x800];
	v1 =	vadd.f32 v3, v1  }
0xd3: {  	v8 =	vmul.f32 $5.000000000e-01, v10;
	v3 =	vld [tilespmem:s29+$0x8820];
	v6 =	vadd.f32 v6, v5;
	v9 =	vmul.f32 $5.000000000e-01, v11;
	s29 =	smov.u32 s31  }
0xd4: {  	s30 =	sadd.s32 $0x200, s30;
	v10 =	vmul.f32 v16, v16;
	v11 =	vadd.f32 v7, v7;
	v5 =	vld [tilespmem:s29+$0x4800];
	v12 =	vmul.f32 v12, v14  }
0xd5: {  	v13 =	vld [tilespmem:s29+$0x810]  }
0xd6: {  	v14 =	vld [tilespmem:s29+$0x4810]  }
0xd7: {  	v15 =	vld [tilespmem:s29+$0x820]  }
0xd8: {  	v16 =	vld [tilespmem:s29+$0x4820]  }
0xd9: {  	v17 =	vld [tilespmem:s29+$0x830]  }
0xda: {  	v18 =	vld [tilespmem:s29+$0x4830]  }
0xdb: {  	v19 =	vld [tilespmem:s29+$0x8800]  }
0xdc: {  	v20 =	vld [tilespmem:s29+$0x8830]  }
0xdd: {  	v21 =	vld [tilespmem:s29+$0x8810]  }
0xde: {  	v22 =	vld [tilespmem:s29+$0x8820];
	s29 =	simm.s32 $0x200  }
0xdf: {  	[tilespmem:s19], [sflag:$0x1] =	stream.indirect.gather [hbm4b:s4+s18], $0x80, s29, s18, $0xb8;
	[tilespmem:$0xC880] =	vst v63  }
0xe0: {  	s29 =	simm.s32 $0x600  }
0xe1: {  	[tilespmem:s20], [sflag:$0x1] =	stream.indirect.gather [hbm4b:s4+s18], $0x80, s29, s18, $0xb8;
	[tilespmem:$0xC880] =	vst v63  }
0xe2: {  	v7 =	vmul.f32 v7, v7;
	v10 =	vsub.f32 v10, v12;
	s29 =	simm.s32 $0x0  }
0xe3: {  	v8 =	vadd.f32 v9, v8;
	v4 =	vmul.f32 v11, v4;
	v11 =	vadd.f32 v6, v6;
	[tilespmem:s21], [sflag:$0x1] =	stream.linear.gather [hbm4b:s10+s29], $0x4000, $0x38;
	[tilespmem:$0xC880] =	vst v63  }
0xe4: {  	v6 =	vmul.f32 v6, v6;
	v1 =	vadd.f32 v10, v1;
	_ =	swait.ge [sflag:s22], $0x4000  }
0xe5: {  	v4 =	vsub.f32 v7, v4;
	v3 =	vmul.f32 v11, v3;
	v7 =	vadd.f32 v8, v8;
	[sflag:s22] =	ssyncset.done $0x0  }
0xe6: {  	v2 =	vmul.f32 $5.000000000e-01, v2;
	v5 =	vmul.f32 $5.000000000e-01, v5;
	[sflag:s22] =	ssyncadd.s32 $0xFFFFC000  }
0xe7: {  	v1 =	vadd.f32 v4, v1;
	v3 =	vsub.f32 v6, v3;
	v0 =	vmul.f32 v7, v0;
	_ =	swait.ge [sflag:s22], $0x4000  }
0xe8: {  	v4 =	vmul.f32 v8, v8;
	v6 =	vmul.f32 $5.000000000e-01, v14;
	[sflag:s22] =	ssyncset.done $0x0  }
0xe9: {  	v2 =	vadd.f32 v5, v2;
	v5 =	vmul.f32 $5.000000000e-01, v13;
	v1 =	vadd.f32 v3, v1;
	[sflag:s22] =	ssyncadd.s32 $0xFFFFC000  }
0xea: {  	v0 =	vsub.f32 v4, v0;
	v3 =	vmul.f32 $5.000000000e-01, v15;
	v4 =	vmul.f32 $5.000000000e-01, v16;
	_ =	swait.ge [sflag:s22], $0x4000  }
0xeb: {  	v5 =	vadd.f32 v6, v5;
	v6 =	vadd.f32 v2, v2;
	[sflag:s22] =	ssyncset.done $0x0  }
0xec: {  	s30 =	simm.s32 $0x0;
	v7 =	vmul.f32 $5.000000000e-01, v18;
	v3 =	vadd.f32 v4, v3;
	v4 =	vmul.f32 $5.000000000e-01, v17;
	[sflag:s22] =	ssyncadd.s32 $0xFFFFC000  }
0xed: {  	v2 =	vmul.f32 v2, v2;
	v6 =	vmul.f32 v6, v19;
	v8 =	vadd.f32 v5, v5;
	v9 =	vld [tilespmem:s30+$0x800]  }
0xee: {  	v0 =	vadd.f32 v0, v1;
	v1 =	vmul.f32 v5, v5;
	v4 =	vadd.f32 v7, v4;
	v5 =	vld [tilespmem:s30+$0x4800]  }
0xef: {  	v7 =	vadd.f32 v3, v3;
	v2 =	vsub.f32 v2, v6;
	v6 =	vmul.f32 v8, v21;
	v8 =	vld [tilespmem:s30+$0x810]  }
0xf0: {  	v3 =	vmul.f32 v3, v3;
	v10 =	vadd.f32 v4, v4;
	v11 =	vld [tilespmem:s30+$0x4810]  }
0xf1: {  	v0 =	vadd.f32 v2, v0;
	v1 =	vsub.f32 v1, v6;
	v2 =	vmul.f32 v7, v22;
	v6 =	vld [tilespmem:s30+$0x820]  }
0xf2: {  	v4 =	vmul.f32 v4, v4;
	v7 =	vld [tilespmem:s30+$0x4820]  }
0xf3: {  	v0 =	vadd.f32 v1, v0;
	v1 =	vsub.f32 v3, v2;
	v2 =	vmul.f32 v10, v20;
	v10 =	vld [tilespmem:s30+$0x830]  }
0xf4: {  	v3 =	vmul.f32 $5.000000000e-01, v9;
	v5 =	vmul.f32 $5.000000000e-01, v5;
	v9 =	vld [tilespmem:s30+$0x4830]  }
0xf5: {  	v12 =	vld [tilespmem:s30+$0x8800];
	v1 =	vadd.f32 v1, v0;
	v2 =	vsub.f32 v4, v2  }
0xf6: {  	v0 =	vld [tilespmem:s30+$0x8830];
	v13 =	vadd.f32 v5, v3;
	v3 =	vmul.f32 $5.000000000e-01, v8;
	v5 =	vmul.f32 $5.000000000e-01, v11  }
0xf7: {  	s29 =	simm.s32 $0x80;
	v4 =	vld [tilespmem:s30+$0x8810];
	v1 =	vadd.f32 v2, v1;
	v6 =	vmul.f32 $5.000000000e-01, v6;
	v8 =	vmul.f32 $5.000000000e-01, v7  }
0xf8: {  	v2 =	vld [tilespmem:s29+$0x800];
	v7 =	vadd.f32 v5, v3;
	v11 =	vadd.f32 v13, v13  }
0xf9: {  	v3 =	vld [tilespmem:s30+$0x8820];
	v6 =	vadd.f32 v8, v6;
	v8 =	vmul.f32 $5.000000000e-01, v10;
	v9 =	vmul.f32 $5.000000000e-01, v9  }
0xfa: {  	v5 =	vld [tilespmem:s29+$0x4800];
	s30 =	simm.s32 $0x400;
	v10 =	vmul.f32 v13, v13;
	v12 =	vmul.f32 v11, v12;
	v11 =	vadd.f32 v7, v7  }
.LBB2_10:
0xfb: {  	p0 =	sne.s32 s30, $0xFE00;
	v13 =	vld [tilespmem:s29+$0x810];
	v7 =	vmul.f32 v7, v7;
	v8 =	vadd.f32 v9, v8  }
0xfc: {  	v9 =	vld [tilespmem:s29+$0x4810];
	v10 =	vsub.f32 v10, v12;
	v4 =	vmul.f32 v11, v4;
	v11 =	vadd.f32 v6, v6  }
0xfd: {  	v6 =	vmul.f32 v6, v6;
	v2 =	vmul.f32 $5.000000000e-01, v2;
	v12 =	vld [tilespmem:s29+$0x820];
	v14 =	vadd.f32 v8, v8  }
0xfe: {  	v15 =	vld [tilespmem:s29+$0x4820];
	v1 =	vadd.f32 v10, v1;
	v4 =	vsub.f32 v7, v4;
	v3 =	vmul.f32 v11, v3  }
0xff: {  	v7 =	vmul.f32 v8, v8;
	v5 =	vmul.f32 $5.000000000e-01, v5;
	v10 =	vld [tilespmem:s29+$0x830]  }
0x100: {  	v11 =	vld [tilespmem:s29+$0x4830];
	v1 =	vadd.f32 v4, v1;
	v3 =	vsub.f32 v6, v3;
	v4 =	vmul.f32 v14, v0  }
0x101: {  	v14 =	vld [tilespmem:s29+$0x8800];
	v16 =	vadd.f32 v5, v2;
	v2 =	vmul.f32 $5.000000000e-01, v13;
	v5 =	vmul.f32 $5.000000000e-01, v9  }
.Ltmp4:
0x102: {  	v0 =	vld [tilespmem:s29+$0x8830];
	v1 =	vadd.f32 v3, v1;
	v3 =	vsub.f32 v7, v4;
	(pc) =	sbr.rel @p0 .LBB2_10-.Ltmp4, $4  }
0x103: {  	s31 =	sshra.s32 s30, $0x2;
	v4 =	vld [tilespmem:s29+$0x8810];
	v7 =	vadd.f32 v5, v2;
	v5 =	vmul.f32 $5.000000000e-01, v12;
	v6 =	vmul.f32 $5.000000000e-01, v15  }
0x104: {  	v12 =	vadd.f32 v16, v16;
	v2 =	vld [tilespmem:s31+$0x800];
	v1 =	vadd.f32 v3, v1  }
0x105: {  	v8 =	vmul.f32 $5.000000000e-01, v10;
	v3 =	vld [tilespmem:s29+$0x8820];
	v6 =	vadd.f32 v6, v5;
	v9 =	vmul.f32 $5.000000000e-01, v11;
	s29 =	smov.u32 s31  }
0x106: {  	s30 =	sadd.s32 $0x200, s30;
	v10 =	vmul.f32 v16, v16;
	v11 =	vadd.f32 v7, v7;
	v5 =	vld [tilespmem:s29+$0x4800];
	v12 =	vmul.f32 v12, v14  }
0x107: {  	v13 =	vld [tilespmem:s29+$0x810]  }
0x108: {  	v14 =	vld [tilespmem:s29+$0x4810]  }
0x109: {  	v15 =	vld [tilespmem:s29+$0x820]  }
0x10a: {  	v16 =	vld [tilespmem:s29+$0x4820]  }
0x10b: {  	v17 =	vld [tilespmem:s29+$0x830]  }
0x10c: {  	v18 =	vld [tilespmem:s29+$0x4830]  }
0x10d: {  	v19 =	vld [tilespmem:s29+$0x8800]  }
0x10e: {  	v20 =	vld [tilespmem:s29+$0x8830]  }
0x10f: {  	v21 =	vld [tilespmem:s29+$0x8810]  }
0x110: {  	v22 =	vld [tilespmem:s29+$0x8820];
	s29 =	simm.s32 $0x280  }
0x111: {  	[tilespmem:s19], [sflag:$0x1] =	stream.indirect.gather [hbm4b:s4+s18], $0x80, s29, s18, $0xb8;
	[tilespmem:$0xC880] =	vst v63  }
0x112: {  	_ = 	snop  }
0x113: {  	[tilespmem:s20], [sflag:$0x1] =	stream.indirect.gather [hbm4b:s4+s18], $0x80, s0, s18, $0xb8;
	[tilespmem:$0xC880] =	vst v63  }
0x114: {  	v7 =	vmul.f32 v7, v7;
	v10 =	vsub.f32 v10, v12;
	s29 =	simm.s32 $0x0  }
0x115: {  	v8 =	vadd.f32 v9, v8;
	v4 =	vmul.f32 v11, v4;
	v11 =	vadd.f32 v6, v6;
	[tilespmem:s21], [sflag:$0x1] =	stream.linear.gather [hbm4b:s11+s29], $0x4000, $0x38;
	[tilespmem:$0xC880] =	vst v63  }
0x116: {  	v6 =	vmul.f32 v6, v6;
	v1 =	vadd.f32 v10, v1;
	_ =	swait.ge [sflag:s22], $0x4000  }
0x117: {  	v4 =	vsub.f32 v7, v4;
	v3 =	vmul.f32 v11, v3;
	v7 =	vadd.f32 v8, v8;
	[sflag:s22] =	ssyncset.done $0x0  }
0x118: {  	v2 =	vmul.f32 $5.000000000e-01, v2;
	v5 =	vmul.f32 $5.000000000e-01, v5;
	[sflag:s22] =	ssyncadd.s32 $0xFFFFC000  }
0x119: {  	v1 =	vadd.f32 v4, v1;
	v3 =	vsub.f32 v6, v3;
	v0 =	vmul.f32 v7, v0;
	_ =	swait.ge [sflag:s22], $0x4000  }
0x11a: {  	v4 =	vmul.f32 v8, v8;
	v6 =	vmul.f32 $5.000000000e-01, v14;
	[sflag:s22] =	ssyncset.done $0x0  }
0x11b: {  	v2 =	vadd.f32 v5, v2;
	v5 =	vmul.f32 $5.000000000e-01, v13;
	v1 =	vadd.f32 v3, v1;
	[sflag:s22] =	ssyncadd.s32 $0xFFFFC000  }
0x11c: {  	v0 =	vsub.f32 v4, v0;
	v3 =	vmul.f32 $5.000000000e-01, v15;
	v4 =	vmul.f32 $5.000000000e-01, v16;
	_ =	swait.ge [sflag:s22], $0x4000  }
0x11d: {  	v5 =	vadd.f32 v6, v5;
	v6 =	vadd.f32 v2, v2;
	[sflag:s22] =	ssyncset.done $0x0  }
0x11e: {  	s30 =	simm.s32 $0x0;
	v7 =	vmul.f32 $5.000000000e-01, v18;
	v3 =	vadd.f32 v4, v3;
	v4 =	vmul.f32 $5.000000000e-01, v17;
	[sflag:s22] =	ssyncadd.s32 $0xFFFFC000  }
0x11f: {  	v2 =	vmul.f32 v2, v2;
	v6 =	vmul.f32 v6, v19;
	v8 =	vadd.f32 v5, v5;
	v9 =	vld [tilespmem:s30+$0x800]  }
0x120: {  	v0 =	vadd.f32 v0, v1;
	v1 =	vmul.f32 v5, v5;
	v4 =	vadd.f32 v7, v4;
	v5 =	vld [tilespmem:s30+$0x4800]  }
0x121: {  	v7 =	vadd.f32 v3, v3;
	v2 =	vsub.f32 v2, v6;
	v6 =	vmul.f32 v8, v21;
	v8 =	vld [tilespmem:s30+$0x810]  }
0x122: {  	v3 =	vmul.f32 v3, v3;
	v10 =	vadd.f32 v4, v4;
	v11 =	vld [tilespmem:s30+$0x4810]  }
0x123: {  	v0 =	vadd.f32 v2, v0;
	v1 =	vsub.f32 v1, v6;
	v2 =	vmul.f32 v7, v22;
	v6 =	vld [tilespmem:s30+$0x820]  }
0x124: {  	v4 =	vmul.f32 v4, v4;
	v7 =	vld [tilespmem:s30+$0x4820]  }
0x125: {  	v0 =	vadd.f32 v1, v0;
	v1 =	vsub.f32 v3, v2;
	v2 =	vmul.f32 v10, v20;
	v10 =	vld [tilespmem:s30+$0x830]  }
0x126: {  	v3 =	vmul.f32 $5.000000000e-01, v9;
	v5 =	vmul.f32 $5.000000000e-01, v5;
	v9 =	vld [tilespmem:s30+$0x4830]  }
0x127: {  	v12 =	vld [tilespmem:s30+$0x8800];
	v1 =	vadd.f32 v1, v0;
	v2 =	vsub.f32 v4, v2  }
0x128: {  	v0 =	vld [tilespmem:s30+$0x8830];
	v13 =	vadd.f32 v5, v3;
	v3 =	vmul.f32 $5.000000000e-01, v8;
	v5 =	vmul.f32 $5.000000000e-01, v11  }
0x129: {  	s29 =	simm.s32 $0x80;
	v4 =	vld [tilespmem:s30+$0x8810];
	v1 =	vadd.f32 v2, v1;
	v6 =	vmul.f32 $5.000000000e-01, v6;
	v8 =	vmul.f32 $5.000000000e-01, v7  }
0x12a: {  	v2 =	vld [tilespmem:s29+$0x800];
	v7 =	vadd.f32 v5, v3;
	v11 =	vadd.f32 v13, v13  }
0x12b: {  	v3 =	vld [tilespmem:s30+$0x8820];
	v6 =	vadd.f32 v8, v6;
	v8 =	vmul.f32 $5.000000000e-01, v10;
	v9 =	vmul.f32 $5.000000000e-01, v9  }
0x12c: {  	v5 =	vld [tilespmem:s29+$0x4800];
	s30 =	simm.s32 $0x400;
	v10 =	vmul.f32 v13, v13;
	v12 =	vmul.f32 v11, v12;
	v11 =	vadd.f32 v7, v7  }
.LBB2_12:
0x12d: {  	p0 =	sne.s32 s30, $0xFE00;
	v13 =	vld [tilespmem:s29+$0x810];
	v7 =	vmul.f32 v7, v7;
	v8 =	vadd.f32 v9, v8  }
0x12e: {  	v9 =	vld [tilespmem:s29+$0x4810];
	v10 =	vsub.f32 v10, v12;
	v4 =	vmul.f32 v11, v4;
	v11 =	vadd.f32 v6, v6  }
0x12f: {  	v6 =	vmul.f32 v6, v6;
	v2 =	vmul.f32 $5.000000000e-01, v2;
	v12 =	vld [tilespmem:s29+$0x820];
	v14 =	vadd.f32 v8, v8  }
0x130: {  	v15 =	vld [tilespmem:s29+$0x4820];
	v1 =	vadd.f32 v10, v1;
	v4 =	vsub.f32 v7, v4;
	v3 =	vmul.f32 v11, v3  }
0x131: {  	v7 =	vmul.f32 v8, v8;
	v5 =	vmul.f32 $5.000000000e-01, v5;
	v10 =	vld [tilespmem:s29+$0x830]  }
0x132: {  	v11 =	vld [tilespmem:s29+$0x4830];
	v1 =	vadd.f32 v4, v1;
	v3 =	vsub.f32 v6, v3;
	v4 =	vmul.f32 v14, v0  }
0x133: {  	v14 =	vld [tilespmem:s29+$0x8800];
	v16 =	vadd.f32 v5, v2;
	v2 =	vmul.f32 $5.000000000e-01, v13;
	v5 =	vmul.f32 $5.000000000e-01, v9  }
.Ltmp5:
0x134: {  	v0 =	vld [tilespmem:s29+$0x8830];
	v1 =	vadd.f32 v3, v1;
	v3 =	vsub.f32 v7, v4;
	(pc) =	sbr.rel @p0 .LBB2_12-.Ltmp5, $4  }
0x135: {  	s31 =	sshra.s32 s30, $0x2;
	v4 =	vld [tilespmem:s29+$0x8810];
	v7 =	vadd.f32 v5, v2;
	v5 =	vmul.f32 $5.000000000e-01, v12;
	v6 =	vmul.f32 $5.000000000e-01, v15  }
0x136: {  	v12 =	vadd.f32 v16, v16;
	v2 =	vld [tilespmem:s31+$0x800];
	v1 =	vadd.f32 v3, v1  }
0x137: {  	v8 =	vmul.f32 $5.000000000e-01, v10;
	v3 =	vld [tilespmem:s29+$0x8820];
	v6 =	vadd.f32 v6, v5;
	v9 =	vmul.f32 $5.000000000e-01, v11;
	s29 =	smov.u32 s31  }
0x138: {  	s30 =	sadd.s32 $0x200, s30;
	v10 =	vmul.f32 v16, v16;
	v11 =	vadd.f32 v7, v7;
	v5 =	vld [tilespmem:s29+$0x4800];
	v12 =	vmul.f32 v12, v14  }
0x139: {  	v13 =	vld [tilespmem:s29+$0x810]  }
0x13a: {  	v14 =	vld [tilespmem:s29+$0x4810]  }
0x13b: {  	v15 =	vld [tilespmem:s29+$0x820]  }
0x13c: {  	v16 =	vld [tilespmem:s29+$0x4820]  }
0x13d: {  	v17 =	vld [tilespmem:s29+$0x830]  }
0x13e: {  	v18 =	vld [tilespmem:s29+$0x4830]  }
0x13f: {  	v19 =	vld [tilespmem:s29+$0x8800]  }
0x140: {  	v20 =	vld [tilespmem:s29+$0x8830]  }
0x141: {  	v21 =	vld [tilespmem:s29+$0x8810]  }
0x142: {  	v22 =	vld [tilespmem:s29+$0x8820];
	[tilespmem:s19], [sflag:$0x1] =	stream.indirect.gather [hbm4b:s4+s18], $0x80, s1, s18, $0xb8  }
0x143: {  	_ = 	snop  }
0x144: {  	[tilespmem:s20], [sflag:$0x1] =	stream.indirect.gather [hbm4b:s4+s18], $0x80, s23, s18, $0xb8;
	[tilespmem:$0xC880] =	vst v63  }
0x145: {  	s29 =	simm.s32 $0x0;
	v7 =	vmul.f32 v7, v7;
	v10 =	vsub.f32 v10, v12  }
0x146: {  	v8 =	vadd.f32 v9, v8;
	v4 =	vmul.f32 v11, v4;
	v11 =	vadd.f32 v6, v6;
	[tilespmem:s21], [sflag:$0x1] =	stream.linear.gather [hbm4b:s12+s29], $0x4000, $0x38;
	[tilespmem:$0xC880] =	vst v63  }
0x147: {  	v6 =	vmul.f32 v6, v6;
	v1 =	vadd.f32 v10, v1;
	_ =	swait.ge [sflag:s22], $0x4000  }
0x148: {  	v4 =	vsub.f32 v7, v4;
	v3 =	vmul.f32 v11, v3;
	v7 =	vadd.f32 v8, v8;
	[sflag:s22] =	ssyncset.done $0x0  }
0x149: {  	v2 =	vmul.f32 $5.000000000e-01, v2;
	v5 =	vmul.f32 $5.000000000e-01, v5;
	[sflag:s22] =	ssyncadd.s32 $0xFFFFC000  }
0x14a: {  	v1 =	vadd.f32 v4, v1;
	v3 =	vsub.f32 v6, v3;
	v0 =	vmul.f32 v7, v0;
	_ =	swait.ge [sflag:s22], $0x4000  }
0x14b: {  	v4 =	vmul.f32 v8, v8;
	v6 =	vmul.f32 $5.000000000e-01, v14;
	[sflag:s22] =	ssyncset.done $0x0  }
0x14c: {  	v2 =	vadd.f32 v5, v2;
	v5 =	vmul.f32 $5.000000000e-01, v13;
	v1 =	vadd.f32 v3, v1;
	[sflag:s22] =	ssyncadd.s32 $0xFFFFC000  }
0x14d: {  	v0 =	vsub.f32 v4, v0;
	v3 =	vmul.f32 $5.000000000e-01, v15;
	v4 =	vmul.f32 $5.000000000e-01, v16;
	_ =	swait.ge [sflag:s22], $0x4000  }
0x14e: {  	v5 =	vadd.f32 v6, v5;
	v6 =	vadd.f32 v2, v2;
	[sflag:s22] =	ssyncset.done $0x0  }
0x14f: {  	s30 =	simm.s32 $0x0;
	v7 =	vmul.f32 $5.000000000e-01, v18;
	v3 =	vadd.f32 v4, v3;
	v4 =	vmul.f32 $5.000000000e-01, v17;
	[sflag:s22] =	ssyncadd.s32 $0xFFFFC000  }
0x150: {  	v2 =	vmul.f32 v2, v2;
	v6 =	vmul.f32 v6, v19;
	v8 =	vadd.f32 v5, v5;
	v9 =	vld [tilespmem:s30+$0x800]  }
0x151: {  	v0 =	vadd.f32 v0, v1;
	v1 =	vmul.f32 v5, v5;
	v4 =	vadd.f32 v7, v4;
	v5 =	vld [tilespmem:s30+$0x4800]  }
0x152: {  	v7 =	vadd.f32 v3, v3;
	v2 =	vsub.f32 v2, v6;
	v6 =	vmul.f32 v8, v21;
	v8 =	vld [tilespmem:s30+$0x810]  }
0x153: {  	v3 =	vmul.f32 v3, v3;
	v10 =	vadd.f32 v4, v4;
	v11 =	vld [tilespmem:s30+$0x4810]  }
0x154: {  	v0 =	vadd.f32 v2, v0;
	v1 =	vsub.f32 v1, v6;
	v2 =	vmul.f32 v7, v22;
	v6 =	vld [tilespmem:s30+$0x820]  }
0x155: {  	v4 =	vmul.f32 v4, v4;
	v7 =	vld [tilespmem:s30+$0x4820]  }
0x156: {  	v0 =	vadd.f32 v1, v0;
	v1 =	vsub.f32 v3, v2;
	v2 =	vmul.f32 v10, v20;
	v10 =	vld [tilespmem:s30+$0x830]  }
0x157: {  	v3 =	vmul.f32 $5.000000000e-01, v9;
	v5 =	vmul.f32 $5.000000000e-01, v5;
	v9 =	vld [tilespmem:s30+$0x4830]  }
0x158: {  	v12 =	vld [tilespmem:s30+$0x8800];
	v1 =	vadd.f32 v1, v0;
	v2 =	vsub.f32 v4, v2  }
0x159: {  	v0 =	vld [tilespmem:s30+$0x8830];
	v13 =	vadd.f32 v5, v3;
	v3 =	vmul.f32 $5.000000000e-01, v8;
	v5 =	vmul.f32 $5.000000000e-01, v11  }
0x15a: {  	s29 =	simm.s32 $0x80;
	v4 =	vld [tilespmem:s30+$0x8810];
	v6 =	vmul.f32 $5.000000000e-01, v6;
	v1 =	vadd.f32 v2, v1;
	v8 =	vmul.f32 $5.000000000e-01, v7  }
0x15b: {  	v2 =	vld [tilespmem:s29+$0x800];
	v7 =	vadd.f32 v5, v3;
	v11 =	vadd.f32 v13, v13  }
0x15c: {  	v3 =	vld [tilespmem:s30+$0x8820];
	v6 =	vadd.f32 v8, v6;
	v8 =	vmul.f32 $5.000000000e-01, v10;
	v9 =	vmul.f32 $5.000000000e-01, v9  }
0x15d: {  	v5 =	vld [tilespmem:s29+$0x4800];
	s30 =	simm.s32 $0x400;
	v10 =	vmul.f32 v13, v13;
	v12 =	vmul.f32 v11, v12;
	v11 =	vadd.f32 v7, v7  }
.LBB2_14:
0x15e: {  	p0 =	sne.s32 s30, $0xFE00;
	v13 =	vld [tilespmem:s29+$0x810];
	v7 =	vmul.f32 v7, v7;
	v8 =	vadd.f32 v9, v8  }
0x15f: {  	v9 =	vld [tilespmem:s29+$0x4810];
	v10 =	vsub.f32 v10, v12;
	v4 =	vmul.f32 v11, v4;
	v11 =	vadd.f32 v6, v6  }
0x160: {  	v6 =	vmul.f32 v6, v6;
	v2 =	vmul.f32 $5.000000000e-01, v2;
	v12 =	vld [tilespmem:s29+$0x820];
	v14 =	vadd.f32 v8, v8  }
0x161: {  	v15 =	vld [tilespmem:s29+$0x4820];
	v1 =	vadd.f32 v10, v1;
	v4 =	vsub.f32 v7, v4;
	v3 =	vmul.f32 v11, v3  }
0x162: {  	v7 =	vmul.f32 v8, v8;
	v5 =	vmul.f32 $5.000000000e-01, v5;
	v10 =	vld [tilespmem:s29+$0x830]  }
0x163: {  	v11 =	vld [tilespmem:s29+$0x4830];
	v1 =	vadd.f32 v4, v1;
	v3 =	vsub.f32 v6, v3;
	v4 =	vmul.f32 v14, v0  }
0x164: {  	v14 =	vld [tilespmem:s29+$0x8800];
	v16 =	vadd.f32 v5, v2;
	v2 =	vmul.f32 $5.000000000e-01, v13;
	v5 =	vmul.f32 $5.000000000e-01, v9  }
.Ltmp6:
0x165: {  	v0 =	vld [tilespmem:s29+$0x8830];
	v1 =	vadd.f32 v3, v1;
	v3 =	vsub.f32 v7, v4;
	(pc) =	sbr.rel @p0 .LBB2_14-.Ltmp6, $4  }
0x166: {  	s31 =	sshra.s32 s30, $0x2;
	v4 =	vld [tilespmem:s29+$0x8810];
	v7 =	vadd.f32 v5, v2;
	v5 =	vmul.f32 $5.000000000e-01, v12;
	v6 =	vmul.f32 $5.000000000e-01, v15  }
0x167: {  	v12 =	vadd.f32 v16, v16;
	v2 =	vld [tilespmem:s31+$0x800];
	v1 =	vadd.f32 v3, v1  }
0x168: {  	v8 =	vmul.f32 $5.000000000e-01, v10;
	v3 =	vld [tilespmem:s29+$0x8820];
	v6 =	vadd.f32 v6, v5;
	v9 =	vmul.f32 $5.000000000e-01, v11;
	s29 =	smov.u32 s31  }
0x169: {  	s30 =	sadd.s32 $0x200, s30;
	v10 =	vmul.f32 v16, v16;
	v11 =	vadd.f32 v7, v7;
	v5 =	vld [tilespmem:s29+$0x4800];
	v12 =	vmul.f32 v12, v14  }
0x16a: {  	v13 =	vld [tilespmem:s29+$0x810]  }
0x16b: {  	v14 =	vld [tilespmem:s29+$0x4810]  }
0x16c: {  	v15 =	vld [tilespmem:s29+$0x820]  }
0x16d: {  	v16 =	vld [tilespmem:s29+$0x4820]  }
0x16e: {  	v17 =	vld [tilespmem:s29+$0x830]  }
0x16f: {  	v18 =	vld [tilespmem:s29+$0x4830]  }
0x170: {  	v19 =	vld [tilespmem:s29+$0x8800]  }
0x171: {  	v20 =	vld [tilespmem:s29+$0x8830]  }
0x172: {  	v21 =	vld [tilespmem:s29+$0x8810]  }
0x173: {  	v22 =	vld [tilespmem:s29+$0x8820];
	[tilespmem:s19], [sflag:$0x1] =	stream.indirect.gather [hbm4b:s4+s18], $0x80, s24, s18, $0xb8  }
0x174: {  	_ = 	snop  }
0x175: {  	[tilespmem:s20], [sflag:$0x1] =	stream.indirect.gather [hbm4b:s4+s18], $0x80, s25, s18, $0xb8;
	[tilespmem:$0xC880] =	vst v63  }
0x176: {  	s29 =	simm.s32 $0x0;
	v7 =	vmul.f32 v7, v7;
	v10 =	vsub.f32 v10, v12  }
0x177: {  	v8 =	vadd.f32 v9, v8;
	v4 =	vmul.f32 v11, v4;
	v11 =	vadd.f32 v6, v6;
	[tilespmem:s21], [sflag:$0x1] =	stream.linear.gather [hbm4b:s13+s29], $0x4000, $0x38;
	[tilespmem:$0xC880] =	vst v63  }
0x178: {  	v6 =	vmul.f32 v6, v6;
	v1 =	vadd.f32 v10, v1;
	_ =	swait.ge [sflag:s22], $0x4000  }
0x179: {  	v4 =	vsub.f32 v7, v4;
	v3 =	vmul.f32 v11, v3;
	v7 =	vadd.f32 v8, v8;
	[sflag:s22] =	ssyncset.done $0x0  }
0x17a: {  	v2 =	vmul.f32 $5.000000000e-01, v2;
	v5 =	vmul.f32 $5.000000000e-01, v5;
	[sflag:s22] =	ssyncadd.s32 $0xFFFFC000  }
0x17b: {  	v1 =	vadd.f32 v4, v1;
	v3 =	vsub.f32 v6, v3;
	v0 =	vmul.f32 v7, v0;
	_ =	swait.ge [sflag:s22], $0x4000  }
0x17c: {  	v4 =	vmul.f32 v8, v8;
	v6 =	vmul.f32 $5.000000000e-01, v14;
	[sflag:s22] =	ssyncset.done $0x0  }
0x17d: {  	v2 =	vadd.f32 v5, v2;
	v5 =	vmul.f32 $5.000000000e-01, v13;
	v1 =	vadd.f32 v3, v1;
	[sflag:s22] =	ssyncadd.s32 $0xFFFFC000  }
0x17e: {  	v0 =	vsub.f32 v4, v0;
	v3 =	vmul.f32 $5.000000000e-01, v15;
	v4 =	vmul.f32 $5.000000000e-01, v16;
	_ =	swait.ge [sflag:s22], $0x4000  }
0x17f: {  	v5 =	vadd.f32 v6, v5;
	v6 =	vadd.f32 v2, v2;
	[sflag:s22] =	ssyncset.done $0x0  }
0x180: {  	s30 =	simm.s32 $0x0;
	v7 =	vmul.f32 $5.000000000e-01, v18;
	v3 =	vadd.f32 v4, v3;
	v4 =	vmul.f32 $5.000000000e-01, v17;
	[sflag:s22] =	ssyncadd.s32 $0xFFFFC000  }
0x181: {  	v2 =	vmul.f32 v2, v2;
	v6 =	vmul.f32 v6, v19;
	v8 =	vadd.f32 v5, v5;
	v9 =	vld [tilespmem:s30+$0x800]  }
0x182: {  	v0 =	vadd.f32 v0, v1;
	v1 =	vmul.f32 v5, v5;
	v4 =	vadd.f32 v7, v4;
	v5 =	vld [tilespmem:s30+$0x4800]  }
0x183: {  	v7 =	vadd.f32 v3, v3;
	v2 =	vsub.f32 v2, v6;
	v6 =	vmul.f32 v8, v21;
	v8 =	vld [tilespmem:s30+$0x810]  }
0x184: {  	v3 =	vmul.f32 v3, v3;
	v10 =	vadd.f32 v4, v4;
	v11 =	vld [tilespmem:s30+$0x4810]  }
0x185: {  	v0 =	vadd.f32 v2, v0;
	v1 =	vsub.f32 v1, v6;
	v2 =	vmul.f32 v7, v22;
	v6 =	vld [tilespmem:s30+$0x820]  }
0x186: {  	v4 =	vmul.f32 v4, v4;
	v7 =	vld [tilespmem:s30+$0x4820]  }
0x187: {  	v0 =	vadd.f32 v1, v0;
	v1 =	vsub.f32 v3, v2;
	v2 =	vmul.f32 v10, v20;
	v10 =	vld [tilespmem:s30+$0x830]  }
0x188: {  	v3 =	vmul.f32 $5.000000000e-01, v9;
	v5 =	vmul.f32 $5.000000000e-01, v5;
	v9 =	vld [tilespmem:s30+$0x4830]  }
0x189: {  	v12 =	vld [tilespmem:s30+$0x8800];
	v1 =	vadd.f32 v1, v0;
	v2 =	vsub.f32 v4, v2  }
0x18a: {  	v0 =	vld [tilespmem:s30+$0x8830];
	v13 =	vadd.f32 v5, v3;
	v3 =	vmul.f32 $5.000000000e-01, v8;
	v5 =	vmul.f32 $5.000000000e-01, v11  }
0x18b: {  	s29 =	simm.s32 $0x80;
	v4 =	vld [tilespmem:s30+$0x8810];
	v6 =	vmul.f32 $5.000000000e-01, v6;
	v1 =	vadd.f32 v2, v1;
	v8 =	vmul.f32 $5.000000000e-01, v7  }
0x18c: {  	v7 =	vadd.f32 v5, v3;
	v3 =	vld [tilespmem:s29+$0x800];
	v11 =	vadd.f32 v13, v13  }
0x18d: {  	v2 =	vld [tilespmem:s30+$0x8820];
	v6 =	vadd.f32 v8, v6;
	v8 =	vmul.f32 $5.000000000e-01, v10;
	v9 =	vmul.f32 $5.000000000e-01, v9  }
0x18e: {  	s30 =	simm.s32 $0x400;
	v5 =	vld [tilespmem:s29+$0x4800];
	v10 =	vmul.f32 v13, v13;
	v11 =	vmul.f32 v11, v12;
	v12 =	vadd.f32 v7, v7  }
.LBB2_16:
0x18f: {  	p0 =	sne.s32 s30, $0xFE00;
	v13 =	vld [tilespmem:s29+$0x810];
	v7 =	vmul.f32 v7, v7;
	v8 =	vadd.f32 v9, v8  }
0x190: {  	v9 =	vld [tilespmem:s29+$0x4810];
	v10 =	vsub.f32 v10, v11;
	v4 =	vmul.f32 v12, v4;
	v11 =	vadd.f32 v6, v6  }
0x191: {  	v6 =	vmul.f32 v6, v6;
	v3 =	vmul.f32 $5.000000000e-01, v3;
	v12 =	vld [tilespmem:s29+$0x820];
	v14 =	vadd.f32 v8, v8  }
0x192: {  	v15 =	vld [tilespmem:s29+$0x4820];
	v1 =	vadd.f32 v10, v1;
	v4 =	vsub.f32 v7, v4;
	v2 =	vmul.f32 v11, v2  }
0x193: {  	v7 =	vmul.f32 v8, v8;
	v5 =	vmul.f32 $5.000000000e-01, v5;
	v10 =	vld [tilespmem:s29+$0x830]  }
0x194: {  	v11 =	vld [tilespmem:s29+$0x4830];
	v1 =	vadd.f32 v4, v1;
	v2 =	vsub.f32 v6, v2;
	v4 =	vmul.f32 v14, v0  }
0x195: {  	v14 =	vld [tilespmem:s29+$0x8800];
	v16 =	vadd.f32 v5, v3;
	v3 =	vmul.f32 $5.000000000e-01, v13;
	v5 =	vmul.f32 $5.000000000e-01, v9  }
.Ltmp7:
0x196: {  	v0 =	vld [tilespmem:s29+$0x8830];
	v1 =	vadd.f32 v2, v1;
	v2 =	vsub.f32 v7, v4;
	(pc) =	sbr.rel @p0 .LBB2_16-.Ltmp7, $4  }
0x197: {  	s31 =	sshra.s32 s30, $0x2;
	v4 =	vld [tilespmem:s29+$0x8810];
	v7 =	vadd.f32 v5, v3;
	v5 =	vmul.f32 $5.000000000e-01, v12;
	v6 =	vmul.f32 $5.000000000e-01, v15  }
0x198: {  	v12 =	vadd.f32 v16, v16;
	v3 =	vld [tilespmem:s31+$0x800];
	v1 =	vadd.f32 v2, v1  }
0x199: {  	v8 =	vmul.f32 $5.000000000e-01, v10;
	v2 =	vld [tilespmem:s29+$0x8820];
	v6 =	vadd.f32 v6, v5;
	v9 =	vmul.f32 $5.000000000e-01, v11;
	s29 =	smov.u32 s31  }
0x19a: {  	s30 =	sadd.s32 $0x200, s30;
	v10 =	vmul.f32 v16, v16;
	v5 =	vld [tilespmem:s29+$0x4800];
	v11 =	vmul.f32 v12, v14;
	v12 =	vadd.f32 v7, v7  }
0x19b: {  	v13 =	vld [tilespmem:s29+$0x810]  }
0x19c: {  	v7 =	vmul.f32 v7, v7;
	v14 =	vld [tilespmem:s29+$0x4810];
	v8 =	vadd.f32 v9, v8  }
0x19d: {  	v35 =	vadd.f32 v6, v6;
	v36 =	vld [tilespmem:s29+$0x820];
	v10 =	vsub.f32 v10, v11;
	v4 =	vmul.f32 v12, v4  }
0x19e: {  	v37 =	vmul.f32 v6, v6;
	v38 =	vld [tilespmem:s29+$0x4820];
	v3 =	vmul.f32 $5.000000000e-01, v3;
	v39 =	vadd.f32 v8, v8  }
0x19f: {  	v40 =	vld [tilespmem:s29+$0x830];
	v1 =	vadd.f32 v10, v1;
	v4 =	vsub.f32 v7, v4;
	v2 =	vmul.f32 v35, v2  }
0x1a0: {  	v41 =	vld [tilespmem:s29+$0x4830];
	v42 =	vmul.f32 v8, v8;
	v5 =	vmul.f32 $5.000000000e-01, v5  }
0x1a1: {  	v43 =	vld [tilespmem:s29+$0x8800];
	v0 =	vmul.f32 v39, v0;
	v1 =	vadd.f32 v4, v1;
	v2 =	vsub.f32 v37, v2  }
0x1a2: {  	v44 =	vmul.f32 $5.000000000e-01, v13;
	v45 =	vmul.f32 $5.000000000e-01, v14;
	v3 =	vadd.f32 v5, v3  }
0x1a3: {  	v46 =	vld [tilespmem:s29+$0x8810];
	v47 =	vmul.f32 $5.000000000e-01, v36;
	v48 =	vmul.f32 $5.000000000e-01, v38;
	v0 =	vsub.f32 v42, v0  }
0x1a4: {  	v51 =	vmul.f32 $5.000000000e-01, v40;
	v5 =	vadd.f32 v45, v44;
	v49 =	vadd.f32 v3, v3  }
0x1a5: {  	v50 =	vld [tilespmem:s29+$0x8820];
	v52 =	vmul.f32 $5.000000000e-01, v41;
	v1 =	vadd.f32 v2, v1;
	v4 =	vadd.f32 v48, v47  }
0x1a6: {  	v3 =	vmul.f32 v3, v3;
	v53 =	vadd.f32 v5, v5;
	v6 =	vmul.f32 v49, v43  }
0x1a7: {  	v54 =	vld [tilespmem:s29+$0x8830];
	v56 =	vadd.f32 v52, v51;
	v0 =	vadd.f32 v0, v1;
	v55 =	vmul.f32 v5, v5  }
0x1a8: {  	v57 =	vadd.f32 v4, v4;
	v2 =	vmul.f32 v53, v46;
	v3 =	vsub.f32 v3, v6  }
0x1a9: {  	v4 =	vmul.f32 v4, v4;
	v58 =	vadd.f32 v56, v56  }
0x1aa: {  	v59 =	vmul.f32 v57, v50;
	v1 =	vsub.f32 v55, v2;
	v0 =	vadd.f32 v3, v0  }
0x1ab: {  	v60 =	vmul.f32 v56, v56  }
0x1ac: {  	v62 =	vmul.f32 v58, v54;
	v61 =	vsub.f32 v4, v59;
	v0 =	vadd.f32 v1, v0;
	_ =	sdelay $0x1  }
0x1ad: {  	v63 =	vsub.f32 v60, v62;
	v0 =	vadd.f32 v61, v0;
	_ =	sdelay $0x1  }
0x1ae: {  	s28 =	sadd.s32 $0x1, s28;
	v0 =	vadd.f32 v63, v0  }
0x1af: {  	p0 =	sne.s32 s28, s15  }
.Ltmp8:
0x1b0: {  	[tilespmem:$0xC800] =	vst v0;
	(pc) =	sbr.rel @p0 .LBB2_1-.Ltmp8, $4  }
0x1b1: {  	[hbm4b:s14+s3] =	stream.linear.scatter [tilespmem:s26], [sflag:$0x2], $0x80, $0x38;
	[tilespmem:$0xC880] =	vst v63  }
0x1b2: {  	_ =	swait.ge [sflag:s16], $0x80  }
0x1b3: {  	[sflag:s16] =	ssyncset.done $0x0  }
0x1b4: {  	[sflag:s16] =	ssyncadd.s32 $0xFFFFFF80  }
0x1b5: {  	_ =	sfence.sel $0x180000  }
0x1b6: {  	[bflag:$0x0] =	sbarrier.arrive $0xFFFF  }
0x1b7: {  	_ =	strace $0x90000047  }
0x1b8: {  	s0 =	stileid.u32;
	[bflag:$0x2] =	sbarrier.arrive $0xFFFF  }
0x1b9: {  	p0 =	sne.s32 s0, $0x0;
	s0 =	rddreg [dreg:$0x2]  }
0x1ba: {  	s0 =	sadd.s32 @!p0 $0x100000, s0  }
0x1bb: {  	[sflag:s0] =	ssyncadd.tile.s32 @!p0 $0x1;
	_ =	shalt  }
.Lfunc_end2:
_tile_overlayer_lowered:
.L_overlay_start_2:
0x1bc: {  	(tag) =	ssettag $0x2  }
0x1bd: {  	s0 =	rddreg [dreg:$0x0];
	s2 =	stileid.u32  }
0x1be: {  	s1 =	rddreg [dreg:$0x1];
	p0 =	sne.s32 s2, $0x0  }
0x1bf: {  	s3 =	rddreg [dreg:$0x2];
	[bflag:$0x3] =	sbarrier.arrive $0xFFFF;
	s2 =	simm.s32 @!p0 $0x1C02  }
0x1c0: {  	[timem:s3], [sflag:s2] =	dma.local @!p0 [hbm:s0], s1  }
0x1c1: {  	s0 =	simm.s32 @!p0 $0x2  }
0x1c2: {  	_ =	swait.ge @!p0 [sflag:s0], s1  }
0x1c3: {  	s1 =	ssub.s32 @!p0 $0x0, s1;
	[sflag:s0] =	ssyncset.done @!p0 $0x0  }
0x1c4: {  	[sflag:s0] =	ssyncadd.s32 @!p0 s1  }
0x1c5: {  	[bflag:$0x3] =	sbarrier.arrive $0xFFFF  }
0x1c6: {  	_ =	shalt  }

</sc_bundles>
